<compile_context>
chip_gen: v7x
topology: tpu7x:2x2x1
jax: 0.10.2.dev20260603
libtpu: 0.0.44.dev20260713+nightly
codegen_flags: <defaults>
</compile_context>

<pallas_src>
import functools

import jax
import jax.numpy as jnp
from jax import lax
from jax.experimental import pallas as pl
from jax.experimental.pallas import tpu as pltpu
from jax.experimental.pallas import tpu_sc as plsc

NUM_E = 64
K2 = 2
DIM = 768
NTOK = 4096
NASSIGN = NTOK * K2
BLK = 128
NBLK = NASSIGN // BLK + NUM_E
NPAD = NBLK * BLK


def _router_body(x_ref, q_ref, wg_ref, tg_ref, idx_ref, g_ref, loss_ref):
    logits = (
        jnp.dot(x_ref[...], wg_ref[...], preferred_element_type=jnp.float32)
        + jnp.dot(q_ref[...], tg_ref[...], preferred_element_type=jnp.float32)
    )
    cols = lax.broadcasted_iota(jnp.int32, logits.shape, 1)
    a1 = jnp.argmax(logits, axis=1).astype(jnp.int32)
    m1 = jnp.max(logits, axis=1)
    masked = jnp.where(cols == a1[:, None], -jnp.inf, logits)
    a2 = jnp.argmax(masked, axis=1).astype(jnp.int32)
    m2 = jnp.max(masked, axis=1)
    e2 = jnp.exp(m2 - m1)
    denom = 1.0 + e2
    g1 = 1.0 / denom
    g2 = e2 / denom

    idx_ref[...] = jnp.concatenate([a1[:, None], a2[:, None]], axis=1)
    g_ref[...] = jnp.concatenate([g1[:, None], g2[:, None]], axis=1)

    gates = jnp.where(cols == a1[:, None], g1[:, None], 0.0) + jnp.where(
        cols == a2[:, None], g2[:, None], 0.0
    )
    importance = jnp.sum(gates, axis=0)
    load = jnp.sum((gates > 0.0).astype(jnp.float32), axis=0)

    def cv2(v):
        n = float(NUM_E)
        mean = jnp.sum(v) / n
        var = jnp.sum((v - mean) ** 2) / (n - 1.0)
        return var / (mean * mean + 1e-10)

    loss = (cv2(importance) + cv2(load)) * 0.01
    loss_ref[...] = jnp.full((1, 1), loss, dtype=jnp.float32)


def _router(x, query, w_gate, task_gate, *, interpret=False):
    return pl.pallas_call(
        _router_body,
        out_shape=(
            jax.ShapeDtypeStruct((NTOK, K2), jnp.int32),
            jax.ShapeDtypeStruct((NTOK, K2), jnp.float32),
            jax.ShapeDtypeStruct((1, 1), jnp.float32),
        ),
        interpret=interpret,
    )(x, query, w_gate, task_gate)


def _ffn_body(ea_ref, xs_ref, w1_ref, b1_ref, w2_ref, b2_ref, g_ref, out_ref):
    xb = xs_ref[...]
    h = lax.dot_general(
        xb, w1_ref[0], (((1,), (1,)), ((), ())), preferred_element_type=jnp.float32
    )
    h = jnp.maximum(h + b1_ref[0], 0.0)
    o = lax.dot_general(
        h, w2_ref[0], (((1,), (1,)), ((), ())), preferred_element_type=jnp.float32
    )
    out_ref[...] = (o + b2_ref[0]) * g_ref[...]


def _ffn(blk_expert, xs, W1, b1, W2, b2, g_pad, *, interpret=False):
    grid_spec = pltpu.PrefetchScalarGridSpec(
        num_scalar_prefetch=1,
        grid=(NBLK,),
        in_specs=[
            pl.BlockSpec((BLK, DIM), lambda i, ea: (i, 0)),
            pl.BlockSpec((1, DIM, DIM), lambda i, ea: (ea[i], 0, 0)),
            pl.BlockSpec((1, 1, DIM), lambda i, ea: (ea[i], 0, 0)),
            pl.BlockSpec((1, DIM, DIM), lambda i, ea: (ea[i], 0, 0)),
            pl.BlockSpec((1, 1, DIM), lambda i, ea: (ea[i], 0, 0)),
            pl.BlockSpec((BLK, 1), lambda i, ea: (i, 0)),
        ],
        out_specs=pl.BlockSpec((BLK, DIM), lambda i, ea: (i, 0)),
    )
    return pl.pallas_call(
        _ffn_body,
        grid_spec=grid_spec,
        out_shape=jax.ShapeDtypeStruct((NPAD, DIM), jnp.float32),
        interpret=interpret,
    )(
        blk_expert,
        xs,
        W1,
        b1.reshape(NUM_E, 1, DIM),
        W2,
        b2.reshape(NUM_E, 1, DIM),
        g_pad,
    )


_SC_CHUNK = 64


def _gather_rows(table, idx):
    m = idx.shape[0]
    nc, ns = 2, 16
    nw = nc * ns
    per_w = m // nw
    assert per_w % _SC_CHUNK == 0
    mesh = plsc.VectorSubcoreMesh(core_axis_name="c", subcore_axis_name="s")

    nch = per_w // _SC_CHUNK

    def body(table_hbm, idx_hbm, out_hbm, idx_v, rows0, rows1, sem0, sem1):
        wid = lax.axis_index("s") * nc + lax.axis_index("c")
        base = wid * per_w
        pltpu.sync_copy(idx_hbm.at[pl.ds(base, per_w)], idx_v)
        rows = (rows0, rows1)
        sems = (sem0, sem1)
        cps = {}
        for i in range(nch):
            b = i % 2
            cps[i] = pltpu.async_copy(
                table_hbm.at[idx_v.at[pl.ds(i * _SC_CHUNK, _SC_CHUNK)]],
                rows[b],
                sems[b],
            )
            if i >= 1:
                cps[i - 1].wait()
                pltpu.sync_copy(
                    rows[(i - 1) % 2],
                    out_hbm.at[pl.ds(base + (i - 1) * _SC_CHUNK, _SC_CHUNK)],
                )
        cps[nch - 1].wait()
        pltpu.sync_copy(
            rows[(nch - 1) % 2],
            out_hbm.at[pl.ds(base + (nch - 1) * _SC_CHUNK, _SC_CHUNK)],
        )

    return pl.kernel(
        body,
        out_type=jax.ShapeDtypeStruct((m, DIM), jnp.float32),
        mesh=mesh,
        scratch_types=[
            pltpu.VMEM((per_w,), jnp.int32),
            pltpu.VMEM((_SC_CHUNK, DIM), jnp.float32),
            pltpu.VMEM((_SC_CHUNK, DIM), jnp.float32),
            pltpu.SemaphoreType.DMA,
            pltpu.SemaphoreType.DMA,
        ],
    )(table, idx)


def _route_meta(idx, g):
    i32 = jnp.int32
    flat_e = idx.reshape(-1)
    order = jnp.argsort(flat_e, stable=True).astype(i32)
    se = jnp.take(flat_e, order)
    st = (order // K2).astype(i32)
    gs = jnp.take(g.reshape(-1), order)
    off = jnp.searchsorted(se, jnp.arange(NUM_E + 1, dtype=i32)).astype(i32)
    cnt = off[1:] - off[:-1]
    nb = (cnt + BLK - 1) // BLK
    blk_start = jnp.concatenate(
        [jnp.zeros((1,), i32), jnp.cumsum(nb).astype(i32)]
    )[:NUM_E]
    blk_expert = jnp.repeat(
        jnp.arange(NUM_E, dtype=i32), nb, total_repeat_length=NBLK
    )
    p = jnp.arange(NPAD, dtype=i32)
    e_of_p = blk_expert[p // BLK]
    r = p - blk_start[e_of_p] * BLK
    j = off[e_of_p] + r
    valid = r < cnt[e_of_p]
    jc = jnp.clip(j, 0, NASSIGN - 1)
    st_pad = jnp.where(valid, st[jc], p & (NTOK - 1))
    g_pad = jnp.where(valid, gs[jc], 0.0)
    p_sorted = blk_start[se] * BLK + (jnp.arange(NASSIGN, dtype=i32) - off[se])
    inv = jnp.argsort(order).astype(i32)
    pos_flat = jnp.take(p_sorted, inv)
    posA = pos_flat[0::2]
    posB = pos_flat[1::2]
    return blk_expert, st_pad, g_pad, posA, posB


@jax.jit
def kernel(query, x, w_gate, task_gate, W1, b1, W2, b2):
    idx, g, loss = _router(x, query, w_gate, task_gate)
    blk_expert, st_pad, g_pad, posA, posB = _route_meta(idx, g)
    xs = _gather_rows(x, st_pad)
    os = _ffn(blk_expert, xs, W1, b1, W2, b2, g_pad.reshape(NPAD, 1))
    ab = _gather_rows(os, jnp.concatenate([posA, posB]))
    y = ab[:NTOK] + ab[NTOK:]
    return (y, loss[0, 0])

# --- scband reference (transcript-rebuilt; emitter-appended) ---
"""Pipeline reference for scband-mo-e-11235634446828 (READ-ONLY COPY).

The authoritative reference and input builder live on the scoring server;
editing this copy changes nothing except your own understanding.
"""

import jax, jax.numpy as jnp
import numpy as np

NUM_EXPERTS = 64
K = 2
D = 768
N_TOK = 4096


def cv_squared(v):
    eps = 1e-10
    return jnp.var(v, ddof=1) / (jnp.mean(v) ** 2 + eps)


def setup_inputs(seed: int = 0):
    key = jax.random.key(seed)
    ks = jax.random.split(key, 8)
    query = jax.random.normal(ks[0], (N_TOK, D), dtype=jnp.float32)
    x = jax.random.normal(ks[1], (N_TOK, D), dtype=jnp.float32)
    # gating weights: torch init is zeros (degenerate routing); use small random init
    # so routing is realistic while keeping the same math.
    w_gate = jax.random.normal(ks[2], (D, NUM_EXPERTS), dtype=jnp.float32) * 0.02
    task_gate = jax.random.normal(ks[3], (D, NUM_EXPERTS), dtype=jnp.float32) * 0.02
    s = 1.0 / np.sqrt(D)
    W1 = jax.random.uniform(ks[4], (NUM_EXPERTS, D, D), minval=-s, maxval=s, dtype=jnp.float32)
    b1 = jax.random.uniform(ks[5], (NUM_EXPERTS, D), minval=-s, maxval=s, dtype=jnp.float32)
    W2 = jax.random.uniform(ks[6], (NUM_EXPERTS, D, D), minval=-s, maxval=s, dtype=jnp.float32)
    b2 = jax.random.uniform(ks[7], (NUM_EXPERTS, D), minval=-s, maxval=s, dtype=jnp.float32)
    return {"query": query, "x": x, "w_gate": w_gate, "task_gate": task_gate,
            "W1": W1, "b1": b1, "W2": W2, "b2": b2}


def reference(query, x, w_gate, task_gate, W1, b1, W2, b2):
    # eval-path of noisy_top_k_gating (noisy_gating=False => clean logits, load = gates_to_load)
    N = x.shape[0]
    logits = x @ w_gate + query @ task_gate
    top_logits, top_indices = jax.lax.top_k(logits, min(K + 1, NUM_EXPERTS))
    top_k_logits = top_logits[:, :K]
    top_k_indices = top_indices[:, :K]
    top_k_gates = jax.nn.softmax(top_k_logits, axis=1)
    gates = jnp.zeros_like(logits).at[jnp.arange(N)[:, None], top_k_indices].set(top_k_gates)
    importance = gates.sum(0)
    load = jnp.sum((gates > 0).astype(jnp.float32), axis=0)
    loss = (cv_squared(importance) + cv_squared(load)) * 0.01
    # SparseDispatcher: sort (token, expert) assignments by expert, run experts, index_add combine
    flat_expert = top_k_indices.reshape(-1)
    flat_token = jnp.repeat(jnp.arange(N), K)
    order = jnp.argsort(flat_expert, stable=True)
    se = flat_expert[order]
    st = flat_token[order]

    def expert_fwd(p):
        eW1, eb1, eW2, eb2 = p
        h = jax.nn.relu(x @ eW1.T + eb1)
        return h @ eW2.T + eb2

    out_all = jax.lax.map(expert_fwd, (W1, b1, W2, b2))
    stitched = out_all[se, st]
    nz_gates = gates[st, se][:, None]
    stitched = stitched * nz_gates
    y = jnp.zeros((N, D), dtype=jnp.float32).at[st].add(stitched)
    return (y, loss)

if __name__ == "__main__":
    import jax
    _d = setup_inputs()
    print(jax.jit(kernel)(*tuple(_d.values())))

</pallas_src>

<mosaic_0001>
#map = affine_map<(d0, d1) -> (0, 0)>
#map1 = affine_map<(d0, d1) -> (0)>
module attributes {stable_mosaic.version = 14 : i64} {
  func.func @body(%arg0: i32, %arg1: i32, %arg2: memref<4096x768xf32, #tpu.memory_space<hbm>>, %arg3: memref<16384xi32, #tpu.memory_space<hbm>>, %arg4: memref<16384x768xf32, #tpu.memory_space<hbm>>, %arg5: memref<512xi32, #tpu.memory_space<vmem>>, %arg6: memref<64x768xf32, #tpu.memory_space<vmem>>, %arg7: memref<64x768xf32, #tpu.memory_space<vmem>>, %arg8: memref<!tpu.dma_semaphore, #tpu.memory_space<semaphore_mem>>, %arg9: memref<!tpu.dma_semaphore, #tpu.memory_space<semaphore_mem>>) attributes {dimension_semantics = [#tpu.dimension_semantics<core_parallel>, #tpu.dimension_semantics<subcore_parallel>], iteration_bounds = array<i64: 2, 16>, scalar_prefetch = 0 : i64, scratch_operands = 5 : i64, tpu.core_type = #tpu.core_type<sc_vector_subcore>, window_params = [{transform_indices = #map}, {transform_indices = #map1}, {transform_indices = #map}]} {
    %mul3A = arith.constant 2 : i32
    %mul3A_0 = arith.muli %arg1, %mul3A : i32
    %add3A = arith.addi %mul3A_0, %arg0 : i32
    %mul3A_1 = arith.constant 512 : i32
    %mul3A_2 = arith.muli %add3A, %mul3A_1 : i32
    "tpu.region"() ({
      %run_scoped3A = tpu.sem_alloc : memref<!tpu.dma_semaphore, #tpu.memory_space<semaphore_mem>>
      %dma_start3A_97 = tpu.memref_slice %arg3[%mul3A_2] : memref<16384xi32, #tpu.memory_space<hbm>> -> memref<512xi32, #tpu.memory_space<hbm>>
      %dma_start3A_98 = tpu.memref_slice %arg3[%mul3A_2] : memref<16384xi32, #tpu.memory_space<hbm>> -> memref<512xi32, #tpu.memory_space<hbm>>
      tpu.enqueue_dma source(%dma_start3A_98 : memref<512xi32, #tpu.memory_space<hbm>>) target(%arg5 : memref<512xi32, #tpu.memory_space<vmem>>) target_semaphore(%run_scoped3A : memref<!tpu.dma_semaphore, #tpu.memory_space<semaphore_mem>>)
      %dma_wait3A_99 = tpu.memref_slice %arg3[%mul3A_2] : memref<16384xi32, #tpu.memory_space<hbm>> -> memref<512xi32, #tpu.memory_space<hbm>>
      %dma_wait3A_100 = tpu.memref_slice %arg3[%mul3A_2] : memref<16384xi32, #tpu.memory_space<hbm>> -> memref<512xi32, #tpu.memory_space<hbm>>
      tpu.wait_dma2 semaphore(%run_scoped3A : memref<!tpu.dma_semaphore, #tpu.memory_space<semaphore_mem>>) src(%dma_wait3A_100 : memref<512xi32, #tpu.memory_space<hbm>>) dst(%arg5 : memref<512xi32, #tpu.memory_space<vmem>>)
      tpu.yield
    }) : () -> ()
    %dma_start3A = arith.constant 0 : i32
    %dma_start3A_3 = tpu.memref_slice %arg5[%dma_start3A] : memref<512xi32, #tpu.memory_space<vmem>> -> memref<64xi32, #tpu.memory_space<vmem>>
    %dma_start3A_4 = arith.constant 0 : i32
    %dma_start3A_5 = arith.constant 0 : i32
    %dma_start3A_6 = tpu.memref_slice %arg2[%dma_start3A_4, %dma_start3A_5] : memref<4096x768xf32, #tpu.memory_space<hbm>> -> memref<4096x768xf32, #tpu.memory_space<hbm>>
    tpu.enqueue_indirect_dma source(%dma_start3A_6 : memref<4096x768xf32, #tpu.memory_space<hbm>>) target(%arg6 : memref<64x768xf32, #tpu.memory_space<vmem>>) offsets(%dma_start3A_3 : memref<64xi32, #tpu.memory_space<vmem>>) semaphore(%arg8 : memref<!tpu.dma_semaphore, #tpu.memory_space<semaphore_mem>>)
    %dma_start3A_7 = arith.constant 64 : i32
    %dma_start3A_8 = tpu.memref_slice %arg5[%dma_start3A_7] : memref<512xi32, #tpu.memory_space<vmem>> -> memref<64xi32, #tpu.memory_space<vmem>>
    %dma_start3A_9 = arith.constant 0 : i32
    %dma_start3A_10 = arith.constant 0 : i32
    %dma_start3A_11 = tpu.memref_slice %arg2[%dma_start3A_9, %dma_start3A_10] : memref<4096x768xf32, #tpu.memory_space<hbm>> -> memref<4096x768xf32, #tpu.memory_space<hbm>>
    tpu.enqueue_indirect_dma source(%dma_start3A_11 : memref<4096x768xf32, #tpu.memory_space<hbm>>) target(%arg7 : memref<64x768xf32, #tpu.memory_space<vmem>>) offsets(%dma_start3A_8 : memref<64xi32, #tpu.memory_space<vmem>>) semaphore(%arg9 : memref<!tpu.dma_semaphore, #tpu.memory_space<semaphore_mem>>)
    %dma_wait3A = arith.constant 0 : i32
    %dma_wait3A_12 = tpu.memref_slice %arg5[%dma_wait3A] : memref<512xi32, #tpu.memory_space<vmem>> -> memref<64xi32, #tpu.memory_space<vmem>>
    %dma_wait3A_13 = arith.constant 0 : i32
    %dma_wait3A_14 = arith.constant 0 : i32
    %dma_wait3A_15 = tpu.memref_slice %arg2[%dma_wait3A_13, %dma_wait3A_14] : memref<4096x768xf32, #tpu.memory_space<hbm>> -> memref<4096x768xf32, #tpu.memory_space<hbm>>
    tpu.wait_indirect_dma semaphore(%arg8 : memref<!tpu.dma_semaphore, #tpu.memory_space<semaphore_mem>>) src(%dma_wait3A_15 : memref<4096x768xf32, #tpu.memory_space<hbm>>) dst(%arg6 : memref<64x768xf32, #tpu.memory_space<vmem>>)
    %add3A_16 = arith.constant 0 : i32
    %add3A_17 = arith.addi %mul3A_2, %add3A_16 : i32
    "tpu.region"() ({
      %run_scoped3A = tpu.sem_alloc : memref<!tpu.dma_semaphore, #tpu.memory_space<semaphore_mem>>
      %dma_start3A_97 = arith.constant 0 : i32
      %dma_start3A_98 = tpu.memref_slice %arg4[%add3A_17, %dma_start3A_97] : memref<16384x768xf32, #tpu.memory_space<hbm>> -> memref<64x768xf32, #tpu.memory_space<hbm>>
      %dma_start3A_99 = arith.constant 0 : i32
      %dma_start3A_100 = tpu.memref_slice %arg4[%add3A_17, %dma_start3A_99] : memref<16384x768xf32, #tpu.memory_space<hbm>> -> memref<64x768xf32, #tpu.memory_space<hbm>>
      tpu.enqueue_dma source(%arg6 : memref<64x768xf32, #tpu.memory_space<vmem>>) target(%dma_start3A_100 : memref<64x768xf32, #tpu.memory_space<hbm>>) target_semaphore(%run_scoped3A : memref<!tpu.dma_semaphore, #tpu.memory_space<semaphore_mem>>)
      %dma_wait3A_101 = arith.constant 0 : i32
      %dma_wait3A_102 = tpu.memref_slice %arg4[%add3A_17, %dma_wait3A_101] : memref<16384x768xf32, #tpu.memory_space<hbm>> -> memref<64x768xf32, #tpu.memory_space<hbm>>
      %dma_wait3A_103 = arith.constant 0 : i32
      %dma_wait3A_104 = tpu.memref_slice %arg4[%add3A_17, %dma_wait3A_103] : memref<16384x768xf32, #tpu.memory_space<hbm>> -> memref<64x768xf32, #tpu.memory_space<hbm>>
      tpu.wait_dma2 semaphore(%run_scoped3A : memref<!tpu.dma_semaphore, #tpu.memory_space<semaphore_mem>>) src(%arg6 : memref<64x768xf32, #tpu.memory_space<vmem>>) dst(%dma_wait3A_104 : memref<64x768xf32, #tpu.memory_space<hbm>>)
      tpu.yield
    }) : () -> ()
    %dma_start3A_18 = arith.constant 128 : i32
    %dma_start3A_19 = tpu.memref_slice %arg5[%dma_start3A_18] : memref<512xi32, #tpu.memory_space<vmem>> -> memref<64xi32, #tpu.memory_space<vmem>>
    %dma_start3A_20 = arith.constant 0 : i32
    %dma_start3A_21 = arith.constant 0 : i32
    %dma_start3A_22 = tpu.memref_slice %arg2[%dma_start3A_20, %dma_start3A_21] : memref<4096x768xf32, #tpu.memory_space<hbm>> -> memref<4096x768xf32, #tpu.memory_space<hbm>>
    tpu.enqueue_indirect_dma source(%dma_start3A_22 : memref<4096x768xf32, #tpu.memory_space<hbm>>) target(%arg6 : memref<64x768xf32, #tpu.memory_space<vmem>>) offsets(%dma_start3A_19 : memref<64xi32, #tpu.memory_space<vmem>>) semaphore(%arg8 : memref<!tpu.dma_semaphore, #tpu.memory_space<semaphore_mem>>)
    %dma_wait3A_23 = arith.constant 64 : i32
    %dma_wait3A_24 = tpu.memref_slice %arg5[%dma_wait3A_23] : memref<512xi32, #tpu.memory_space<vmem>> -> memref<64xi32, #tpu.memory_space<vmem>>
    %dma_wait3A_25 = arith.constant 0 : i32
    %dma_wait3A_26 = arith.constant 0 : i32
    %dma_wait3A_27 = tpu.memref_slice %arg2[%dma_wait3A_25, %dma_wait3A_26] : memref<4096x768xf32, #tpu.memory_space<hbm>> -> memref<4096x768xf32, #tpu.memory_space<hbm>>
    tpu.wait_indirect_dma semaphore(%arg9 : memref<!tpu.dma_semaphore, #tpu.memory_space<semaphore_mem>>) src(%dma_wait3A_27 : memref<4096x768xf32, #tpu.memory_space<hbm>>) dst(%arg7 : memref<64x768xf32, #tpu.memory_space<vmem>>)
    %add3A_28 = arith.constant 64 : i32
    %add3A_29 = arith.addi %mul3A_2, %add3A_28 : i32
    "tpu.region"() ({
      %run_scoped3A = tpu.sem_alloc : memref<!tpu.dma_semaphore, #tpu.memory_space<semaphore_mem>>
      %dma_start3A_97 = arith.constant 0 : i32
      %dma_start3A_98 = tpu.memref_slice %arg4[%add3A_29, %dma_start3A_97] : memref<16384x768xf32, #tpu.memory_space<hbm>> -> memref<64x768xf32, #tpu.memory_space<hbm>>
      %dma_start3A_99 = arith.constant 0 : i32
      %dma_start3A_100 = tpu.memref_slice %arg4[%add3A_29, %dma_start3A_99] : memref<16384x768xf32, #tpu.memory_space<hbm>> -> memref<64x768xf32, #tpu.memory_space<hbm>>
      tpu.enqueue_dma source(%arg7 : memref<64x768xf32, #tpu.memory_space<vmem>>) target(%dma_start3A_100 : memref<64x768xf32, #tpu.memory_space<hbm>>) target_semaphore(%run_scoped3A : memref<!tpu.dma_semaphore, #tpu.memory_space<semaphore_mem>>)
      %dma_wait3A_101 = arith.constant 0 : i32
      %dma_wait3A_102 = tpu.memref_slice %arg4[%add3A_29, %dma_wait3A_101] : memref<16384x768xf32, #tpu.memory_space<hbm>> -> memref<64x768xf32, #tpu.memory_space<hbm>>
      %dma_wait3A_103 = arith.constant 0 : i32
      %dma_wait3A_104 = tpu.memref_slice %arg4[%add3A_29, %dma_wait3A_103] : memref<16384x768xf32, #tpu.memory_space<hbm>> -> memref<64x768xf32, #tpu.memory_space<hbm>>
      tpu.wait_dma2 semaphore(%run_scoped3A : memref<!tpu.dma_semaphore, #tpu.memory_space<semaphore_mem>>) src(%arg7 : memref<64x768xf32, #tpu.memory_space<vmem>>) dst(%dma_wait3A_104 : memref<64x768xf32, #tpu.memory_space<hbm>>)
      tpu.yield
    }) : () -> ()
    %dma_start3A_30 = arith.constant 192 : i32
    %dma_start3A_31 = tpu.memref_slice %arg5[%dma_start3A_30] : memref<512xi32, #tpu.memory_space<vmem>> -> memref<64xi32, #tpu.memory_space<vmem>>
    %dma_start3A_32 = arith.constant 0 : i32
    %dma_start3A_33 = arith.constant 0 : i32
    %dma_start3A_34 = tpu.memref_slice %arg2[%dma_start3A_32, %dma_start3A_33] : memref<4096x768xf32, #tpu.memory_space<hbm>> -> memref<4096x768xf32, #tpu.memory_space<hbm>>
    tpu.enqueue_indirect_dma source(%dma_start3A_34 : memref<4096x768xf32, #tpu.memory_space<hbm>>) target(%arg7 : memref<64x768xf32, #tpu.memory_space<vmem>>) offsets(%dma_start3A_31 : memref<64xi32, #tpu.memory_space<vmem>>) semaphore(%arg9 : memref<!tpu.dma_semaphore, #tpu.memory_space<semaphore_mem>>)
    %dma_wait3A_35 = arith.constant 128 : i32
    %dma_wait3A_36 = tpu.memref_slice %arg5[%dma_wait3A_35] : memref<512xi32, #tpu.memory_space<vmem>> -> memref<64xi32, #tpu.memory_space<vmem>>
    %dma_wait3A_37 = arith.constant 0 : i32
    %dma_wait3A_38 = arith.constant 0 : i32
    %dma_wait3A_39 = tpu.memref_slice %arg2[%dma_wait3A_37, %dma_wait3A_38] : memref<4096x768xf32, #tpu.memory_space<hbm>> -> memref<4096x768xf32, #tpu.memory_space<hbm>>
    tpu.wait_indirect_dma semaphore(%arg8 : memref<!tpu.dma_semaphore, #tpu.memory_space<semaphore_mem>>) src(%dma_wait3A_39 : memref<4096x768xf32, #tpu.memory_space<hbm>>) dst(%arg6 : memref<64x768xf32, #tpu.memory_space<vmem>>)
    %add3A_40 = arith.constant 128 : i32
    %add3A_41 = arith.addi %mul3A_2, %add3A_40 : i32
    "tpu.region"() ({
      %run_scoped3A = tpu.sem_alloc : memref<!tpu.dma_semaphore, #tpu.memory_space<semaphore_mem>>
      %dma_start3A_97 = arith.constant 0 : i32
      %dma_start3A_98 = tpu.memref_slice %arg4[%add3A_41, %dma_start3A_97] : memref<16384x768xf32, #tpu.memory_space<hbm>> -> memref<64x768xf32, #tpu.memory_space<hbm>>
      %dma_start3A_99 = arith.constant 0 : i32
      %dma_start3A_100 = tpu.memref_slice %arg4[%add3A_41, %dma_start3A_99] : memref<16384x768xf32, #tpu.memory_space<hbm>> -> memref<64x768xf32, #tpu.memory_space<hbm>>
      tpu.enqueue_dma source(%arg6 : memref<64x768xf32, #tpu.memory_space<vmem>>) target(%dma_start3A_100 : memref<64x768xf32, #tpu.memory_space<hbm>>) target_semaphore(%run_scoped3A : memref<!tpu.dma_semaphore, #tpu.memory_space<semaphore_mem>>)
      %dma_wait3A_101 = arith.constant 0 : i32
      %dma_wait3A_102 = tpu.memref_slice %arg4[%add3A_41, %dma_wait3A_101] : memref<16384x768xf32, #tpu.memory_space<hbm>> -> memref<64x768xf32, #tpu.memory_space<hbm>>
      %dma_wait3A_103 = arith.constant 0 : i32
      %dma_wait3A_104 = tpu.memref_slice %arg4[%add3A_41, %dma_wait3A_103] : memref<16384x768xf32, #tpu.memory_space<hbm>> -> memref<64x768xf32, #tpu.memory_space<hbm>>
      tpu.wait_dma2 semaphore(%run_scoped3A : memref<!tpu.dma_semaphore, #tpu.memory_space<semaphore_mem>>) src(%arg6 : memref<64x768xf32, #tpu.memory_space<vmem>>) dst(%dma_wait3A_104 : memref<64x768xf32, #tpu.memory_space<hbm>>)
      tpu.yield
    }) : () -> ()
    %dma_start3A_42 = arith.constant 256 : i32
    %dma_start3A_43 = tpu.memref_slice %arg5[%dma_start3A_42] : memref<512xi32, #tpu.memory_space<vmem>> -> memref<64xi32, #tpu.memory_space<vmem>>
    %dma_start3A_44 = arith.constant 0 : i32
    %dma_start3A_45 = arith.constant 0 : i32
    %dma_start3A_46 = tpu.memref_slice %arg2[%dma_start3A_44, %dma_start3A_45] : memref<4096x768xf32, #tpu.memory_space<hbm>> -> memref<4096x768xf32, #tpu.memory_space<hbm>>
    tpu.enqueue_indirect_dma source(%dma_start3A_46 : memref<4096x768xf32, #tpu.memory_space<hbm>>) target(%arg6 : memref<64x768xf32, #tpu.memory_space<vmem>>) offsets(%dma_start3A_43 : memref<64xi32, #tpu.memory_space<vmem>>) semaphore(%arg8 : memref<!tpu.dma_semaphore, #tpu.memory_space<semaphore_mem>>)
    %dma_wait3A_47 = arith.constant 192 : i32
    %dma_wait3A_48 = tpu.memref_slice %arg5[%dma_wait3A_47] : memref<512xi32, #tpu.memory_space<vmem>> -> memref<64xi32, #tpu.memory_space<vmem>>
    %dma_wait3A_49 = arith.constant 0 : i32
    %dma_wait3A_50 = arith.constant 0 : i32
    %dma_wait3A_51 = tpu.memref_slice %arg2[%dma_wait3A_49, %dma_wait3A_50] : memref<4096x768xf32, #tpu.memory_space<hbm>> -> memref<4096x768xf32, #tpu.memory_space<hbm>>
    tpu.wait_indirect_dma semaphore(%arg9 : memref<!tpu.dma_semaphore, #tpu.memory_space<semaphore_mem>>) src(%dma_wait3A_51 : memref<4096x768xf32, #tpu.memory_space<hbm>>) dst(%arg7 : memref<64x768xf32, #tpu.memory_space<vmem>>)
    %add3A_52 = arith.constant 192 : i32
    %add3A_53 = arith.addi %mul3A_2, %add3A_52 : i32
    "tpu.region"() ({
      %run_scoped3A = tpu.sem_alloc : memref<!tpu.dma_semaphore, #tpu.memory_space<semaphore_mem>>
      %dma_start3A_97 = arith.constant 0 : i32
      %dma_start3A_98 = tpu.memref_slice %arg4[%add3A_53, %dma_start3A_97] : memref<16384x768xf32, #tpu.memory_space<hbm>> -> memref<64x768xf32, #tpu.memory_space<hbm>>
      %dma_start3A_99 = arith.constant 0 : i32
      %dma_start3A_100 = tpu.memref_slice %arg4[%add3A_53, %dma_start3A_99] : memref<16384x768xf32, #tpu.memory_space<hbm>> -> memref<64x768xf32, #tpu.memory_space<hbm>>
      tpu.enqueue_dma source(%arg7 : memref<64x768xf32, #tpu.memory_space<vmem>>) target(%dma_start3A_100 : memref<64x768xf32, #tpu.memory_space<hbm>>) target_semaphore(%run_scoped3A : memref<!tpu.dma_semaphore, #tpu.memory_space<semaphore_mem>>)
      %dma_wait3A_101 = arith.constant 0 : i32
      %dma_wait3A_102 = tpu.memref_slice %arg4[%add3A_53, %dma_wait3A_101] : memref<16384x768xf32, #tpu.memory_space<hbm>> -> memref<64x768xf32, #tpu.memory_space<hbm>>
      %dma_wait3A_103 = arith.constant 0 : i32
      %dma_wait3A_104 = tpu.memref_slice %arg4[%add3A_53, %dma_wait3A_103] : memref<16384x768xf32, #tpu.memory_space<hbm>> -> memref<64x768xf32, #tpu.memory_space<hbm>>
      tpu.wait_dma2 semaphore(%run_scoped3A : memref<!tpu.dma_semaphore, #tpu.memory_space<semaphore_mem>>) src(%arg7 : memref<64x768xf32, #tpu.memory_space<vmem>>) dst(%dma_wait3A_104 : memref<64x768xf32, #tpu.memory_space<hbm>>)
      tpu.yield
    }) : () -> ()
    %dma_start3A_54 = arith.constant 320 : i32
    %dma_start3A_55 = tpu.memref_slice %arg5[%dma_start3A_54] : memref<512xi32, #tpu.memory_space<vmem>> -> memref<64xi32, #tpu.memory_space<vmem>>
    %dma_start3A_56 = arith.constant 0 : i32
    %dma_start3A_57 = arith.constant 0 : i32
    %dma_start3A_58 = tpu.memref_slice %arg2[%dma_start3A_56, %dma_start3A_57] : memref<4096x768xf32, #tpu.memory_space<hbm>> -> memref<4096x768xf32, #tpu.memory_space<hbm>>
    tpu.enqueue_indirect_dma source(%dma_start3A_58 : memref<4096x768xf32, #tpu.memory_space<hbm>>) target(%arg7 : memref<64x768xf32, #tpu.memory_space<vmem>>) offsets(%dma_start3A_55 : memref<64xi32, #tpu.memory_space<vmem>>) semaphore(%arg9 : memref<!tpu.dma_semaphore, #tpu.memory_space<semaphore_mem>>)
    %dma_wait3A_59 = arith.constant 256 : i32
    %dma_wait3A_60 = tpu.memref_slice %arg5[%dma_wait3A_59] : memref<512xi32, #tpu.memory_space<vmem>> -> memref<64xi32, #tpu.memory_space<vmem>>
    %dma_wait3A_61 = arith.constant 0 : i32
    %dma_wait3A_62 = arith.constant 0 : i32
    %dma_wait3A_63 = tpu.memref_slice %arg2[%dma_wait3A_61, %dma_wait3A_62] : memref<4096x768xf32, #tpu.memory_space<hbm>> -> memref<4096x768xf32, #tpu.memory_space<hbm>>
    tpu.wait_indirect_dma semaphore(%arg8 : memref<!tpu.dma_semaphore, #tpu.memory_space<semaphore_mem>>) src(%dma_wait3A_63 : memref<4096x768xf32, #tpu.memory_space<hbm>>) dst(%arg6 : memref<64x768xf32, #tpu.memory_space<vmem>>)
    %add3A_64 = arith.constant 256 : i32
    %add3A_65 = arith.addi %mul3A_2, %add3A_64 : i32
    "tpu.region"() ({
      %run_scoped3A = tpu.sem_alloc : memref<!tpu.dma_semaphore, #tpu.memory_space<semaphore_mem>>
      %dma_start3A_97 = arith.constant 0 : i32
      %dma_start3A_98 = tpu.memref_slice %arg4[%add3A_65, %dma_start3A_97] : memref<16384x768xf32, #tpu.memory_space<hbm>> -> memref<64x768xf32, #tpu.memory_space<hbm>>
      %dma_start3A_99 = arith.constant 0 : i32
      %dma_start3A_100 = tpu.memref_slice %arg4[%add3A_65, %dma_start3A_99] : memref<16384x768xf32, #tpu.memory_space<hbm>> -> memref<64x768xf32, #tpu.memory_space<hbm>>
      tpu.enqueue_dma source(%arg6 : memref<64x768xf32, #tpu.memory_space<vmem>>) target(%dma_start3A_100 : memref<64x768xf32, #tpu.memory_space<hbm>>) target_semaphore(%run_scoped3A : memref<!tpu.dma_semaphore, #tpu.memory_space<semaphore_mem>>)
      %dma_wait3A_101 = arith.constant 0 : i32
      %dma_wait3A_102 = tpu.memref_slice %arg4[%add3A_65, %dma_wait3A_101] : memref<16384x768xf32, #tpu.memory_space<hbm>> -> memref<64x768xf32, #tpu.memory_space<hbm>>
      %dma_wait3A_103 = arith.constant 0 : i32
      %dma_wait3A_104 = tpu.memref_slice %arg4[%add3A_65, %dma_wait3A_103] : memref<16384x768xf32, #tpu.memory_space<hbm>> -> memref<64x768xf32, #tpu.memory_space<hbm>>
      tpu.wait_dma2 semaphore(%run_scoped3A : memref<!tpu.dma_semaphore, #tpu.memory_space<semaphore_mem>>) src(%arg6 : memref<64x768xf32, #tpu.memory_space<vmem>>) dst(%dma_wait3A_104 : memref<64x768xf32, #tpu.memory_space<hbm>>)
      tpu.yield
    }) : () -> ()
    %dma_start3A_66 = arith.constant 384 : i32
    %dma_start3A_67 = tpu.memref_slice %arg5[%dma_start3A_66] : memref<512xi32, #tpu.memory_space<vmem>> -> memref<64xi32, #tpu.memory_space<vmem>>
    %dma_start3A_68 = arith.constant 0 : i32
    %dma_start3A_69 = arith.constant 0 : i32
    %dma_start3A_70 = tpu.memref_slice %arg2[%dma_start3A_68, %dma_start3A_69] : memref<4096x768xf32, #tpu.memory_space<hbm>> -> memref<4096x768xf32, #tpu.memory_space<hbm>>
    tpu.enqueue_indirect_dma source(%dma_start3A_70 : memref<4096x768xf32, #tpu.memory_space<hbm>>) target(%arg6 : memref<64x768xf32, #tpu.memory_space<vmem>>) offsets(%dma_start3A_67 : memref<64xi32, #tpu.memory_space<vmem>>) semaphore(%arg8 : memref<!tpu.dma_semaphore, #tpu.memory_space<semaphore_mem>>)
    %dma_wait3A_71 = arith.constant 320 : i32
    %dma_wait3A_72 = tpu.memref_slice %arg5[%dma_wait3A_71] : memref<512xi32, #tpu.memory_space<vmem>> -> memref<64xi32, #tpu.memory_space<vmem>>
    %dma_wait3A_73 = arith.constant 0 : i32
    %dma_wait3A_74 = arith.constant 0 : i32
    %dma_wait3A_75 = tpu.memref_slice %arg2[%dma_wait3A_73, %dma_wait3A_74] : memref<4096x768xf32, #tpu.memory_space<hbm>> -> memref<4096x768xf32, #tpu.memory_space<hbm>>
    tpu.wait_indirect_dma semaphore(%arg9 : memref<!tpu.dma_semaphore, #tpu.memory_space<semaphore_mem>>) src(%dma_wait3A_75 : memref<4096x768xf32, #tpu.memory_space<hbm>>) dst(%arg7 : memref<64x768xf32, #tpu.memory_space<vmem>>)
    %add3A_76 = arith.constant 320 : i32
    %add3A_77 = arith.addi %mul3A_2, %add3A_76 : i32
    "tpu.region"() ({
      %run_scoped3A = tpu.sem_alloc : memref<!tpu.dma_semaphore, #tpu.memory_space<semaphore_mem>>
      %dma_start3A_97 = arith.constant 0 : i32
      %dma_start3A_98 = tpu.memref_slice %arg4[%add3A_77, %dma_start3A_97] : memref<16384x768xf32, #tpu.memory_space<hbm>> -> memref<64x768xf32, #tpu.memory_space<hbm>>
      %dma_start3A_99 = arith.constant 0 : i32
      %dma_start3A_100 = tpu.memref_slice %arg4[%add3A_77, %dma_start3A_99] : memref<16384x768xf32, #tpu.memory_space<hbm>> -> memref<64x768xf32, #tpu.memory_space<hbm>>
      tpu.enqueue_dma source(%arg7 : memref<64x768xf32, #tpu.memory_space<vmem>>) target(%dma_start3A_100 : memref<64x768xf32, #tpu.memory_space<hbm>>) target_semaphore(%run_scoped3A : memref<!tpu.dma_semaphore, #tpu.memory_space<semaphore_mem>>)
      %dma_wait3A_101 = arith.constant 0 : i32
      %dma_wait3A_102 = tpu.memref_slice %arg4[%add3A_77, %dma_wait3A_101] : memref<16384x768xf32, #tpu.memory_space<hbm>> -> memref<64x768xf32, #tpu.memory_space<hbm>>
      %dma_wait3A_103 = arith.constant 0 : i32
      %dma_wait3A_104 = tpu.memref_slice %arg4[%add3A_77, %dma_wait3A_103] : memref<16384x768xf32, #tpu.memory_space<hbm>> -> memref<64x768xf32, #tpu.memory_space<hbm>>
      tpu.wait_dma2 semaphore(%run_scoped3A : memref<!tpu.dma_semaphore, #tpu.memory_space<semaphore_mem>>) src(%arg7 : memref<64x768xf32, #tpu.memory_space<vmem>>) dst(%dma_wait3A_104 : memref<64x768xf32, #tpu.memory_space<hbm>>)
      tpu.yield
    }) : () -> ()
    %dma_start3A_78 = arith.constant 448 : i32
    %dma_start3A_79 = tpu.memref_slice %arg5[%dma_start3A_78] : memref<512xi32, #tpu.memory_space<vmem>> -> memref<64xi32, #tpu.memory_space<vmem>>
    %dma_start3A_80 = arith.constant 0 : i32
    %dma_start3A_81 = arith.constant 0 : i32
    %dma_start3A_82 = tpu.memref_slice %arg2[%dma_start3A_80, %dma_start3A_81] : memref<4096x768xf32, #tpu.memory_space<hbm>> -> memref<4096x768xf32, #tpu.memory_space<hbm>>
    tpu.enqueue_indirect_dma source(%dma_start3A_82 : memref<4096x768xf32, #tpu.memory_space<hbm>>) target(%arg7 : memref<64x768xf32, #tpu.memory_space<vmem>>) offsets(%dma_start3A_79 : memref<64xi32, #tpu.memory_space<vmem>>) semaphore(%arg9 : memref<!tpu.dma_semaphore, #tpu.memory_space<semaphore_mem>>)
    %dma_wait3A_83 = arith.constant 384 : i32
    %dma_wait3A_84 = tpu.memref_slice %arg5[%dma_wait3A_83] : memref<512xi32, #tpu.memory_space<vmem>> -> memref<64xi32, #tpu.memory_space<vmem>>
    %dma_wait3A_85 = arith.constant 0 : i32
    %dma_wait3A_86 = arith.constant 0 : i32
    %dma_wait3A_87 = tpu.memref_slice %arg2[%dma_wait3A_85, %dma_wait3A_86] : memref<4096x768xf32, #tpu.memory_space<hbm>> -> memref<4096x768xf32, #tpu.memory_space<hbm>>
    tpu.wait_indirect_dma semaphore(%arg8 : memref<!tpu.dma_semaphore, #tpu.memory_space<semaphore_mem>>) src(%dma_wait3A_87 : memref<4096x768xf32, #tpu.memory_space<hbm>>) dst(%arg6 : memref<64x768xf32, #tpu.memory_space<vmem>>)
    %add3A_88 = arith.constant 384 : i32
    %add3A_89 = arith.addi %mul3A_2, %add3A_88 : i32
    "tpu.region"() ({
      %run_scoped3A = tpu.sem_alloc : memref<!tpu.dma_semaphore, #tpu.memory_space<semaphore_mem>>
      %dma_start3A_97 = arith.constant 0 : i32
      %dma_start3A_98 = tpu.memref_slice %arg4[%add3A_89, %dma_start3A_97] : memref<16384x768xf32, #tpu.memory_space<hbm>> -> memref<64x768xf32, #tpu.memory_space<hbm>>
      %dma_start3A_99 = arith.constant 0 : i32
      %dma_start3A_100 = tpu.memref_slice %arg4[%add3A_89, %dma_start3A_99] : memref<16384x768xf32, #tpu.memory_space<hbm>> -> memref<64x768xf32, #tpu.memory_space<hbm>>
      tpu.enqueue_dma source(%arg6 : memref<64x768xf32, #tpu.memory_space<vmem>>) target(%dma_start3A_100 : memref<64x768xf32, #tpu.memory_space<hbm>>) target_semaphore(%run_scoped3A : memref<!tpu.dma_semaphore, #tpu.memory_space<semaphore_mem>>)
      %dma_wait3A_101 = arith.constant 0 : i32
      %dma_wait3A_102 = tpu.memref_slice %arg4[%add3A_89, %dma_wait3A_101] : memref<16384x768xf32, #tpu.memory_space<hbm>> -> memref<64x768xf32, #tpu.memory_space<hbm>>
      %dma_wait3A_103 = arith.constant 0 : i32
      %dma_wait3A_104 = tpu.memref_slice %arg4[%add3A_89, %dma_wait3A_103] : memref<16384x768xf32, #tpu.memory_space<hbm>> -> memref<64x768xf32, #tpu.memory_space<hbm>>
      tpu.wait_dma2 semaphore(%run_scoped3A : memref<!tpu.dma_semaphore, #tpu.memory_space<semaphore_mem>>) src(%arg6 : memref<64x768xf32, #tpu.memory_space<vmem>>) dst(%dma_wait3A_104 : memref<64x768xf32, #tpu.memory_space<hbm>>)
      tpu.yield
    }) : () -> ()
    %dma_wait3A_90 = arith.constant 448 : i32
    %dma_wait3A_91 = tpu.memref_slice %arg5[%dma_wait3A_90] : memref<512xi32, #tpu.memory_space<vmem>> -> memref<64xi32, #tpu.memory_space<vmem>>
    %dma_wait3A_92 = arith.constant 0 : i32
    %dma_wait3A_93 = arith.constant 0 : i32
    %dma_wait3A_94 = tpu.memref_slice %arg2[%dma_wait3A_92, %dma_wait3A_93] : memref<4096x768xf32, #tpu.memory_space<hbm>> -> memref<4096x768xf32, #tpu.memory_space<hbm>>
    tpu.wait_indirect_dma semaphore(%arg9 : memref<!tpu.dma_semaphore, #tpu.memory_space<semaphore_mem>>) src(%dma_wait3A_94 : memref<4096x768xf32, #tpu.memory_space<hbm>>) dst(%arg7 : memref<64x768xf32, #tpu.memory_space<vmem>>)
    %add3A_95 = arith.constant 448 : i32
    %add3A_96 = arith.addi %mul3A_2, %add3A_95 : i32
    "tpu.region"() ({
      %run_scoped3A = tpu.sem_alloc : memref<!tpu.dma_semaphore, #tpu.memory_space<semaphore_mem>>
      %dma_start3A_97 = arith.constant 0 : i32
      %dma_start3A_98 = tpu.memref_slice %arg4[%add3A_96, %dma_start3A_97] : memref<16384x768xf32, #tpu.memory_space<hbm>> -> memref<64x768xf32, #tpu.memory_space<hbm>>
      %dma_start3A_99 = arith.constant 0 : i32
      %dma_start3A_100 = tpu.memref_slice %arg4[%add3A_96, %dma_start3A_99] : memref<16384x768xf32, #tpu.memory_space<hbm>> -> memref<64x768xf32, #tpu.memory_space<hbm>>
      tpu.enqueue_dma source(%arg7 : memref<64x768xf32, #tpu.memory_space<vmem>>) target(%dma_start3A_100 : memref<64x768xf32, #tpu.memory_space<hbm>>) target_semaphore(%run_scoped3A : memref<!tpu.dma_semaphore, #tpu.memory_space<semaphore_mem>>)
      %dma_wait3A_101 = arith.constant 0 : i32
      %dma_wait3A_102 = tpu.memref_slice %arg4[%add3A_96, %dma_wait3A_101] : memref<16384x768xf32, #tpu.memory_space<hbm>> -> memref<64x768xf32, #tpu.memory_space<hbm>>
      %dma_wait3A_103 = arith.constant 0 : i32
      %dma_wait3A_104 = tpu.memref_slice %arg4[%add3A_96, %dma_wait3A_103] : memref<16384x768xf32, #tpu.memory_space<hbm>> -> memref<64x768xf32, #tpu.memory_space<hbm>>
      tpu.wait_dma2 semaphore(%run_scoped3A : memref<!tpu.dma_semaphore, #tpu.memory_space<semaphore_mem>>) src(%arg7 : memref<64x768xf32, #tpu.memory_space<vmem>>) dst(%dma_wait3A_104 : memref<64x768xf32, #tpu.memory_space<hbm>>)
      tpu.yield
    }) : () -> ()
    return
  }
}

#map = affine_map<(d0, d1) -> (0, 0)>
#map1 = affine_map<(d0, d1) -> (0)>
module attributes {stable_mosaic.version = 14 : i64} {
  func.func @body(%arg0: i32, %arg1: i32, %arg2: memref<16384x768xf32, #tpu.memory_space<hbm>>, %arg3: memref<8192xi32, #tpu.memory_space<hbm>>, %arg4: memref<8192x768xf32, #tpu.memory_space<hbm>>, %arg5: memref<256xi32, #tpu.memory_space<vmem>>, %arg6: memref<64x768xf32, #tpu.memory_space<vmem>>, %arg7: memref<64x768xf32, #tpu.memory_space<vmem>>, %arg8: memref<!tpu.dma_semaphore, #tpu.memory_space<semaphore_mem>>, %arg9: memref<!tpu.dma_semaphore, #tpu.memory_space<semaphore_mem>>) attributes {dimension_semantics = [#tpu.dimension_semantics<core_parallel>, #tpu.dimension_semantics<subcore_parallel>], iteration_bounds = array<i64: 2, 16>, scalar_prefetch = 0 : i64, scratch_operands = 5 : i64, tpu.core_type = #tpu.core_type<sc_vector_subcore>, window_params = [{transform_indices = #map}, {transform_indices = #map1}, {transform_indices = #map}]} {
    %mul3A = arith.constant 2 : i32
    %mul3A_0 = arith.muli %arg1, %mul3A : i32
    %add3A = arith.addi %mul3A_0, %arg0 : i32
    %mul3A_1 = arith.constant 256 : i32
    %mul3A_2 = arith.muli %add3A, %mul3A_1 : i32
    "tpu.region"() ({
      %run_scoped3A = tpu.sem_alloc : memref<!tpu.dma_semaphore, #tpu.memory_space<semaphore_mem>>
      %dma_start3A_49 = tpu.memref_slice %arg3[%mul3A_2] : memref<8192xi32, #tpu.memory_space<hbm>> -> memref<256xi32, #tpu.memory_space<hbm>>
      %dma_start3A_50 = tpu.memref_slice %arg3[%mul3A_2] : memref<8192xi32, #tpu.memory_space<hbm>> -> memref<256xi32, #tpu.memory_space<hbm>>
      tpu.enqueue_dma source(%dma_start3A_50 : memref<256xi32, #tpu.memory_space<hbm>>) target(%arg5 : memref<256xi32, #tpu.memory_space<vmem>>) target_semaphore(%run_scoped3A : memref<!tpu.dma_semaphore, #tpu.memory_space<semaphore_mem>>)
      %dma_wait3A_51 = tpu.memref_slice %arg3[%mul3A_2] : memref<8192xi32, #tpu.memory_space<hbm>> -> memref<256xi32, #tpu.memory_space<hbm>>
      %dma_wait3A_52 = tpu.memref_slice %arg3[%mul3A_2] : memref<8192xi32, #tpu.memory_space<hbm>> -> memref<256xi32, #tpu.memory_space<hbm>>
      tpu.wait_dma2 semaphore(%run_scoped3A : memref<!tpu.dma_semaphore, #tpu.memory_space<semaphore_mem>>) src(%dma_wait3A_52 : memref<256xi32, #tpu.memory_space<hbm>>) dst(%arg5 : memref<256xi32, #tpu.memory_space<vmem>>)
      tpu.yield
    }) : () -> ()
    %dma_start3A = arith.constant 0 : i32
    %dma_start3A_3 = tpu.memref_slice %arg5[%dma_start3A] : memref<256xi32, #tpu.memory_space<vmem>> -> memref<64xi32, #tpu.memory_space<vmem>>
    %dma_start3A_4 = arith.constant 0 : i32
    %dma_start3A_5 = arith.constant 0 : i32
    %dma_start3A_6 = tpu.memref_slice %arg2[%dma_start3A_4, %dma_start3A_5] : memref<16384x768xf32, #tpu.memory_space<hbm>> -> memref<16384x768xf32, #tpu.memory_space<hbm>>
    tpu.enqueue_indirect_dma source(%dma_start3A_6 : memref<16384x768xf32, #tpu.memory_space<hbm>>) target(%arg6 : memref<64x768xf32, #tpu.memory_space<vmem>>) offsets(%dma_start3A_3 : memref<64xi32, #tpu.memory_space<vmem>>) semaphore(%arg8 : memref<!tpu.dma_semaphore, #tpu.memory_space<semaphore_mem>>)
    %dma_start3A_7 = arith.constant 64 : i32
    %dma_start3A_8 = tpu.memref_slice %arg5[%dma_start3A_7] : memref<256xi32, #tpu.memory_space<vmem>> -> memref<64xi32, #tpu.memory_space<vmem>>
    %dma_start3A_9 = arith.constant 0 : i32
    %dma_start3A_10 = arith.constant 0 : i32
    %dma_start3A_11 = tpu.memref_slice %arg2[%dma_start3A_9, %dma_start3A_10] : memref<16384x768xf32, #tpu.memory_space<hbm>> -> memref<16384x768xf32, #tpu.memory_space<hbm>>
    tpu.enqueue_indirect_dma source(%dma_start3A_11 : memref<16384x768xf32, #tpu.memory_space<hbm>>) target(%arg7 : memref<64x768xf32, #tpu.memory_space<vmem>>) offsets(%dma_start3A_8 : memref<64xi32, #tpu.memory_space<vmem>>) semaphore(%arg9 : memref<!tpu.dma_semaphore, #tpu.memory_space<semaphore_mem>>)
    %dma_wait3A = arith.constant 0 : i32
    %dma_wait3A_12 = tpu.memref_slice %arg5[%dma_wait3A] : memref<256xi32, #tpu.memory_space<vmem>> -> memref<64xi32, #tpu.memory_space<vmem>>
    %dma_wait3A_13 = arith.constant 0 : i32
    %dma_wait3A_14 = arith.constant 0 : i32
    %dma_wait3A_15 = tpu.memref_slice %arg2[%dma_wait3A_13, %dma_wait3A_14] : memref<16384x768xf32, #tpu.memory_space<hbm>> -> memref<16384x768xf32, #tpu.memory_space<hbm>>
    tpu.wait_indirect_dma semaphore(%arg8 : memref<!tpu.dma_semaphore, #tpu.memory_space<semaphore_mem>>) src(%dma_wait3A_15 : memref<16384x768xf32, #tpu.memory_space<hbm>>) dst(%arg6 : memref<64x768xf32, #tpu.memory_space<vmem>>)
    %add3A_16 = arith.constant 0 : i32
    %add3A_17 = arith.addi %mul3A_2, %add3A_16 : i32
    "tpu.region"() ({
      %run_scoped3A = tpu.sem_alloc : memref<!tpu.dma_semaphore, #tpu.memory_space<semaphore_mem>>
      %dma_start3A_49 = arith.constant 0 : i32
      %dma_start3A_50 = tpu.memref_slice %arg4[%add3A_17, %dma_start3A_49] : memref<8192x768xf32, #tpu.memory_space<hbm>> -> memref<64x768xf32, #tpu.memory_space<hbm>>
      %dma_start3A_51 = arith.constant 0 : i32
      %dma_start3A_52 = tpu.memref_slice %arg4[%add3A_17, %dma_start3A_51] : memref<8192x768xf32, #tpu.memory_space<hbm>> -> memref<64x768xf32, #tpu.memory_space<hbm>>
      tpu.enqueue_dma source(%arg6 : memref<64x768xf32, #tpu.memory_space<vmem>>) target(%dma_start3A_52 : memref<64x768xf32, #tpu.memory_space<hbm>>) target_semaphore(%run_scoped3A : memref<!tpu.dma_semaphore, #tpu.memory_space<semaphore_mem>>)
      %dma_wait3A_53 = arith.constant 0 : i32
      %dma_wait3A_54 = tpu.memref_slice %arg4[%add3A_17, %dma_wait3A_53] : memref<8192x768xf32, #tpu.memory_space<hbm>> -> memref<64x768xf32, #tpu.memory_space<hbm>>
      %dma_wait3A_55 = arith.constant 0 : i32
      %dma_wait3A_56 = tpu.memref_slice %arg4[%add3A_17, %dma_wait3A_55] : memref<8192x768xf32, #tpu.memory_space<hbm>> -> memref<64x768xf32, #tpu.memory_space<hbm>>
      tpu.wait_dma2 semaphore(%run_scoped3A : memref<!tpu.dma_semaphore, #tpu.memory_space<semaphore_mem>>) src(%arg6 : memref<64x768xf32, #tpu.memory_space<vmem>>) dst(%dma_wait3A_56 : memref<64x768xf32, #tpu.memory_space<hbm>>)
      tpu.yield
    }) : () -> ()
    %dma_start3A_18 = arith.constant 128 : i32
    %dma_start3A_19 = tpu.memref_slice %arg5[%dma_start3A_18] : memref<256xi32, #tpu.memory_space<vmem>> -> memref<64xi32, #tpu.memory_space<vmem>>
    %dma_start3A_20 = arith.constant 0 : i32
    %dma_start3A_21 = arith.constant 0 : i32
    %dma_start3A_22 = tpu.memref_slice %arg2[%dma_start3A_20, %dma_start3A_21] : memref<16384x768xf32, #tpu.memory_space<hbm>> -> memref<16384x768xf32, #tpu.memory_space<hbm>>
    tpu.enqueue_indirect_dma source(%dma_start3A_22 : memref<16384x768xf32, #tpu.memory_space<hbm>>) target(%arg6 : memref<64x768xf32, #tpu.memory_space<vmem>>) offsets(%dma_start3A_19 : memref<64xi32, #tpu.memory_space<vmem>>) semaphore(%arg8 : memref<!tpu.dma_semaphore, #tpu.memory_space<semaphore_mem>>)
    %dma_wait3A_23 = arith.constant 64 : i32
    %dma_wait3A_24 = tpu.memref_slice %arg5[%dma_wait3A_23] : memref<256xi32, #tpu.memory_space<vmem>> -> memref<64xi32, #tpu.memory_space<vmem>>
    %dma_wait3A_25 = arith.constant 0 : i32
    %dma_wait3A_26 = arith.constant 0 : i32
    %dma_wait3A_27 = tpu.memref_slice %arg2[%dma_wait3A_25, %dma_wait3A_26] : memref<16384x768xf32, #tpu.memory_space<hbm>> -> memref<16384x768xf32, #tpu.memory_space<hbm>>
    tpu.wait_indirect_dma semaphore(%arg9 : memref<!tpu.dma_semaphore, #tpu.memory_space<semaphore_mem>>) src(%dma_wait3A_27 : memref<16384x768xf32, #tpu.memory_space<hbm>>) dst(%arg7 : memref<64x768xf32, #tpu.memory_space<vmem>>)
    %add3A_28 = arith.constant 64 : i32
    %add3A_29 = arith.addi %mul3A_2, %add3A_28 : i32
    "tpu.region"() ({
      %run_scoped3A = tpu.sem_alloc : memref<!tpu.dma_semaphore, #tpu.memory_space<semaphore_mem>>
      %dma_start3A_49 = arith.constant 0 : i32
      %dma_start3A_50 = tpu.memref_slice %arg4[%add3A_29, %dma_start3A_49] : memref<8192x768xf32, #tpu.memory_space<hbm>> -> memref<64x768xf32, #tpu.memory_space<hbm>>
      %dma_start3A_51 = arith.constant 0 : i32
      %dma_start3A_52 = tpu.memref_slice %arg4[%add3A_29, %dma_start3A_51] : memref<8192x768xf32, #tpu.memory_space<hbm>> -> memref<64x768xf32, #tpu.memory_space<hbm>>
      tpu.enqueue_dma source(%arg7 : memref<64x768xf32, #tpu.memory_space<vmem>>) target(%dma_start3A_52 : memref<64x768xf32, #tpu.memory_space<hbm>>) target_semaphore(%run_scoped3A : memref<!tpu.dma_semaphore, #tpu.memory_space<semaphore_mem>>)
      %dma_wait3A_53 = arith.constant 0 : i32
      %dma_wait3A_54 = tpu.memref_slice %arg4[%add3A_29, %dma_wait3A_53] : memref<8192x768xf32, #tpu.memory_space<hbm>> -> memref<64x768xf32, #tpu.memory_space<hbm>>
      %dma_wait3A_55 = arith.constant 0 : i32
      %dma_wait3A_56 = tpu.memref_slice %arg4[%add3A_29, %dma_wait3A_55] : memref<8192x768xf32, #tpu.memory_space<hbm>> -> memref<64x768xf32, #tpu.memory_space<hbm>>
      tpu.wait_dma2 semaphore(%run_scoped3A : memref<!tpu.dma_semaphore, #tpu.memory_space<semaphore_mem>>) src(%arg7 : memref<64x768xf32, #tpu.memory_space<vmem>>) dst(%dma_wait3A_56 : memref<64x768xf32, #tpu.memory_space<hbm>>)
      tpu.yield
    }) : () -> ()
    %dma_start3A_30 = arith.constant 192 : i32
    %dma_start3A_31 = tpu.memref_slice %arg5[%dma_start3A_30] : memref<256xi32, #tpu.memory_space<vmem>> -> memref<64xi32, #tpu.memory_space<vmem>>
    %dma_start3A_32 = arith.constant 0 : i32
    %dma_start3A_33 = arith.constant 0 : i32
    %dma_start3A_34 = tpu.memref_slice %arg2[%dma_start3A_32, %dma_start3A_33] : memref<16384x768xf32, #tpu.memory_space<hbm>> -> memref<16384x768xf32, #tpu.memory_space<hbm>>
    tpu.enqueue_indirect_dma source(%dma_start3A_34 : memref<16384x768xf32, #tpu.memory_space<hbm>>) target(%arg7 : memref<64x768xf32, #tpu.memory_space<vmem>>) offsets(%dma_start3A_31 : memref<64xi32, #tpu.memory_space<vmem>>) semaphore(%arg9 : memref<!tpu.dma_semaphore, #tpu.memory_space<semaphore_mem>>)
    %dma_wait3A_35 = arith.constant 128 : i32
    %dma_wait3A_36 = tpu.memref_slice %arg5[%dma_wait3A_35] : memref<256xi32, #tpu.memory_space<vmem>> -> memref<64xi32, #tpu.memory_space<vmem>>
    %dma_wait3A_37 = arith.constant 0 : i32
    %dma_wait3A_38 = arith.constant 0 : i32
    %dma_wait3A_39 = tpu.memref_slice %arg2[%dma_wait3A_37, %dma_wait3A_38] : memref<16384x768xf32, #tpu.memory_space<hbm>> -> memref<16384x768xf32, #tpu.memory_space<hbm>>
    tpu.wait_indirect_dma semaphore(%arg8 : memref<!tpu.dma_semaphore, #tpu.memory_space<semaphore_mem>>) src(%dma_wait3A_39 : memref<16384x768xf32, #tpu.memory_space<hbm>>) dst(%arg6 : memref<64x768xf32, #tpu.memory_space<vmem>>)
    %add3A_40 = arith.constant 128 : i32
    %add3A_41 = arith.addi %mul3A_2, %add3A_40 : i32
    "tpu.region"() ({
      %run_scoped3A = tpu.sem_alloc : memref<!tpu.dma_semaphore, #tpu.memory_space<semaphore_mem>>
      %dma_start3A_49 = arith.constant 0 : i32
      %dma_start3A_50 = tpu.memref_slice %arg4[%add3A_41, %dma_start3A_49] : memref<8192x768xf32, #tpu.memory_space<hbm>> -> memref<64x768xf32, #tpu.memory_space<hbm>>
      %dma_start3A_51 = arith.constant 0 : i32
      %dma_start3A_52 = tpu.memref_slice %arg4[%add3A_41, %dma_start3A_51] : memref<8192x768xf32, #tpu.memory_space<hbm>> -> memref<64x768xf32, #tpu.memory_space<hbm>>
      tpu.enqueue_dma source(%arg6 : memref<64x768xf32, #tpu.memory_space<vmem>>) target(%dma_start3A_52 : memref<64x768xf32, #tpu.memory_space<hbm>>) target_semaphore(%run_scoped3A : memref<!tpu.dma_semaphore, #tpu.memory_space<semaphore_mem>>)
      %dma_wait3A_53 = arith.constant 0 : i32
      %dma_wait3A_54 = tpu.memref_slice %arg4[%add3A_41, %dma_wait3A_53] : memref<8192x768xf32, #tpu.memory_space<hbm>> -> memref<64x768xf32, #tpu.memory_space<hbm>>
      %dma_wait3A_55 = arith.constant 0 : i32
      %dma_wait3A_56 = tpu.memref_slice %arg4[%add3A_41, %dma_wait3A_55] : memref<8192x768xf32, #tpu.memory_space<hbm>> -> memref<64x768xf32, #tpu.memory_space<hbm>>
      tpu.wait_dma2 semaphore(%run_scoped3A : memref<!tpu.dma_semaphore, #tpu.memory_space<semaphore_mem>>) src(%arg6 : memref<64x768xf32, #tpu.memory_space<vmem>>) dst(%dma_wait3A_56 : memref<64x768xf32, #tpu.memory_space<hbm>>)
      tpu.yield
    }) : () -> ()
    %dma_wait3A_42 = arith.constant 192 : i32
    %dma_wait3A_43 = tpu.memref_slice %arg5[%dma_wait3A_42] : memref<256xi32, #tpu.memory_space<vmem>> -> memref<64xi32, #tpu.memory_space<vmem>>
    %dma_wait3A_44 = arith.constant 0 : i32
    %dma_wait3A_45 = arith.constant 0 : i32
    %dma_wait3A_46 = tpu.memref_slice %arg2[%dma_wait3A_44, %dma_wait3A_45] : memref<16384x768xf32, #tpu.memory_space<hbm>> -> memref<16384x768xf32, #tpu.memory_space<hbm>>
    tpu.wait_indirect_dma semaphore(%arg9 : memref<!tpu.dma_semaphore, #tpu.memory_space<semaphore_mem>>) src(%dma_wait3A_46 : memref<16384x768xf32, #tpu.memory_space<hbm>>) dst(%arg7 : memref<64x768xf32, #tpu.memory_space<vmem>>)
    %add3A_47 = arith.constant 192 : i32
    %add3A_48 = arith.addi %mul3A_2, %add3A_47 : i32
    "tpu.region"() ({
      %run_scoped3A = tpu.sem_alloc : memref<!tpu.dma_semaphore, #tpu.memory_space<semaphore_mem>>
      %dma_start3A_49 = arith.constant 0 : i32
      %dma_start3A_50 = tpu.memref_slice %arg4[%add3A_48, %dma_start3A_49] : memref<8192x768xf32, #tpu.memory_space<hbm>> -> memref<64x768xf32, #tpu.memory_space<hbm>>
      %dma_start3A_51 = arith.constant 0 : i32
      %dma_start3A_52 = tpu.memref_slice %arg4[%add3A_48, %dma_start3A_51] : memref<8192x768xf32, #tpu.memory_space<hbm>> -> memref<64x768xf32, #tpu.memory_space<hbm>>
      tpu.enqueue_dma source(%arg7 : memref<64x768xf32, #tpu.memory_space<vmem>>) target(%dma_start3A_52 : memref<64x768xf32, #tpu.memory_space<hbm>>) target_semaphore(%run_scoped3A : memref<!tpu.dma_semaphore, #tpu.memory_space<semaphore_mem>>)
      %dma_wait3A_53 = arith.constant 0 : i32
      %dma_wait3A_54 = tpu.memref_slice %arg4[%add3A_48, %dma_wait3A_53] : memref<8192x768xf32, #tpu.memory_space<hbm>> -> memref<64x768xf32, #tpu.memory_space<hbm>>
      %dma_wait3A_55 = arith.constant 0 : i32
      %dma_wait3A_56 = tpu.memref_slice %arg4[%add3A_48, %dma_wait3A_55] : memref<8192x768xf32, #tpu.memory_space<hbm>> -> memref<64x768xf32, #tpu.memory_space<hbm>>
      tpu.wait_dma2 semaphore(%run_scoped3A : memref<!tpu.dma_semaphore, #tpu.memory_space<semaphore_mem>>) src(%arg7 : memref<64x768xf32, #tpu.memory_space<vmem>>) dst(%dma_wait3A_56 : memref<64x768xf32, #tpu.memory_space<hbm>>)
      tpu.yield
    }) : () -> ()
    return
  }
}

module attributes {stable_mosaic.version = 14 : i64} {
  func.func @_router_body(%arg0: memref<4096x768xf32, #tpu.memory_space<vmem>>, %arg1: memref<4096x768xf32, #tpu.memory_space<vmem>>, %arg2: memref<768x64xf32, #tpu.memory_space<vmem>>, %arg3: memref<768x64xf32, #tpu.memory_space<vmem>>, %arg4: memref<4096x2xi32, #tpu.memory_space<vmem>>, %arg5: memref<4096x2xf32, #tpu.memory_space<vmem>>, %arg6: memref<1x1xf32, #tpu.memory_space<vmem>>) attributes {dimension_semantics = [], scalar_prefetch = 0 : i64, scratch_operands = 0 : i64, tpu.core_type = #tpu.core_type<tc>} {
    %get3A = arith.constant 0 : index
    %get3A_0 = arith.constant 0 : index
    %get3A_1 = vector.load %arg0[%get3A, %get3A_0] : memref<4096x768xf32, #tpu.memory_space<vmem>>, vector<4096x768xf32>
    %get3A_2 = arith.constant 0 : index
    %get3A_3 = arith.constant 0 : index
    %get3A_4 = vector.load %arg2[%get3A_2, %get3A_3] : memref<768x64xf32, #tpu.memory_space<vmem>>, vector<768x64xf32>
    %dot_general3A = arith.constant dense<0.000000e+00> : vector<4096x64xf32>
    %dot_general3A_5 = tpu.matmul %get3A_1, %get3A_4, %dot_general3A {dimension_numbers = #tpu.dot_dimension_numbers<[1], [0], [0], [1], [0, 0, 1, 1], [], []>, transpose_lhs_hint = false} : vector<4096x768xf32>, vector<768x64xf32>, vector<4096x64xf32> -> vector<4096x64xf32>
    %get3A_6 = arith.constant 0 : index
    %get3A_7 = arith.constant 0 : index
    %get3A_8 = vector.load %arg1[%get3A_6, %get3A_7] : memref<4096x768xf32, #tpu.memory_space<vmem>>, vector<4096x768xf32>
    %get3A_9 = arith.constant 0 : index
    %get3A_10 = arith.constant 0 : index
    %get3A_11 = vector.load %arg3[%get3A_9, %get3A_10] : memref<768x64xf32, #tpu.memory_space<vmem>>, vector<768x64xf32>
    %dot_general3A_12 = arith.constant dense<0.000000e+00> : vector<4096x64xf32>
    %dot_general3A_13 = tpu.matmul %get3A_8, %get3A_11, %dot_general3A_12 {dimension_numbers = #tpu.dot_dimension_numbers<[1], [0], [0], [1], [0, 0, 1, 1], [], []>, transpose_lhs_hint = false} : vector<4096x768xf32>, vector<768x64xf32>, vector<4096x64xf32> -> vector<4096x64xf32>
    %add3A = arith.addf %dot_general3A_5, %dot_general3A_13 : vector<4096x64xf32>
    %iota3A = tpu.iota {dimensions = array<i32: 1>} : vector<4096x64xi32>
    %argmax3A = tpu.reduce_index %add3A {axis = 1 : i32, kind = #tpu.reduction_kind<arg_max>} : vector<4096x64xf32> -> vector<4096xi32>
    %reduce_max3A = arith.constant dense<0xFF800000> : vector<4096xf32>
    %reduce_max3A_14 = vector.multi_reduction <maximumf>, %add3A, %reduce_max3A [1] : vector<4096x64xf32> to vector<4096xf32>
    %broadcast_in_dim3A = vector.shape_cast %argmax3A : vector<4096xi32> to vector<4096x1xi32>
    %eq3A = vector.broadcast %broadcast_in_dim3A : vector<4096x1xi32> to vector<4096x64xi32>
    %eq3A_15 = arith.cmpi eq, %iota3A, %eq3A : vector<4096x64xi32>
    %jit3A = arith.constant 0xFF800000 : f32
    %broadcast_in_dim3A_16 = vector.broadcast %jit3A : f32 to vector<4096x64xf32>
    %select_n3A = arith.select %eq3A_15, %broadcast_in_dim3A_16, %add3A : vector<4096x64xi1>, vector<4096x64xf32>
    %argmax3A_17 = tpu.reduce_index %select_n3A {axis = 1 : i32, kind = #tpu.reduction_kind<arg_max>} : vector<4096x64xf32> -> vector<4096xi32>
    %reduce_max3A_18 = arith.constant dense<0xFF800000> : vector<4096xf32>
    %reduce_max3A_19 = vector.multi_reduction <maximumf>, %select_n3A, %reduce_max3A_18 [1] : vector<4096x64xf32> to vector<4096xf32>
    %sub3A = arith.subf %reduce_max3A_19, %reduce_max3A_14 : vector<4096xf32>
    %exp3A = math.exp %sub3A : vector<4096xf32>
    %add3A_20 = arith.constant 1.000000e+00 : f32
    %add3A_21 = vector.broadcast %add3A_20 : f32 to vector<4096xf32>
    %add3A_22 = arith.addf %add3A_21, %exp3A : vector<4096xf32>
    %div3A = arith.constant 1.000000e+00 : f32
    %div3A_23 = vector.broadcast %div3A : f32 to vector<4096xf32>
    %div3A_24 = arith.divf %div3A_23, %add3A_22 : vector<4096xf32>
    %div3A_25 = arith.divf %exp3A, %add3A_22 : vector<4096xf32>
    %broadcast_in_dim3A_26 = vector.shape_cast %argmax3A : vector<4096xi32> to vector<4096x1xi32>
    %broadcast_in_dim3A_27 = vector.shape_cast %argmax3A_17 : vector<4096xi32> to vector<4096x1xi32>
    %concatenate3A = tpu.concatenate %broadcast_in_dim3A_26, %broadcast_in_dim3A_27 in 1 : vector<4096x1xi32>, vector<4096x1xi32> -> vector<4096x2xi32>
    %swap3A = arith.constant 0 : index
    %swap3A_28 = arith.constant 0 : index
    %swap3A_29 = vector.load %arg4[%swap3A, %swap3A_28] : memref<4096x2xi32, #tpu.memory_space<vmem>>, vector<4096x2xi32>
    tpu.vector_store %arg4[%swap3A, %swap3A_28], %concatenate3A {strides = array<i32>} : memref<4096x2xi32, #tpu.memory_space<vmem>>, vector<4096x2xi32>,
    %broadcast_in_dim3A_30 = vector.shape_cast %div3A_24 : vector<4096xf32> to vector<4096x1xf32>
    %broadcast_in_dim3A_31 = vector.shape_cast %div3A_25 : vector<4096xf32> to vector<4096x1xf32>
    %concatenate3A_32 = tpu.concatenate %broadcast_in_dim3A_30, %broadcast_in_dim3A_31 in 1 : vector<4096x1xf32>, vector<4096x1xf32> -> vector<4096x2xf32>
    %swap3A_33 = arith.constant 0 : index
    %swap3A_34 = arith.constant 0 : index
    %swap3A_35 = vector.load %arg5[%swap3A_33, %swap3A_34] : memref<4096x2xf32, #tpu.memory_space<vmem>>, vector<4096x2xf32>
    tpu.vector_store %arg5[%swap3A_33, %swap3A_34], %concatenate3A_32 {strides = array<i32>} : memref<4096x2xf32, #tpu.memory_space<vmem>>, vector<4096x2xf32>,
    %broadcast_in_dim3A_36 = vector.shape_cast %argmax3A : vector<4096xi32> to vector<4096x1xi32>
    %eq3A_37 = vector.broadcast %broadcast_in_dim3A_36 : vector<4096x1xi32> to vector<4096x64xi32>
    %eq3A_38 = arith.cmpi eq, %iota3A, %eq3A_37 : vector<4096x64xi32>
    %broadcast_in_dim3A_39 = vector.shape_cast %div3A_24 : vector<4096xf32> to vector<4096x1xf32>
    %jit3A_40 = arith.constant 0.000000e+00 : f32
    %broadcast_in_dim3A_41 = vector.shape_cast %broadcast_in_dim3A_39 : vector<4096x1xf32> to vector<4096x1xf32>
    %broadcast_in_dim3A_42 = vector.broadcast %broadcast_in_dim3A_41 : vector<4096x1xf32> to vector<4096x64xf32>
    %broadcast_in_dim3A_43 = vector.broadcast %jit3A_40 : f32 to vector<4096x64xf32>
    %select_n3A_44 = arith.select %eq3A_38, %broadcast_in_dim3A_42, %broadcast_in_dim3A_43 : vector<4096x64xi1>, vector<4096x64xf32>
    %broadcast_in_dim3A_45 = vector.shape_cast %argmax3A_17 : vector<4096xi32> to vector<4096x1xi32>
    %eq3A_46 = vector.broadcast %broadcast_in_dim3A_45 : vector<4096x1xi32> to vector<4096x64xi32>
    %eq3A_47 = arith.cmpi eq, %iota3A, %eq3A_46 : vector<4096x64xi32>
    %broadcast_in_dim3A_48 = vector.shape_cast %div3A_25 : vector<4096xf32> to vector<4096x1xf32>
    %jit3A_49 = arith.constant 0.000000e+00 : f32
    %broadcast_in_dim3A_50 = vector.shape_cast %broadcast_in_dim3A_48 : vector<4096x1xf32> to vector<4096x1xf32>
    %broadcast_in_dim3A_51 = vector.broadcast %broadcast_in_dim3A_50 : vector<4096x1xf32> to vector<4096x64xf32>
    %broadcast_in_dim3A_52 = vector.broadcast %jit3A_49 : f32 to vector<4096x64xf32>
    %select_n3A_53 = arith.select %eq3A_47, %broadcast_in_dim3A_51, %broadcast_in_dim3A_52 : vector<4096x64xi1>, vector<4096x64xf32>
    %add3A_54 = arith.addf %select_n3A_44, %select_n3A_53 : vector<4096x64xf32>
    %reduce_sum3A = arith.constant dense<0.000000e+00> : vector<64xf32>
    %reduce_sum3A_55 = vector.multi_reduction <add>, %add3A_54, %reduce_sum3A [0] : vector<4096x64xf32> to vector<64xf32>
    %gt3A = arith.constant 0.000000e+00 : f32
    %gt3A_56 = vector.broadcast %gt3A : f32 to vector<4096x64xf32>
    %gt3A_57 = arith.cmpf ogt, %add3A_54, %gt3A_56 : vector<4096x64xf32>
    %convert_element_type3A = arith.extui %gt3A_57 : vector<4096x64xi1> to vector<4096x64xi32>
    %convert_element_type3A_58 = arith.sitofp %convert_element_type3A : vector<4096x64xi32> to vector<4096x64xf32>
    %reduce_sum3A_59 = arith.constant dense<0.000000e+00> : vector<64xf32>
    %reduce_sum3A_60 = vector.multi_reduction <add>, %convert_element_type3A_58, %reduce_sum3A_59 [0] : vector<4096x64xf32> to vector<64xf32>
    %reduce_sum3A_61 = vector.shape_cast %reduce_sum3A_55 : vector<64xf32> to vector<1x64xf32>
    %reduce_sum3A_62 = arith.constant dense<0.000000e+00> : vector<1xf32>
    %reduce_sum3A_63 = vector.multi_reduction <add>, %reduce_sum3A_61, %reduce_sum3A_62 [1] : vector<1x64xf32> to vector<1xf32>
    %reduce_sum3A_64 = vector.shape_cast %reduce_sum3A_63 : vector<1xf32> to vector<1x1xf32>
    %reduce_sum3A_65 = vector.extract %reduce_sum3A_64[0, 0] : f32 from vector<1x1xf32>
    %div3A_66 = arith.constant 6.400000e+01 : f32
    %div3A_67 = arith.divf %reduce_sum3A_65, %div3A_66 : f32
    %sub3A_68 = vector.broadcast %div3A_67 : f32 to vector<64xf32>
    %sub3A_69 = arith.subf %reduce_sum3A_55, %sub3A_68 : vector<64xf32>
    %integer_pow3A = arith.mulf %sub3A_69, %sub3A_69 : vector<64xf32>
    %reduce_sum3A_70 = vector.shape_cast %integer_pow3A : vector<64xf32> to vector<1x64xf32>
    %reduce_sum3A_71 = arith.constant dense<0.000000e+00> : vector<1xf32>
    %reduce_sum3A_72 = vector.multi_reduction <add>, %reduce_sum3A_70, %reduce_sum3A_71 [1] : vector<1x64xf32> to vector<1xf32>
    %reduce_sum3A_73 = vector.shape_cast %reduce_sum3A_72 : vector<1xf32> to vector<1x1xf32>
    %reduce_sum3A_74 = vector.extract %reduce_sum3A_73[0, 0] : f32 from vector<1x1xf32>
    %div3A_75 = arith.constant 6.300000e+01 : f32
    %div3A_76 = arith.divf %reduce_sum3A_74, %div3A_75 : f32
    %mul3A = arith.mulf %div3A_67, %div3A_67 : f32
    %add3A_77 = arith.constant 1.000000e-10 : f32
    %add3A_78 = arith.addf %mul3A, %add3A_77 : f32
    %div3A_79 = arith.divf %div3A_76, %add3A_78 : f32
    %reduce_sum3A_80 = vector.shape_cast %reduce_sum3A_60 : vector<64xf32> to vector<1x64xf32>
    %reduce_sum3A_81 = arith.constant dense<0.000000e+00> : vector<1xf32>
    %reduce_sum3A_82 = vector.multi_reduction <add>, %reduce_sum3A_80, %reduce_sum3A_81 [1] : vector<1x64xf32> to vector<1xf32>
    %reduce_sum3A_83 = vector.shape_cast %reduce_sum3A_82 : vector<1xf32> to vector<1x1xf32>
    %reduce_sum3A_84 = vector.extract %reduce_sum3A_83[0, 0] : f32 from vector<1x1xf32>
    %div3A_85 = arith.constant 6.400000e+01 : f32
    %div3A_86 = arith.divf %reduce_sum3A_84, %div3A_85 : f32
    %sub3A_87 = vector.broadcast %div3A_86 : f32 to vector<64xf32>
    %sub3A_88 = arith.subf %reduce_sum3A_60, %sub3A_87 : vector<64xf32>
    %integer_pow3A_89 = arith.mulf %sub3A_88, %sub3A_88 : vector<64xf32>
    %reduce_sum3A_90 = vector.shape_cast %integer_pow3A_89 : vector<64xf32> to vector<1x64xf32>
    %reduce_sum3A_91 = arith.constant dense<0.000000e+00> : vector<1xf32>
    %reduce_sum3A_92 = vector.multi_reduction <add>, %reduce_sum3A_90, %reduce_sum3A_91 [1] : vector<1x64xf32> to vector<1xf32>
    %reduce_sum3A_93 = vector.shape_cast %reduce_sum3A_92 : vector<1xf32> to vector<1x1xf32>
    %reduce_sum3A_94 = vector.extract %reduce_sum3A_93[0, 0] : f32 from vector<1x1xf32>
    %div3A_95 = arith.constant 6.300000e+01 : f32
    %div3A_96 = arith.divf %reduce_sum3A_94, %div3A_95 : f32
    %mul3A_97 = arith.mulf %div3A_86, %div3A_86 : f32
    %add3A_98 = arith.constant 1.000000e-10 : f32
    %add3A_99 = arith.addf %mul3A_97, %add3A_98 : f32
    %div3A_100 = arith.divf %div3A_96, %add3A_99 : f32
    %add3A_101 = arith.addf %div3A_79, %div3A_100 : f32
    %mul3A_102 = arith.constant 0.00999999977 : f32
    %mul3A_103 = arith.mulf %add3A_101, %mul3A_102 : f32
    %broadcast_in_dim3A_104 = vector.broadcast %mul3A_103 : f32 to vector<1x1xf32>
    %swap3A_105 = arith.constant 0 : index
    %swap3A_106 = arith.constant 0 : index
    %swap3A_107 = vector.load %arg6[%swap3A_105, %swap3A_106] : memref<1x1xf32, #tpu.memory_space<vmem>>, vector<1x1xf32>
    tpu.vector_store %arg6[%swap3A_105, %swap3A_106], %broadcast_in_dim3A_104 {strides = array<i32>} : memref<1x1xf32, #tpu.memory_space<vmem>>, vector<1x1xf32>,
    return
  }
}

module attributes {stable_mosaic.version = 14 : i64} {
  func.func @_ffn_body(%arg0: i32, %arg1: memref<128xi32, #tpu.memory_space<smem>>, %arg2: memref<128x768xf32, #tpu.memory_space<vmem>>, %arg3: memref<1x768x768xf32, #tpu.memory_space<vmem>>, %arg4: memref<1x1x768xf32, #tpu.memory_space<vmem>>, %arg5: memref<1x768x768xf32, #tpu.memory_space<vmem>>, %arg6: memref<1x1x768xf32, #tpu.memory_space<vmem>>, %arg7: memref<128x1xf32, #tpu.memory_space<vmem>>, %arg8: memref<128x768xf32, #tpu.memory_space<vmem>>) attributes {dimension_semantics = [#tpu.dimension_semantics<arbitrary>], iteration_bounds = array<i64: 128>, scalar_prefetch = 1 : i64, scratch_operands = 0 : i64, tpu.core_type = #tpu.core_type<tc>, window_params = [{transform_indices = @transform_0, window_bounds = array<i64: 128, 768>}, {transform_indices = @transform_1, window_bounds = array<i64: 1, 768, 768>}, {transform_indices = @transform_2, window_bounds = array<i64: 1, 1, 768>}, {transform_indices = @transform_3, window_bounds = array<i64: 1, 768, 768>}, {transform_indices = @transform_4, window_bounds = array<i64: 1, 1, 768>}, {transform_indices = @transform_5, window_bounds = array<i64: 128, 1>}, {transform_indices = @transform_6, window_bounds = array<i64: 128, 768>}]} {
    %get3A = arith.constant 0 : index
    %get3A_0 = arith.constant 0 : index
    %get3A_1 = vector.load %arg2[%get3A, %get3A_0] : memref<128x768xf32, #tpu.memory_space<vmem>>, vector<128x768xf32>
    %get3A_2 = arith.constant 0 : index
    %get3A_3 = arith.constant 0 : index
    %get3A_4 = arith.constant 0 : index
    %get3A_5 = vector.load %arg3[%get3A_2, %get3A_3, %get3A_4] : memref<1x768x768xf32, #tpu.memory_space<vmem>>, vector<1x768x768xf32>
    %get3A_6 = vector.shape_cast %get3A_5 : vector<1x768x768xf32> to vector<768x768xf32>
    %dot_general3A = arith.constant dense<0.000000e+00> : vector<128x768xf32>
    %dot_general3A_7 = tpu.matmul %get3A_1, %get3A_6, %dot_general3A {dimension_numbers = #tpu.dot_dimension_numbers<[1], [1], [0], [0], [0, 0, 1, 0], [], []>, transpose_lhs_hint = false} : vector<128x768xf32>, vector<768x768xf32>, vector<128x768xf32> -> vector<128x768xf32>
    %get3A_8 = arith.constant 0 : index
    %get3A_9 = arith.constant 0 : index
    %get3A_10 = arith.constant 0 : index
    %get3A_11 = vector.load %arg4[%get3A_8, %get3A_9, %get3A_10] : memref<1x1x768xf32, #tpu.memory_space<vmem>>, vector<1x1x768xf32>
    %get3A_12 = vector.shape_cast %get3A_11 : vector<1x1x768xf32> to vector<1x768xf32>
    %add3A = vector.broadcast %get3A_12 : vector<1x768xf32> to vector<128x768xf32>
    %add3A_13 = arith.addf %dot_general3A_7, %add3A : vector<128x768xf32>
    %max3A = arith.constant 0.000000e+00 : f32
    %max3A_14 = vector.broadcast %max3A : f32 to vector<128x768xf32>
    %max3A_15 = arith.maximumf %add3A_13, %max3A_14 : vector<128x768xf32>
    %get3A_16 = arith.constant 0 : index
    %get3A_17 = arith.constant 0 : index
    %get3A_18 = arith.constant 0 : index
    %get3A_19 = vector.load %arg5[%get3A_16, %get3A_17, %get3A_18] : memref<1x768x768xf32, #tpu.memory_space<vmem>>, vector<1x768x768xf32>
    %get3A_20 = vector.shape_cast %get3A_19 : vector<1x768x768xf32> to vector<768x768xf32>
    %dot_general3A_21 = arith.constant dense<0.000000e+00> : vector<128x768xf32>
    %dot_general3A_22 = tpu.matmul %max3A_15, %get3A_20, %dot_general3A_21 {dimension_numbers = #tpu.dot_dimension_numbers<[1], [1], [0], [0], [0, 0, 1, 0], [], []>, transpose_lhs_hint = false} : vector<128x768xf32>, vector<768x768xf32>, vector<128x768xf32> -> vector<128x768xf32>
    %get3A_23 = arith.constant 0 : index
    %get3A_24 = arith.constant 0 : index
    %get3A_25 = arith.constant 0 : index
    %get3A_26 = vector.load %arg6[%get3A_23, %get3A_24, %get3A_25] : memref<1x1x768xf32, #tpu.memory_space<vmem>>, vector<1x1x768xf32>
    %get3A_27 = vector.shape_cast %get3A_26 : vector<1x1x768xf32> to vector<1x768xf32>
    %add3A_28 = vector.broadcast %get3A_27 : vector<1x768xf32> to vector<128x768xf32>
    %add3A_29 = arith.addf %dot_general3A_22, %add3A_28 : vector<128x768xf32>
    %get3A_30 = arith.constant 0 : index
    %get3A_31 = arith.constant 0 : index
    %get3A_32 = vector.load %arg7[%get3A_30, %get3A_31] : memref<128x1xf32, #tpu.memory_space<vmem>>, vector<128x1xf32>
    %mul3A = vector.broadcast %get3A_32 : vector<128x1xf32> to vector<128x768xf32>
    %mul3A_33 = arith.mulf %add3A_29, %mul3A : vector<128x768xf32>
    %swap3A = arith.constant 0 : index
    %swap3A_34 = arith.constant 0 : index
    %swap3A_35 = vector.load %arg8[%swap3A, %swap3A_34] : memref<128x768xf32, #tpu.memory_space<vmem>>, vector<128x768xf32>
    tpu.vector_store %arg8[%swap3A, %swap3A_34], %mul3A_33 {strides = array<i32>} : memref<128x768xf32, #tpu.memory_space<vmem>>, vector<128x768xf32>,
    return
  }
  func.func @transform_0(%arg0: i32, %arg1: memref<128xi32, #tpu.memory_space<smem>>) -> (i32, i32) {
    %c0_i32 = arith.constant 0 : i32
    %c0_i32_0 = arith.constant 0 : i32
    return %arg0, %c0_i32 : i32, i32
  }
  func.func @transform_1(%arg0: i32, %arg1: memref<128xi32, #tpu.memory_space<smem>>) -> (i32, i32, i32) {
    %get3A = arith.index_cast %arg0 : i32 to index
    %get3A_0 = memref.load %arg1[%get3A] : memref<128xi32, #tpu.memory_space<smem>>
    %c0_i32 = arith.constant 0 : i32
    %c0_i32_1 = arith.constant 0 : i32
    %c0_i32_2 = arith.constant 0 : i32
    return %get3A_0, %c0_i32, %c0_i32_1 : i32, i32, i32
  }
  func.func @transform_2(%arg0: i32, %arg1: memref<128xi32, #tpu.memory_space<smem>>) -> (i32, i32, i32) {
    %get3A = arith.index_cast %arg0 : i32 to index
    %get3A_0 = memref.load %arg1[%get3A] : memref<128xi32, #tpu.memory_space<smem>>
    %c0_i32 = arith.constant 0 : i32
    %c0_i32_1 = arith.constant 0 : i32
    %c0_i32_2 = arith.constant 0 : i32
    return %get3A_0, %c0_i32, %c0_i32_1 : i32, i32, i32
  }
  func.func @transform_3(%arg0: i32, %arg1: memref<128xi32, #tpu.memory_space<smem>>) -> (i32, i32, i32) {
    %get3A = arith.index_cast %arg0 : i32 to index
    %get3A_0 = memref.load %arg1[%get3A] : memref<128xi32, #tpu.memory_space<smem>>
    %c0_i32 = arith.constant 0 : i32
    %c0_i32_1 = arith.constant 0 : i32
    %c0_i32_2 = arith.constant 0 : i32
    return %get3A_0, %c0_i32, %c0_i32_1 : i32, i32, i32
  }
  func.func @transform_4(%arg0: i32, %arg1: memref<128xi32, #tpu.memory_space<smem>>) -> (i32, i32, i32) {
    %get3A = arith.index_cast %arg0 : i32 to index
    %get3A_0 = memref.load %arg1[%get3A] : memref<128xi32, #tpu.memory_space<smem>>
    %c0_i32 = arith.constant 0 : i32
    %c0_i32_1 = arith.constant 0 : i32
    %c0_i32_2 = arith.constant 0 : i32
    return %get3A_0, %c0_i32, %c0_i32_1 : i32, i32, i32
  }
  func.func @transform_5(%arg0: i32, %arg1: memref<128xi32, #tpu.memory_space<smem>>) -> (i32, i32) {
    %c0_i32 = arith.constant 0 : i32
    %c0_i32_0 = arith.constant 0 : i32
    return %arg0, %c0_i32 : i32, i32
  }
  func.func @transform_6(%arg0: i32, %arg1: memref<128xi32, #tpu.memory_space<smem>>) -> (i32, i32) {
    %c0_i32 = arith.constant 0 : i32
    %c0_i32_0 = arith.constant 0 : i32
    return %arg0, %c0_i32 : i32, i32
  }
}

</mosaic_0001>

<sc_bundles>
// kernel: gather_offload_async_start.1
scs
__scs_entry_jumppad:
0x0: {  	(pc) =	sbr.rel $0x88, $3  }
0x1: {  	(tag) =	ssettag $0x0;
	lr =	simm.s32 $0x1  }
0x2: {  	[smem:$0x3F99] =	sst lr;
	_ =	strace $0xD0000000  }
0x3: {  	_ = 	snop  }
0x4: {  	_ = 	snop  }
0x5: {  	_ = 	snop  }
0x6: {  	_ = 	snop  }
0x7: {  	_ = 	snop  }
__scs_overlays_trampoline_lowered:
0x8: {  	[smem:$0x3FA8] =	sst s0  }
0x9: {  	[smem:$0x3FA9] =	sst s1  }
0xa: {  	[smem:$0x3FAA] =	sst s2  }
0xb: {  	[smem:$0x3FAB] =	sst s3  }
0xc: {  	[smem:$0x3FAC] =	sst s4  }
0xd: {  	[smem:$0x3FAD] =	sst s5  }
0xe: {  	[smem:$0x3FAE] =	sst s6  }
0xf: {  	[smem:$0x3FAF] =	sst s7  }
0x10: {  	[smem:$0x3FB0] =	sst s8  }
0x11: {  	[smem:$0x3FB1] =	sst s9;
	s0 =	simm.s32 @!p0 $0x0  }
0x12: {  	s1 =	sld [smem:$0x3F97];
	s0 =	simm.s32 @p0 $0x1  }
0x13: {  	[smem:$0x3FB2] =	sst s0;
	s0 =	simm.s32 @!p1 $0x0  }
0x14: {  	s2 =	sld [smem:$0x3F96];
	s0 =	simm.s32 @p1 $0x1  }
0x15: {  	[smem:$0x3FB3] =	sst s0;
	s0 =	simm.s32 @!p2 $0x0  }
0x16: {  	s3 =	sld [smem:$0x3FDB];
	s0 =	simm.s32 @p2 $0x1  }
0x17: {  	s4 =	simm.s32 $0x1BF5;
	[smem:$0x3FB5] =	sst s0  }
0x18: {  	s0 =	sld [smem:$0x3F98];
	_ =	swait.ge [sflag:s4], $0x0  }
0x19: {  	s7 =	sld [smem:$0x3F99]  }
0x1a: {  	s8 =	sadd.s32 $0xFFFFE003, lr  }
0x1b: {  	s9 =	sadd.s32 $0xFFFFFEF7, lr;
	s5 =	simm.s32 $0xFFFFFFFF;
	p2 =	slt.u32 s8, $0xFFFFF086  }
0x1c: {  	p1 =	slt.u32 s9, $0xF7A;
	s5 =	simm.s32 @!p2 $0x0  }
0x1d: {  	s5 =	simm.s32 @p1 $0x1;
	p0 =	seq.s32 s7, s2  }
0x1e: {  	s7 =	smul.u32 @!p0 $0xF7A, s2;
	p2 =	seq.s32 @!p0 s5, $0x0  }
0x1f: {  	s9 =	smul.u32 $0xF7A, s1;
	s8 =	simm.s32 @!p0 $0x1BF5;
	p2 =	por !p2, p0  }
0x20: {  	[sflag:s8] =	ssyncset.s32 @!p0 $0xFFFFF086;
	s6 =	sadd.s32 @!p0 s3, s7;
	s7 =	simm.s32 @!p0 $0x108  }
0x21: {  	s3 =	sadd.s32 s3, s9;
	s6 =	sadd.s32 @!p0 $0x88, s6;
	s7 =	simm.s32 @p2 $0x1082  }
0x22: {  	[simem:s7], [sflag:s8] =	dma.local @!p0 [hbm:s6], $0xF7A  }
0x23: {  	s9 =	sor.u32 $0xD0000000, s2;
	s6 =	simm.s32 $0x108;
	_ =	swait.ge @!p0 [sflag:s8], $0x0  }
0x24: {  	s3 =	sadd.s32 $0x88, s3;
	s6 =	simm.s32 @!p1 $0x1082;
	[sflag:s4] =	ssyncset.s32 $0xFFFFF086  }
0x25: {  	[simem:s6], [sflag:s4] =	dma.local [hbm:s3], $0xF7A  }
0x26: {  	[smem:$0x3F99] =	sst s1;
	(tag) =	ssettag s2;
	_ =	strace s9  }
0x27: {  	s1 =	sld [smem:$0x3FA9]  }
0x28: {  	s2 =	sld [smem:$0x3FAA]  }
0x29: {  	s4 =	sld [smem:$0x3FAC]  }
0x2a: {  	p0 =	seq.s32 s5, $0x0;
	s5 =	sld [smem:$0x3FAD]  }
0x2b: {  	s6 =	sld [smem:$0x3FAE]  }
0x2c: {  	s7 =	sld [smem:$0x3FAF]  }
0x2d: {  	s3 =	simm.s32 $0x108;
	s8 =	sld [smem:$0x3FB0]  }
0x2e: {  	s3 =	simm.s32 @!p0 $0x1082;
	s9 =	sld [smem:$0x3FB1]  }
0x2f: {  	lr =	sadd.s32 s0, s3;
	s0 =	sld [smem:$0x3FA8]  }
0x30: {  	s3 =	sld [smem:$0x3FAB]  }
0x31: {  	[smem:$0x3FB4] =	sst s10  }
0x32: {  	s10 =	sld [smem:$0x3FB2];
	_ =	sdelay $0x3  }
0x33: {  	p0 =	seq.s32 s10, $0x1;
	s10 =	sld [smem:$0x3FB4];
	_ =	sdelay $0x3  }
0x34: {  	[smem:$0x3FB4] =	sst s10  }
0x35: {  	s10 =	sld [smem:$0x3FB3];
	_ =	sdelay $0x3  }
0x36: {  	p1 =	seq.s32 s10, $0x1;
	s10 =	sld [smem:$0x3FB4];
	_ =	sdelay $0x3  }
0x37: {  	[smem:$0x3FB4] =	sst s10  }
0x38: {  	s10 =	sld [smem:$0x3FB5]  }
0x39: {  	_ = 	snop;
	(pc) =	sbr.ind lr, $3  }
0x3a: {  	_ = 	snop  }
0x3b: {  	_ = 	snop  }
0x3c: {  	p2 =	seq.s32 s10, $0x1;
	s10 =	sld [smem:$0x3FB4]  }
0x3d: {  	_ =	shalt  }
0x3e: {  	_ =	shalt  }
0x3f: {  	_ =	shalt  }
0x40: {  	_ =	shalt  }
0x41: {  	_ =	shalt  }
0x42: {  	_ =	shalt  }
0x43: {  	_ =	shalt  }
0x44: {  	_ =	shalt  }
0x45: {  	_ =	shalt  }
0x46: {  	_ =	shalt  }
0x47: {  	_ =	shalt  }
0x48: {  	_ =	shalt  }
0x49: {  	_ =	shalt  }
0x4a: {  	_ =	shalt  }
0x4b: {  	_ =	shalt  }
0x4c: {  	_ =	shalt  }
0x4d: {  	_ =	shalt  }
0x4e: {  	_ =	shalt  }
0x4f: {  	_ =	shalt  }
0x50: {  	_ =	shalt  }
0x51: {  	_ =	shalt  }
0x52: {  	_ =	shalt  }
0x53: {  	_ =	shalt  }
0x54: {  	_ =	shalt  }
0x55: {  	_ =	shalt  }
0x56: {  	_ =	shalt  }
0x57: {  	_ =	shalt  }
0x58: {  	_ =	shalt  }
0x59: {  	_ =	shalt  }
0x5a: {  	_ =	shalt  }
0x5b: {  	_ =	shalt  }
0x5c: {  	_ =	shalt  }
0x5d: {  	_ =	shalt  }
0x5e: {  	_ =	shalt  }
0x5f: {  	_ =	shalt  }
0x60: {  	_ =	shalt  }
0x61: {  	_ =	shalt  }
0x62: {  	_ =	shalt  }
0x63: {  	_ =	shalt  }
0x64: {  	_ =	shalt  }
0x65: {  	_ =	shalt  }
0x66: {  	_ =	shalt  }
0x67: {  	_ =	shalt  }
0x68: {  	_ =	shalt  }
0x69: {  	_ =	shalt  }
0x6a: {  	_ =	shalt  }
0x6b: {  	_ =	shalt  }
0x6c: {  	_ =	shalt  }
0x6d: {  	_ =	shalt  }
0x6e: {  	_ =	shalt  }
0x6f: {  	_ =	shalt  }
0x70: {  	_ =	shalt  }
0x71: {  	_ =	shalt  }
0x72: {  	_ =	shalt  }
0x73: {  	_ =	shalt  }
0x74: {  	_ =	shalt  }
0x75: {  	_ =	shalt  }
0x76: {  	_ =	shalt  }
0x77: {  	_ =	shalt  }
0x78: {  	_ =	shalt  }
0x79: {  	_ =	shalt  }
0x7a: {  	_ =	shalt  }
0x7b: {  	_ =	shalt  }
0x7c: {  	_ =	shalt  }
0x7d: {  	_ =	shalt  }
0x7e: {  	_ =	shalt  }
0x7f: {  	_ =	shalt  }
0x80: {  	_ =	shalt  }
0x81: {  	_ =	shalt  }
0x82: {  	_ =	shalt  }
0x83: {  	_ =	shalt  }
0x84: {  	_ =	shalt  }
0x85: {  	_ =	shalt  }
0x86: {  	_ =	shalt  }
0x87: {  	_ =	shalt  }
.Lfunc_end0:
.L_simem_size_0:
called_computation.2_lowered:
.L_overlay_start_0:
0x88: {  	s2 =	sld [smem:$0x3FD9]  }
0x89: {  	s3 =	sld [smem:$0x3FFE];
	_ =	sdelay $0x1  }
0x8a: {  	s1 =	srdreg.scid  }
0x8b: {  	s0 =	sand.u32 $0x1, s1  }
0x8c: {  	s14 =	sshll.u32 s0, $0xA;
	s2 =	sadd.s32 s3, s2  }
0x8d: {  	s2 =	sadd.s32 s2, s14  }
0x8e: {  	[smem:$0x3FC0] =	sst s2  }
0x8f: {  	_ = 	snop  }
0x90: {  	s2 =	sld [smem:$0x3FD0];
	_ =	sdelay $0x2  }
0x91: {  	s15 =	simm.s32 $0xC;
	s4 =	simm.s32 $0x10  }
0x92: {  	[smem:s4], [sflag:s15] =	dma.local [hbm:s2], $0x1  }
0x93: {  	_ =	swait.eq [sflag:s15], $0x1  }
0x94: {  	[sflag:s15] =	ssyncset.done $0x0  }
0x95: {  	[sflag:s15] =	ssyncadd.s32 $0xFFFFFFFF  }
0x96: {  	s16 =	sld [smem:$0x10];
	(tm) =	ssettm $0x1  }
0x97: {  	s17 =	sld [smem:$0x3FFB];
	_ =	sdelay $0x3  }
0x98: {  	_ =	strace s17  }
0x99: {  	s3 =	sld [smem:$0x3FFC];
	_ =	sdelay $0x3  }
0x9a: {  	_ =	strace s3  }
0x9b: {  	s3 =	sld [smem:$0x3FFD];
	_ =	sdelay $0x3  }
0x9c: {  	_ =	strace s3  }
0x9d: {  	_ =	strace $0x8FFFFFFF  }
0x9e: {  	s18 =	sld [smem:$0x3FDB];
	_ =	sdelay $0x1  }
0x9f: {  	s19 =	simm.s32 $_scs_section_size  }
0xa0: {  	s5 =	simm.s32 $_size__tile_overlayer_lowered;
	s6 =	simm.s32 $_tile_overlayer_lowered  }
0xa1: {  	s22 =	simm.s32 $0x1BFF;
	s21 =	sshll.u32 s6, $0x1;
	s3 =	sadd.s32 s19, s18  }
0xa2: {  	s7 =	simm.s32 $0x0;
	s20 =	sshll.u32 s5, $0x1;
	s5 =	sadd.s32 s21, s3  }
0xa3: {  	[timem:s7], [sflag:s22] =	dma.local [hbm:s5], s20  }
0xa4: {  	_ =	swait.ge [sflag:s22], s20  }
0xa5: {  	s4 =	ssub.s32 $0x0, s20;
	[sflag:s22] =	ssyncset.done $0x0  }
0xa6: {  	[sflag:s22] =	ssyncadd.s32 s4;
	_ =	sdelay $0x1  }
0xa7: {  	s23 =	simm.s32 $0x1B8B  }
0xa8: {  	_ =	swait.ge [sflag:s23], $0x1  }
0xa9: {  	[sflag:s23] =	ssyncset.done $0x0  }
0xaa: {  	s25 =	simm.s32 $0x1B8E;
	s24 =	sld [smem:$0x3FFE];
	[sflag:s23] =	ssyncadd.s32 $0xFFFFFFFF  }
0xab: {  	s26 =	simm.s32 $execute0_lowered;
	[smem:$0x3FD2] =	sst s25  }
0xac: {  	s5 =	sshll.u32 s26, $0x1;
	_ =	strace $0x80000046;
	[dreg:$0x1] =	wrdreg $0xFFFFFFFF  }
0xad: {  	s28 =	simm.s32 $_size_execute0_lowered;
	s3 =	sadd.s32 s3, s5;
	[dreg:$0x0] =	wrdreg $0x0  }
0xae: {  	s5 =	sshll.u32 s28, $0x1;
	[dreg:$0x2] =	wrdreg s3  }
0xaf: {  	[dreg:$0x3] =	wrdreg s5  }
0xb0: {  	[dreg:$0x4] =	wrdreg $0xC0  }
0xb1: {  	_ =	task [dreg:s7], $0x5FFFF  }
0xb2: {  	[dreg:$0x1] =	wrdreg $0xFFFFFFFF  }
0xb3: {  	[dreg:$0x0] =	wrdreg $0x60  }
0xb4: {  	[dreg:$0x2] =	wrdreg s16  }
0xb5: {  	[dreg:$0x3] =	wrdreg s24  }
0xb6: {  	[dreg:$0x4] =	wrdreg $0x9  }
0xb7: {  	_ =	task.clear_ibuf [dreg:s7], $0x5FFFF;
	_ =	strace $0x90000046  }
0xb8: {  	s29 =	simm.s32 $0x9;
	_ =	strace $0x80000048  }
0xb9: {  	_ =	swait.ge [sflag:s29], $0x1  }
0xba: {  	[sflag:s29] =	ssyncadd.s32 $0xFFFFFFFF  }
0xbb: {  	_ =	strace $0x90000048  }
0xbc: {  	_ =	sfence  }
0xbd: {  	s30 =	sld [smem:$0x0];
	_ =	sdelay $0x2  }
0xbe: {  	s31 =	sshll.u32 s1, $0xD;
	s1 =	sshrl.u32 s1, $0x2  }
0xbf: {  	s3 =	sand.u32 $0x4000, s31;
	s1 =	sadd.s32 s1, s30  }
0xc0: {  	s0 =	sor.u32 s3, s0;
	s1 =	sshll.u32 s1, $0x11  }
0xc1: {  	s0 =	sor.u32 s1, s0  }
0xc2: {  	s0 =	sadd.s32 $0x8F2B, s0  }
0xc3: {  	[sflag:s0] =	ssyncadd.remote.s32 $0x1  }
0xc4: {  	_ =	sfence.sel $0xFFFF  }
0xc5: {  	[dreg:$0x0] =	wrdreg $0xFFFFFFFF;
	(pc) =	sbr.abs _section_cstart, $3  }
0xc6: {  	[dreg:$0x1] =	wrdreg $0xFFFFFFFF  }
0xc7: {  	_ =	task.clear_ibuf [dreg:s7], $0x2FFFF;
	_ =	strace $0x9FFFFFFF  }
0xc8: {  	(tm) =	ssettm $0x7FFFFFFF  }
0xc9: {  	_ =	shalt  }
tec
execute0_lowered:
.L_overlay_start_1:
0x0: {  	(tag) =	ssettag $0x1  }
0x1: {  	s1 =	srdreg.scid;
	s2 =	rddreg [dreg:$0x0]  }
0x2: {  	s0 =	stileid.u32;
	s5 =	rddreg [dreg:$0x1];
	s6 =	simm.s32 $0x1  }
0x3: {  	s9 =	simm.s32 $0x1;
	s10 =	simm.s32 $0x3;
	s1 =	sshll.u32 s1, $0x7  }
0x4: {  	s13 =	simm.s32 $0x0;
	s3 =	sshll.u32 s0, $0x8;
	s4 =	sand.u32 $0x80, s1  }
0x5: {  	s12 =	simm.s32 $0x0;
	s1 =	rddreg [dreg:$0x2];
	s3 =	sor.u32 s3, s4  }
0x6: {  	_ =	strace $0x80000047;
	s4 =	sadd.s32 $0x600, s5;
	s8 =	ssub.s32 $0x2000, s3  }
.Ltmp0:
0x7: {  	s5 =	sadd.s32 $0xE00, s5;
	s7 =	sand.u32 $0xF80, s8;
	(pc) =	sbr.rel .LBB2_1-.Ltmp0, $4  }
0x8: {  	[sflag:s6] =	ssyncpa.u1 $0x0;
	s11 =	smov.u32 s3;
	p0 =	sne.s32 s7, $0x0  }
0x9: {  	s8 =	sshrl.u32 s8, $0xC;
	s7 =	simm.s32 $0x2;
	s9 =	simm.s32 @!p0 $0x0  }
0xa: {  	[sflag:s7] =	ssyncpa.u1 $0x0;
	p0 =	por $0x0, $0x0;
	s8 =	sadd.s32 s9, s8  }
0xb: {  	vm0 =	vmmov $0xffff;
	[sflag:s10] =	ssyncpa.u1 $0x0;
	s10 =	simm.s32 $0x0;
	s9 =	sadd.s32 $0x1, s8  }
.LBB2_4:
0xc: {  	v2 =	vnsel vm1, $0x0, v2  }
0xd: {  	vm1 =	vgt.s32 v0, $0x0;
	v2 =	vmin.u32 v2, $0x1FFF  }
0xe: {  	v0 =	vnsel vm1, $0x0, v0  }
0xf: {  	v0 =	vmin.u32 v0, $0x1FFF  }
0x10: {  	[tilespmem:s15], [sflag:$0x1] =	stream.indirect_vreg.gather [hbm4b:s2+s10], $0x1, v1, vm0, $0x4038;
	[tilespmem:$0x200] =	vst v63  }
0x11: {  	(ifvalue) =	ssetifvalue $0x7FFFFFFF  }
0x12: {  	[tilespmem:s16], [sflag:$0x1] =	stream.indirect_vreg.gather [hbm4b:s2+s10], $0x1, v2, vm0, $0x4038;
	[tilespmem:$0x200] =	vst v63  }
0x13: {  	s29 =	sadd.s32 $0x10, s16;
	(ifvalue) =	ssetifvalue $0x7FFFFFFF  }
0x14: {  	[tilespmem:s29], [sflag:$0x1] =	stream.indirect_vreg.gather [hbm4b:s2+s10], $0x1, v0, vm0, $0x4038;
	[tilespmem:$0x200] =	vst v63  }
0x15: {  	_ =	swait.ge [sflag:s6], $0x80  }
0x16: {  	s30 =	sshrl.u32 s13, $0x3;
	[sflag:s6] =	ssyncset.done $0x0  }
0x17: {  	s31 =	sand.u32 $0x7, s13;
	s15 =	sadd.s32 s5, s30;
	[sflag:s6] =	ssyncadd.s32 $0xFFFFFF80  }
0x18: {  	[hbm4b:s15+s31] =	stream.linear.scatter [tilespmem:s14], [sflag:$0x3], $0x80, $0x38;
	[tilespmem:$0x200] =	vst v63  }
.LBB2_5:
0x19: {  	s15 =	sadd.s32 $0x1000, s11  }
0x1a: {  	p2 =	sgt.s32 s15, $0x1FFF  }
0x1b: {  	s15 =	smov.u32 @p2 s3;
	p2 =	sne.s32 s12, s9  }
.Ltmp1:
0x1c: {  	p1 =	slt.u32 s12, $0x2;
	(pc) =	sbr.rel @!p2 .LBB2_6-.Ltmp1, $4  }
0x1d: {  	s14 =	simm.s32 @!p1 $0x3  }
0x1e: {  	s16 =	sadd.s32 $0x1, s12;
	_ =	swait.ge @!p1 [sflag:s14], $0x80  }
0x1f: {  	s13 =	smov.u32 s11;
	p0 =	por !p0, !p0;
	[sflag:s14] =	ssyncset.done @!p1 $0x0  }
0x20: {  	s12 =	smov.u32 s16;
	s11 =	smov.u32 s15;
	[sflag:s14] =	ssyncadd.s32 @!p1 $0xFFFFFF80  }
.LBB2_1:
0x21: {  	p1 =	sge.u32 s12, s8  }
0x22: {  	s14 =	sxor.u32 @!p1 $0xFFFFFFFF, s12  }
0x23: {  	s31 =	sadd.s32 $0xFFFFFFFF, s12;
	s15 =	sshrl.u32 @!p1 s11, $0x3;
	s14 =	sshll.u32 @!p1 s14, $0x7  }
0x24: {  	s16 =	sand.u32 @!p1 $0x7, s11;
	s15 =	sadd.s32 @!p1 s4, s15;
	s14 =	sand.u32 @!p1 $0x80, s14  }
0x25: {  	[tilespmem:s14], [sflag:$0x2] =	stream.linear.gather @!p1 [hbm4b:s15+s16], $0x80, $0x38;
	[tilespmem:$0x200] =	vst v63  }
0x26: {  	p1 =	sge.u32 s31, s8  }
.Ltmp2:
0x27: {  	_ = 	snop;
	(pc) =	sbr.rel @p1 .LBB2_5-.Ltmp2, $1  }
0x28: {  	_ =	sdelay $0x3  }
0x29: {  	s14 =	simm.s32 $0x1  }
0x2a: {  	_ =	swait.ge [sflag:s7], $0x80;
	s14 =	simm.s32 @!p0 $0x0  }
0x2b: {  	[sflag:s7] =	ssyncset.done $0x0;
	s14 =	sshll.u32 s14, $0x7  }
0x2c: {  	[sflag:s7] =	ssyncadd.s32 $0xFFFFFF80;
	(ifvalue) =	ssetifvalue $0x7FFFFFFF;
	v0 =	vld.msk [tilespmem:s14+$0x0 ss:$0x1], $0xffff;
	_ =	sdelay $0x4  }
0x2d: {  	s15 =	sadd.s32 $0x10, s14;
	vm1 =	vgt.s32 v0, $0x0  }
0x2e: {  	v2 =	vld.msk [tilespmem:s15+$0x0 ss:$0x1], $0xffff;
	v1 =	vnsel vm1, $0x0, v0  }
0x2f: {  	v1 =	vmin.u32 v1, $0x1FFF;
	_ =	sdelay $0x1  }
0x30: {  	s16 =	sshll.u32 s12, $0x7;
	s18 =	simm.s32 $0x20  }
0x31: {  	s16 =	sand.u32 $0x80, s16;
	s17 =	sadd.s32 $0x10, s15;
	s15 =	sor.u32 $0x100, s14  }
0x32: {  	s14 =	sor.u32 $0x100, s16;
	s16 =	sadd.s32 $0x10, s15;
	v0 =	vld.msk [tilespmem:s17+$0x0 ss:$0x1], $0xffff;
	vm1 =	vgt.s32 v2, $0x0;
	(ifvalue) =	ssetifvalue $0x7FFFFFFF  }
.LBB2_3:
0x33: {  	[tilespmem:s15], [sflag:$0x1] =	stream.indirect_vreg.gather [hbm4b:s2+s10], $0x1, v1, vm0, $0x4038;
	[tilespmem:$0x200] =	vst v63  }
0x34: {  	s18 =	sadd.s32 $0x10, s18  }
0x35: {  	v2 =	vnsel vm1, $0x0, v2;
	p1 =	slt.u32 s18, $0x70  }
.Ltmp3:
0x36: {  	s15 =	smov.u32 s16;
	v1 =	vmin.u32 v2, $0x1FFF;
	(pc) =	sbr.rel @p1 .LBB2_3-.Ltmp3, $3  }
0x37: {  	_ =	sdelay $0x1  }
0x38: {  	s17 =	sadd.s32 $0x10, s17  }
0x39: {  	vm1 =	vgt.s32 v0, $0x0;
	s16 =	sadd.s32 $0x10, s16;
	v2 =	vmov v0;
	(ifvalue) =	ssetifvalue $0x7FFFFFFF;
	v0 =	vld.msk [tilespmem:s17+$0x0 ss:$0x1], $0xffff  }
.Ltmp4:
0x3a: {  	_ = 	snop;
	(pc) =	sbr.rel .LBB2_4-.Ltmp4, $1  }
0x3b: {  	_ =	sdelay $0x3  }
.LBB2_6:
0x3c: {  	_ =	sfence.sel $0x180000  }
0x3d: {  	s2 =	simm.s32 $0x2;
	[bflag:$0x0] =	sbarrier.arrive $0xFFFF  }
0x3e: {  	s30 =	simm.s32 $0x3;
	[sflag:s2] =	ssyncpa.u1 $0x1  }
0x3f: {  	s31 =	simm.s32 $0x1;
	[sflag:s30] =	ssyncpa.u1 $0x1  }
0x40: {  	[sflag:s31] =	ssyncpa.u1 $0x1  }
0x41: {  	p0 =	sne.s32 s0, $0x0;
	_ =	strace $0x90000047  }
0x42: {  	s0 =	sadd.s32 @!p0 $0x100000, s1;
	[bflag:$0x2] =	sbarrier.arrive $0xFFFF  }
0x43: {  	[sflag:s0] =	ssyncadd.tile.s32 @!p0 $0x1;
	_ =	shalt  }
.Lfunc_end2:
_tile_overlayer_lowered:
.L_overlay_start_2:
0x44: {  	(tag) =	ssettag $0x2  }
0x45: {  	s0 =	rddreg [dreg:$0x0];
	s2 =	stileid.u32  }
0x46: {  	s1 =	rddreg [dreg:$0x1];
	p0 =	sne.s32 s2, $0x0  }
0x47: {  	s3 =	rddreg [dreg:$0x2];
	[bflag:$0x3] =	sbarrier.arrive $0xFFFF;
	s2 =	simm.s32 @!p0 $0x1C01  }
0x48: {  	[timem:s3], [sflag:s2] =	dma.local @!p0 [hbm:s0], s1  }
0x49: {  	s0 =	simm.s32 @!p0 $0x1  }
0x4a: {  	_ =	swait.ge @!p0 [sflag:s0], s1  }
0x4b: {  	s1 =	ssub.s32 @!p0 $0x0, s1;
	[sflag:s0] =	ssyncset.done @!p0 $0x0  }
0x4c: {  	[sflag:s0] =	ssyncadd.s32 @!p0 s1  }
0x4d: {  	[bflag:$0x3] =	sbarrier.arrive $0xFFFF  }
0x4e: {  	_ =	shalt  }

// kernel: gather_offload_async_start.2
scs
__scs_entry_jumppad:
0x0: {  	(pc) =	sbr.rel $0x88, $3  }
0x1: {  	(tag) =	ssettag $0x0;
	lr =	simm.s32 $0x1  }
0x2: {  	[smem:$0x3F99] =	sst lr;
	_ =	strace $0xD0000000  }
0x3: {  	_ = 	snop  }
0x4: {  	_ = 	snop  }
0x5: {  	_ = 	snop  }
0x6: {  	_ = 	snop  }
0x7: {  	_ = 	snop  }
__scs_overlays_trampoline_lowered:
0x8: {  	[smem:$0x3FA8] =	sst s0  }
0x9: {  	[smem:$0x3FA9] =	sst s1  }
0xa: {  	[smem:$0x3FAA] =	sst s2  }
0xb: {  	[smem:$0x3FAB] =	sst s3  }
0xc: {  	[smem:$0x3FAC] =	sst s4  }
0xd: {  	[smem:$0x3FAD] =	sst s5  }
0xe: {  	[smem:$0x3FAE] =	sst s6  }
0xf: {  	[smem:$0x3FAF] =	sst s7  }
0x10: {  	[smem:$0x3FB0] =	sst s8  }
0x11: {  	[smem:$0x3FB1] =	sst s9;
	s0 =	simm.s32 @!p0 $0x0  }
0x12: {  	s1 =	sld [smem:$0x3F97];
	s0 =	simm.s32 @p0 $0x1  }
0x13: {  	[smem:$0x3FB2] =	sst s0;
	s0 =	simm.s32 @!p1 $0x0  }
0x14: {  	s2 =	sld [smem:$0x3F96];
	s0 =	simm.s32 @p1 $0x1  }
0x15: {  	[smem:$0x3FB3] =	sst s0;
	s0 =	simm.s32 @!p2 $0x0  }
0x16: {  	s3 =	sld [smem:$0x3FDB];
	s0 =	simm.s32 @p2 $0x1  }
0x17: {  	s4 =	simm.s32 $0x1BF5;
	[smem:$0x3FB5] =	sst s0  }
0x18: {  	s0 =	sld [smem:$0x3F98];
	_ =	swait.ge [sflag:s4], $0x0  }
0x19: {  	s7 =	sld [smem:$0x3F99]  }
0x1a: {  	s8 =	sadd.s32 $0xFFFFE003, lr  }
0x1b: {  	s9 =	sadd.s32 $0xFFFFFEF7, lr;
	s5 =	simm.s32 $0xFFFFFFFF;
	p2 =	slt.u32 s8, $0xFFFFF086  }
0x1c: {  	p1 =	slt.u32 s9, $0xF7A;
	s5 =	simm.s32 @!p2 $0x0  }
0x1d: {  	s5 =	simm.s32 @p1 $0x1;
	p0 =	seq.s32 s7, s2  }
0x1e: {  	s7 =	smul.u32 @!p0 $0xF7A, s2;
	p2 =	seq.s32 @!p0 s5, $0x0  }
0x1f: {  	s9 =	smul.u32 $0xF7A, s1;
	s8 =	simm.s32 @!p0 $0x1BF5;
	p2 =	por !p2, p0  }
0x20: {  	[sflag:s8] =	ssyncset.s32 @!p0 $0xFFFFF086;
	s6 =	sadd.s32 @!p0 s3, s7;
	s7 =	simm.s32 @!p0 $0x108  }
0x21: {  	s3 =	sadd.s32 s3, s9;
	s6 =	sadd.s32 @!p0 $0x88, s6;
	s7 =	simm.s32 @p2 $0x1082  }
0x22: {  	[simem:s7], [sflag:s8] =	dma.local @!p0 [hbm:s6], $0xF7A  }
0x23: {  	s9 =	sor.u32 $0xD0000000, s2;
	s6 =	simm.s32 $0x108;
	_ =	swait.ge @!p0 [sflag:s8], $0x0  }
0x24: {  	s3 =	sadd.s32 $0x88, s3;
	s6 =	simm.s32 @!p1 $0x1082;
	[sflag:s4] =	ssyncset.s32 $0xFFFFF086  }
0x25: {  	[simem:s6], [sflag:s4] =	dma.local [hbm:s3], $0xF7A  }
0x26: {  	[smem:$0x3F99] =	sst s1;
	(tag) =	ssettag s2;
	_ =	strace s9  }
0x27: {  	s1 =	sld [smem:$0x3FA9]  }
0x28: {  	s2 =	sld [smem:$0x3FAA]  }
0x29: {  	s4 =	sld [smem:$0x3FAC]  }
0x2a: {  	p0 =	seq.s32 s5, $0x0;
	s5 =	sld [smem:$0x3FAD]  }
0x2b: {  	s6 =	sld [smem:$0x3FAE]  }
0x2c: {  	s7 =	sld [smem:$0x3FAF]  }
0x2d: {  	s3 =	simm.s32 $0x108;
	s8 =	sld [smem:$0x3FB0]  }
0x2e: {  	s3 =	simm.s32 @!p0 $0x1082;
	s9 =	sld [smem:$0x3FB1]  }
0x2f: {  	lr =	sadd.s32 s0, s3;
	s0 =	sld [smem:$0x3FA8]  }
0x30: {  	s3 =	sld [smem:$0x3FAB]  }
0x31: {  	[smem:$0x3FB4] =	sst s10  }
0x32: {  	s10 =	sld [smem:$0x3FB2];
	_ =	sdelay $0x3  }
0x33: {  	p0 =	seq.s32 s10, $0x1;
	s10 =	sld [smem:$0x3FB4];
	_ =	sdelay $0x3  }
0x34: {  	[smem:$0x3FB4] =	sst s10  }
0x35: {  	s10 =	sld [smem:$0x3FB3];
	_ =	sdelay $0x3  }
0x36: {  	p1 =	seq.s32 s10, $0x1;
	s10 =	sld [smem:$0x3FB4];
	_ =	sdelay $0x3  }
0x37: {  	[smem:$0x3FB4] =	sst s10  }
0x38: {  	s10 =	sld [smem:$0x3FB5]  }
0x39: {  	_ = 	snop;
	(pc) =	sbr.ind lr, $3  }
0x3a: {  	_ = 	snop  }
0x3b: {  	_ = 	snop  }
0x3c: {  	p2 =	seq.s32 s10, $0x1;
	s10 =	sld [smem:$0x3FB4]  }
0x3d: {  	_ =	shalt  }
0x3e: {  	_ =	shalt  }
0x3f: {  	_ =	shalt  }
0x40: {  	_ =	shalt  }
0x41: {  	_ =	shalt  }
0x42: {  	_ =	shalt  }
0x43: {  	_ =	shalt  }
0x44: {  	_ =	shalt  }
0x45: {  	_ =	shalt  }
0x46: {  	_ =	shalt  }
0x47: {  	_ =	shalt  }
0x48: {  	_ =	shalt  }
0x49: {  	_ =	shalt  }
0x4a: {  	_ =	shalt  }
0x4b: {  	_ =	shalt  }
0x4c: {  	_ =	shalt  }
0x4d: {  	_ =	shalt  }
0x4e: {  	_ =	shalt  }
0x4f: {  	_ =	shalt  }
0x50: {  	_ =	shalt  }
0x51: {  	_ =	shalt  }
0x52: {  	_ =	shalt  }
0x53: {  	_ =	shalt  }
0x54: {  	_ =	shalt  }
0x55: {  	_ =	shalt  }
0x56: {  	_ =	shalt  }
0x57: {  	_ =	shalt  }
0x58: {  	_ =	shalt  }
0x59: {  	_ =	shalt  }
0x5a: {  	_ =	shalt  }
0x5b: {  	_ =	shalt  }
0x5c: {  	_ =	shalt  }
0x5d: {  	_ =	shalt  }
0x5e: {  	_ =	shalt  }
0x5f: {  	_ =	shalt  }
0x60: {  	_ =	shalt  }
0x61: {  	_ =	shalt  }
0x62: {  	_ =	shalt  }
0x63: {  	_ =	shalt  }
0x64: {  	_ =	shalt  }
0x65: {  	_ =	shalt  }
0x66: {  	_ =	shalt  }
0x67: {  	_ =	shalt  }
0x68: {  	_ =	shalt  }
0x69: {  	_ =	shalt  }
0x6a: {  	_ =	shalt  }
0x6b: {  	_ =	shalt  }
0x6c: {  	_ =	shalt  }
0x6d: {  	_ =	shalt  }
0x6e: {  	_ =	shalt  }
0x6f: {  	_ =	shalt  }
0x70: {  	_ =	shalt  }
0x71: {  	_ =	shalt  }
0x72: {  	_ =	shalt  }
0x73: {  	_ =	shalt  }
0x74: {  	_ =	shalt  }
0x75: {  	_ =	shalt  }
0x76: {  	_ =	shalt  }
0x77: {  	_ =	shalt  }
0x78: {  	_ =	shalt  }
0x79: {  	_ =	shalt  }
0x7a: {  	_ =	shalt  }
0x7b: {  	_ =	shalt  }
0x7c: {  	_ =	shalt  }
0x7d: {  	_ =	shalt  }
0x7e: {  	_ =	shalt  }
0x7f: {  	_ =	shalt  }
0x80: {  	_ =	shalt  }
0x81: {  	_ =	shalt  }
0x82: {  	_ =	shalt  }
0x83: {  	_ =	shalt  }
0x84: {  	_ =	shalt  }
0x85: {  	_ =	shalt  }
0x86: {  	_ =	shalt  }
0x87: {  	_ =	shalt  }
.Lfunc_end0:
.L_simem_size_0:
called_computation.3_lowered:
.L_overlay_start_0:
0x88: {  	s2 =	sld [smem:$0x3FD9]  }
0x89: {  	s3 =	sld [smem:$0x3FFE];
	_ =	sdelay $0x1  }
0x8a: {  	s1 =	srdreg.scid  }
0x8b: {  	s0 =	sand.u32 $0x1, s1  }
0x8c: {  	s15 =	sshll.u32 s0, $0xA;
	s2 =	sadd.s32 s3, s2  }
0x8d: {  	s2 =	sadd.s32 s2, s15  }
0x8e: {  	[smem:$0x3FC0] =	sst s2  }
0x8f: {  	_ = 	snop  }
0x90: {  	s2 =	sld [smem:$0x3FD0];
	_ =	sdelay $0x2  }
0x91: {  	s16 =	simm.s32 $0xC;
	s4 =	simm.s32 $0x10  }
0x92: {  	[smem:s4], [sflag:s16] =	dma.local [hbm:s2], $0x1  }
0x93: {  	_ =	swait.eq [sflag:s16], $0x1  }
0x94: {  	[sflag:s16] =	ssyncset.done $0x0  }
0x95: {  	[sflag:s16] =	ssyncadd.s32 $0xFFFFFFFF  }
0x96: {  	s17 =	sld [smem:$0x10];
	(tm) =	ssettm $0x1  }
0x97: {  	s18 =	sld [smem:$0x3FFB];
	_ =	sdelay $0x3  }
0x98: {  	_ =	strace s18  }
0x99: {  	s2 =	sld [smem:$0x3FFC];
	_ =	sdelay $0x3  }
0x9a: {  	_ =	strace s2  }
0x9b: {  	s2 =	sld [smem:$0x3FFD];
	_ =	sdelay $0x3  }
0x9c: {  	_ =	strace s2  }
0x9d: {  	_ =	strace $0x8FFFFFFF  }
0x9e: {  	s19 =	sld [smem:$0x3FDB];
	_ =	sdelay $0x1  }
0x9f: {  	s20 =	simm.s32 $_scs_section_size  }
0xa0: {  	s5 =	simm.s32 $_size__tile_overlayer_lowered;
	s6 =	simm.s32 $_tile_overlayer_lowered  }
0xa1: {  	s7 =	simm.s32 $0x1BFF;
	s21 =	sshll.u32 s6, $0x1;
	s4 =	sadd.s32 s20, s19  }
0xa2: {  	s22 =	simm.s32 $0x0;
	s5 =	sshll.u32 s5, $0x1;
	s6 =	sadd.s32 s21, s4  }
0xa3: {  	[timem:s22], [sflag:s7] =	dma.local [hbm:s6], s5  }
0xa4: {  	_ =	swait.ge [sflag:s7], s5  }
0xa5: {  	s5 =	ssub.s32 $0x0, s5;
	[sflag:s7] =	ssyncset.done $0x0  }
0xa6: {  	[sflag:s7] =	ssyncadd.s32 s5;
	_ =	sdelay $0x1  }
0xa7: {  	s23 =	simm.s32 $0x1B8B  }
0xa8: {  	_ =	swait.ge [sflag:s23], $0x1  }
0xa9: {  	[sflag:s23] =	ssyncset.done $0x0  }
0xaa: {  	[sflag:s23] =	ssyncadd.s32 $0xFFFFFFFF  }
0xab: {  	s5 =	sld [smem:$0x0]  }
0xac: {  	s6 =	sand.u32 $0xFFFFFFFE, s1  }
0xad: {  	p0 =	sne.s32 s1, s6  }
0xae: {  	s6 =	sshll.u32 @p0 s6, $0xE  }
0xaf: {  	s6 =	sadd.s32 @p0 $0x11B8D, s6;
	s7 =	sshll.u32 @p0 s5, $0x11  }
0xb0: {  	s6 =	sor.u32 @p0 s7, s6  }
0xb1: {  	[sflag:s6] =	ssyncadd.remote.s32 @p0 $0x1;
	_ =	sdelay $0x1  }
0xb2: {  	s6 =	simm.s32 @p0 $0x1B8D  }
0xb3: {  	_ =	swait.eq @p0 [sflag:s6], $0x1  }
0xb4: {  	[sflag:s6] =	ssyncadd.s32 @p0 $0xFFFFFFFF  }
0xb5: {  	s7 =	sshll.u32 @!p0 s1, $0xE  }
0xb6: {  	s7 =	sor.u32 @!p0 $0x4000, s7;
	s6 =	simm.s32 @!p0 $0x1B8D  }
0xb7: {  	s5 =	sshll.u32 @!p0 s5, $0x11;
	s7 =	sadd.s32 @!p0 $0x11B8D, s7;
	_ =	swait.eq @!p0 [sflag:s6], $0x1  }
0xb8: {  	s5 =	sor.u32 @!p0 s5, s7;
	[sflag:s6] =	ssyncadd.s32 @!p0 $0xFFFFFFFF  }
0xb9: {  	s25 =	simm.s32 $0x1B8E;
	s24 =	sld [smem:$0x3FFE];
	[sflag:s5] =	ssyncadd.remote.s32 @!p0 $0x1  }
0xba: {  	s26 =	simm.s32 $execute0_lowered;
	[smem:$0x3FD2] =	sst s25  }
0xbb: {  	s6 =	sshll.u32 s26, $0x1;
	_ =	strace $0x8000004F;
	[dreg:$0x1] =	wrdreg $0xFFFFFFFF  }
0xbc: {  	s28 =	simm.s32 $_size_execute0_lowered;
	s4 =	sadd.s32 s4, s6;
	[dreg:$0x0] =	wrdreg $0x0  }
0xbd: {  	s6 =	sshll.u32 s28, $0x1;
	[dreg:$0x2] =	wrdreg s4  }
0xbe: {  	[dreg:$0x3] =	wrdreg s6  }
0xbf: {  	[dreg:$0x4] =	wrdreg $0xC0  }
0xc0: {  	_ =	task [dreg:s22], $0x5FFFF  }
0xc1: {  	[dreg:$0x1] =	wrdreg $0xFFFFFFFF  }
0xc2: {  	[dreg:$0x0] =	wrdreg $0x60  }
0xc3: {  	[dreg:$0x2] =	wrdreg s17  }
0xc4: {  	[dreg:$0x3] =	wrdreg s24  }
0xc5: {  	[dreg:$0x4] =	wrdreg $0xA  }
0xc6: {  	_ =	task.clear_ibuf [dreg:s22], $0x5FFFF;
	_ =	strace $0x9000004F  }
0xc7: {  	s29 =	simm.s32 $0xA;
	_ =	strace $0x80000051  }
0xc8: {  	_ =	swait.ge [sflag:s29], $0x1  }
0xc9: {  	[sflag:s29] =	ssyncadd.s32 $0xFFFFFFFF  }
0xca: {  	_ =	strace $0x90000051  }
0xcb: {  	_ =	sfence  }
0xcc: {  	s30 =	sld [smem:$0x0];
	_ =	sdelay $0x2  }
0xcd: {  	s31 =	sshll.u32 s1, $0xD;
	s1 =	sshrl.u32 s1, $0x2  }
0xce: {  	s4 =	sand.u32 $0x4000, s31;
	s1 =	sadd.s32 s1, s30  }
0xcf: {  	s0 =	sor.u32 s4, s0;
	s1 =	sshll.u32 s1, $0x11  }
0xd0: {  	s0 =	sor.u32 s1, s0  }
0xd1: {  	s0 =	sadd.s32 $0x8F2B, s0  }
0xd2: {  	[sflag:s0] =	ssyncadd.remote.s32 $0x1  }
0xd3: {  	_ =	sfence.sel $0xFFFF  }
0xd4: {  	[dreg:$0x0] =	wrdreg $0xFFFFFFFF;
	(pc) =	sbr.abs _section_cstart, $3  }
0xd5: {  	[dreg:$0x1] =	wrdreg $0xFFFFFFFF  }
0xd6: {  	_ =	task.clear_ibuf [dreg:s22], $0x2FFFF;
	_ =	strace $0x9FFFFFFF  }
0xd7: {  	(tm) =	ssettm $0x7FFFFFFF  }
tec
execute0_lowered:
.L_overlay_start_1:
0x0: {  	(tag) =	ssettag $0x1  }
0x1: {  	s1 =	srdreg.scid;
	s2 =	rddreg [dreg:$0x0]  }
0x2: {  	s0 =	stileid.u32;
	s5 =	rddreg [dreg:$0x1];
	s6 =	simm.s32 $0x1  }
0x3: {  	s9 =	simm.s32 $0x1;
	s10 =	simm.s32 $0x3;
	s1 =	sshll.u32 s1, $0x7  }
0x4: {  	s13 =	simm.s32 $0x0;
	s3 =	sshll.u32 s0, $0x8;
	s4 =	sand.u32 $0x80, s1  }
0x5: {  	s12 =	simm.s32 $0x0;
	s1 =	rddreg [dreg:$0x2];
	s3 =	sor.u32 s3, s4  }
0x6: {  	_ =	strace $0x80000050;
	s4 =	sadd.s32 $0x1200, s5;
	s8 =	ssub.s32 $0x2000, s3  }
.Ltmp0:
0x7: {  	s5 =	sadd.s32 $0x9A00, s5;
	s7 =	sand.u32 $0xF80, s8;
	(pc) =	sbr.rel .LBB2_1-.Ltmp0, $4  }
0x8: {  	[sflag:s6] =	ssyncpa.u1 $0x0;
	s11 =	smov.u32 s3;
	p0 =	sne.s32 s7, $0x0  }
0x9: {  	s8 =	sshrl.u32 s8, $0xC;
	s7 =	simm.s32 $0x2;
	s9 =	simm.s32 @!p0 $0x0  }
0xa: {  	[sflag:s7] =	ssyncpa.u1 $0x0;
	p0 =	por $0x0, $0x0;
	s8 =	sadd.s32 s9, s8  }
0xb: {  	vm0 =	vmmov $0xffff;
	[sflag:s10] =	ssyncpa.u1 $0x0;
	s10 =	simm.s32 $0x0;
	s9 =	sadd.s32 $0x1, s8  }
.LBB2_4:
0xc: {  	v2 =	vnsel vm1, $0x0, v2  }
0xd: {  	vm1 =	vgt.s32 v0, $0x0;
	v2 =	vmin.u32 v2, $0x1FFF  }
0xe: {  	v0 =	vnsel vm1, $0x0, v0  }
0xf: {  	v0 =	vmin.u32 v0, $0x1FFF  }
0x10: {  	[tilespmem:s15], [sflag:$0x1] =	stream.indirect_vreg.gather [hbm4b:s2+s10], $0x1, v1, vm0, $0x4038;
	[tilespmem:$0x200] =	vst v63  }
0x11: {  	(ifvalue) =	ssetifvalue $0x7FFFFFFF  }
0x12: {  	[tilespmem:s16], [sflag:$0x1] =	stream.indirect_vreg.gather [hbm4b:s2+s10], $0x1, v2, vm0, $0x4038;
	[tilespmem:$0x200] =	vst v63  }
0x13: {  	s29 =	sadd.s32 $0x10, s16;
	(ifvalue) =	ssetifvalue $0x7FFFFFFF  }
0x14: {  	[tilespmem:s29], [sflag:$0x1] =	stream.indirect_vreg.gather [hbm4b:s2+s10], $0x1, v0, vm0, $0x4038;
	[tilespmem:$0x200] =	vst v63  }
0x15: {  	_ =	swait.ge [sflag:s6], $0x80  }
0x16: {  	s30 =	sshrl.u32 s13, $0x3;
	[sflag:s6] =	ssyncset.done $0x0  }
0x17: {  	s31 =	sand.u32 $0x7, s13;
	s15 =	sadd.s32 s5, s30;
	[sflag:s6] =	ssyncadd.s32 $0xFFFFFF80  }
0x18: {  	[hbm4b:s15+s31] =	stream.linear.scatter [tilespmem:s14], [sflag:$0x3], $0x80, $0x38;
	[tilespmem:$0x200] =	vst v63  }
.LBB2_5:
0x19: {  	s15 =	sadd.s32 $0x1000, s11  }
0x1a: {  	p2 =	sgt.s32 s15, $0x1FFF  }
0x1b: {  	s15 =	smov.u32 @p2 s3;
	p2 =	sne.s32 s12, s9  }
.Ltmp1:
0x1c: {  	p1 =	slt.u32 s12, $0x2;
	(pc) =	sbr.rel @!p2 .LBB2_6-.Ltmp1, $4  }
0x1d: {  	s14 =	simm.s32 @!p1 $0x3  }
0x1e: {  	s16 =	sadd.s32 $0x1, s12;
	_ =	swait.ge @!p1 [sflag:s14], $0x80  }
0x1f: {  	s13 =	smov.u32 s11;
	p0 =	por !p0, !p0;
	[sflag:s14] =	ssyncset.done @!p1 $0x0  }
0x20: {  	s12 =	smov.u32 s16;
	s11 =	smov.u32 s15;
	[sflag:s14] =	ssyncadd.s32 @!p1 $0xFFFFFF80  }
.LBB2_1:
0x21: {  	p1 =	sge.u32 s12, s8  }
0x22: {  	s14 =	sxor.u32 @!p1 $0xFFFFFFFF, s12  }
0x23: {  	s31 =	sadd.s32 $0xFFFFFFFF, s12;
	s15 =	sshrl.u32 @!p1 s11, $0x3;
	s14 =	sshll.u32 @!p1 s14, $0x7  }
0x24: {  	s16 =	sand.u32 @!p1 $0x7, s11;
	s15 =	sadd.s32 @!p1 s4, s15;
	s14 =	sand.u32 @!p1 $0x80, s14  }
0x25: {  	[tilespmem:s14], [sflag:$0x2] =	stream.linear.gather @!p1 [hbm4b:s15+s16], $0x80, $0x38;
	[tilespmem:$0x200] =	vst v63  }
0x26: {  	p1 =	sge.u32 s31, s8  }
.Ltmp2:
0x27: {  	_ = 	snop;
	(pc) =	sbr.rel @p1 .LBB2_5-.Ltmp2, $1  }
0x28: {  	_ =	sdelay $0x3  }
0x29: {  	s14 =	simm.s32 $0x1  }
0x2a: {  	_ =	swait.ge [sflag:s7], $0x80;
	s14 =	simm.s32 @!p0 $0x0  }
0x2b: {  	[sflag:s7] =	ssyncset.done $0x0;
	s14 =	sshll.u32 s14, $0x7  }
0x2c: {  	[sflag:s7] =	ssyncadd.s32 $0xFFFFFF80;
	(ifvalue) =	ssetifvalue $0x7FFFFFFF;
	v0 =	vld.msk [tilespmem:s14+$0x0 ss:$0x1], $0xffff;
	_ =	sdelay $0x4  }
0x2d: {  	s15 =	sadd.s32 $0x10, s14;
	vm1 =	vgt.s32 v0, $0x0  }
0x2e: {  	v2 =	vld.msk [tilespmem:s15+$0x0 ss:$0x1], $0xffff;
	v1 =	vnsel vm1, $0x0, v0  }
0x2f: {  	v1 =	vmin.u32 v1, $0x1FFF;
	_ =	sdelay $0x1  }
0x30: {  	s16 =	sshll.u32 s12, $0x7;
	s18 =	simm.s32 $0x20  }
0x31: {  	s16 =	sand.u32 $0x80, s16;
	s17 =	sadd.s32 $0x10, s15;
	s15 =	sor.u32 $0x100, s14  }
0x32: {  	s14 =	sor.u32 $0x100, s16;
	s16 =	sadd.s32 $0x10, s15;
	v0 =	vld.msk [tilespmem:s17+$0x0 ss:$0x1], $0xffff;
	vm1 =	vgt.s32 v2, $0x0;
	(ifvalue) =	ssetifvalue $0x7FFFFFFF  }
.LBB2_3:
0x33: {  	[tilespmem:s15], [sflag:$0x1] =	stream.indirect_vreg.gather [hbm4b:s2+s10], $0x1, v1, vm0, $0x4038;
	[tilespmem:$0x200] =	vst v63  }
0x34: {  	s18 =	sadd.s32 $0x10, s18  }
0x35: {  	v2 =	vnsel vm1, $0x0, v2;
	p1 =	slt.u32 s18, $0x70  }
.Ltmp3:
0x36: {  	s15 =	smov.u32 s16;
	v1 =	vmin.u32 v2, $0x1FFF;
	(pc) =	sbr.rel @p1 .LBB2_3-.Ltmp3, $3  }
0x37: {  	_ =	sdelay $0x1  }
0x38: {  	s17 =	sadd.s32 $0x10, s17  }
0x39: {  	vm1 =	vgt.s32 v0, $0x0;
	s16 =	sadd.s32 $0x10, s16;
	v2 =	vmov v0;
	(ifvalue) =	ssetifvalue $0x7FFFFFFF;
	v0 =	vld.msk [tilespmem:s17+$0x0 ss:$0x1], $0xffff  }
.Ltmp4:
0x3a: {  	_ = 	snop;
	(pc) =	sbr.rel .LBB2_4-.Ltmp4, $1  }
0x3b: {  	_ =	sdelay $0x3  }
.LBB2_6:
0x3c: {  	_ =	sfence.sel $0x180000  }
0x3d: {  	s2 =	simm.s32 $0x2;
	[bflag:$0x0] =	sbarrier.arrive $0xFFFF  }
0x3e: {  	s30 =	simm.s32 $0x3;
	[sflag:s2] =	ssyncpa.u1 $0x1  }
0x3f: {  	s31 =	simm.s32 $0x1;
	[sflag:s30] =	ssyncpa.u1 $0x1  }
0x40: {  	[sflag:s31] =	ssyncpa.u1 $0x1  }
0x41: {  	p0 =	sne.s32 s0, $0x0;
	_ =	strace $0x90000050  }
0x42: {  	s0 =	sadd.s32 @!p0 $0x100000, s1;
	[bflag:$0x2] =	sbarrier.arrive $0xFFFF  }
0x43: {  	[sflag:s0] =	ssyncadd.tile.s32 @!p0 $0x1;
	_ =	shalt  }
.Lfunc_end2:
_tile_overlayer_lowered:
.L_overlay_start_2:
0x44: {  	(tag) =	ssettag $0x2  }
0x45: {  	s0 =	rddreg [dreg:$0x0];
	s2 =	stileid.u32  }
0x46: {  	s1 =	rddreg [dreg:$0x1];
	p0 =	sne.s32 s2, $0x0  }
0x47: {  	s3 =	rddreg [dreg:$0x2];
	[bflag:$0x3] =	sbarrier.arrive $0xFFFF;
	s2 =	simm.s32 @!p0 $0x1C01  }
0x48: {  	[timem:s3], [sflag:s2] =	dma.local @!p0 [hbm:s0], s1  }
0x49: {  	s0 =	simm.s32 @!p0 $0x1  }
0x4a: {  	_ =	swait.ge @!p0 [sflag:s0], s1  }
0x4b: {  	s1 =	ssub.s32 @!p0 $0x0, s1;
	[sflag:s0] =	ssyncset.done @!p0 $0x0  }
0x4c: {  	[sflag:s0] =	ssyncadd.s32 @!p0 s1  }
0x4d: {  	[bflag:$0x3] =	sbarrier.arrive $0xFFFF  }
0x4e: {  	_ =	shalt  }

// kernel: gather_offload_async_start
scs
__scs_entry_jumppad:
0x0: {  	(pc) =	sbr.rel $0x88, $3  }
0x1: {  	(tag) =	ssettag $0x0;
	lr =	simm.s32 $0x1  }
0x2: {  	[smem:$0x3F99] =	sst lr;
	_ =	strace $0xD0000000  }
0x3: {  	_ = 	snop  }
0x4: {  	_ = 	snop  }
0x5: {  	_ = 	snop  }
0x6: {  	_ = 	snop  }
0x7: {  	_ = 	snop  }
__scs_overlays_trampoline_lowered:
0x8: {  	[smem:$0x3FA8] =	sst s0  }
0x9: {  	[smem:$0x3FA9] =	sst s1  }
0xa: {  	[smem:$0x3FAA] =	sst s2  }
0xb: {  	[smem:$0x3FAB] =	sst s3  }
0xc: {  	[smem:$0x3FAC] =	sst s4  }
0xd: {  	[smem:$0x3FAD] =	sst s5  }
0xe: {  	[smem:$0x3FAE] =	sst s6  }
0xf: {  	[smem:$0x3FAF] =	sst s7  }
0x10: {  	[smem:$0x3FB0] =	sst s8  }
0x11: {  	[smem:$0x3FB1] =	sst s9;
	s0 =	simm.s32 @!p0 $0x0  }
0x12: {  	s1 =	sld [smem:$0x3F97];
	s0 =	simm.s32 @p0 $0x1  }
0x13: {  	[smem:$0x3FB2] =	sst s0;
	s0 =	simm.s32 @!p1 $0x0  }
0x14: {  	s2 =	sld [smem:$0x3F96];
	s0 =	simm.s32 @p1 $0x1  }
0x15: {  	[smem:$0x3FB3] =	sst s0;
	s0 =	simm.s32 @!p2 $0x0  }
0x16: {  	s3 =	sld [smem:$0x3FDB];
	s0 =	simm.s32 @p2 $0x1  }
0x17: {  	s4 =	simm.s32 $0x1BF5;
	[smem:$0x3FB5] =	sst s0  }
0x18: {  	s0 =	sld [smem:$0x3F98];
	_ =	swait.ge [sflag:s4], $0x0  }
0x19: {  	s7 =	sld [smem:$0x3F99]  }
0x1a: {  	s8 =	sadd.s32 $0xFFFFE003, lr  }
0x1b: {  	s9 =	sadd.s32 $0xFFFFFEF7, lr;
	s5 =	simm.s32 $0xFFFFFFFF;
	p2 =	slt.u32 s8, $0xFFFFF086  }
0x1c: {  	p1 =	slt.u32 s9, $0xF7A;
	s5 =	simm.s32 @!p2 $0x0  }
0x1d: {  	s5 =	simm.s32 @p1 $0x1;
	p0 =	seq.s32 s7, s2  }
0x1e: {  	s7 =	smul.u32 @!p0 $0xF7A, s2;
	p2 =	seq.s32 @!p0 s5, $0x0  }
0x1f: {  	s9 =	smul.u32 $0xF7A, s1;
	s8 =	simm.s32 @!p0 $0x1BF5;
	p2 =	por !p2, p0  }
0x20: {  	[sflag:s8] =	ssyncset.s32 @!p0 $0xFFFFF086;
	s6 =	sadd.s32 @!p0 s3, s7;
	s7 =	simm.s32 @!p0 $0x108  }
0x21: {  	s3 =	sadd.s32 s3, s9;
	s6 =	sadd.s32 @!p0 $0x88, s6;
	s7 =	simm.s32 @p2 $0x1082  }
0x22: {  	[simem:s7], [sflag:s8] =	dma.local @!p0 [hbm:s6], $0xF7A  }
0x23: {  	s9 =	sor.u32 $0xD0000000, s2;
	s6 =	simm.s32 $0x108;
	_ =	swait.ge @!p0 [sflag:s8], $0x0  }
0x24: {  	s3 =	sadd.s32 $0x88, s3;
	s6 =	simm.s32 @!p1 $0x1082;
	[sflag:s4] =	ssyncset.s32 $0xFFFFF086  }
0x25: {  	[simem:s6], [sflag:s4] =	dma.local [hbm:s3], $0xF7A  }
0x26: {  	[smem:$0x3F99] =	sst s1;
	(tag) =	ssettag s2;
	_ =	strace s9  }
0x27: {  	s1 =	sld [smem:$0x3FA9]  }
0x28: {  	s2 =	sld [smem:$0x3FAA]  }
0x29: {  	s4 =	sld [smem:$0x3FAC]  }
0x2a: {  	p0 =	seq.s32 s5, $0x0;
	s5 =	sld [smem:$0x3FAD]  }
0x2b: {  	s6 =	sld [smem:$0x3FAE]  }
0x2c: {  	s7 =	sld [smem:$0x3FAF]  }
0x2d: {  	s3 =	simm.s32 $0x108;
	s8 =	sld [smem:$0x3FB0]  }
0x2e: {  	s3 =	simm.s32 @!p0 $0x1082;
	s9 =	sld [smem:$0x3FB1]  }
0x2f: {  	lr =	sadd.s32 s0, s3;
	s0 =	sld [smem:$0x3FA8]  }
0x30: {  	s3 =	sld [smem:$0x3FAB]  }
0x31: {  	[smem:$0x3FB4] =	sst s10  }
0x32: {  	s10 =	sld [smem:$0x3FB2];
	_ =	sdelay $0x3  }
0x33: {  	p0 =	seq.s32 s10, $0x1;
	s10 =	sld [smem:$0x3FB4];
	_ =	sdelay $0x3  }
0x34: {  	[smem:$0x3FB4] =	sst s10  }
0x35: {  	s10 =	sld [smem:$0x3FB3];
	_ =	sdelay $0x3  }
0x36: {  	p1 =	seq.s32 s10, $0x1;
	s10 =	sld [smem:$0x3FB4];
	_ =	sdelay $0x3  }
0x37: {  	[smem:$0x3FB4] =	sst s10  }
0x38: {  	s10 =	sld [smem:$0x3FB5]  }
0x39: {  	_ = 	snop;
	(pc) =	sbr.ind lr, $3  }
0x3a: {  	_ = 	snop  }
0x3b: {  	_ = 	snop  }
0x3c: {  	p2 =	seq.s32 s10, $0x1;
	s10 =	sld [smem:$0x3FB4]  }
0x3d: {  	_ =	shalt  }
0x3e: {  	_ =	shalt  }
0x3f: {  	_ =	shalt  }
0x40: {  	_ =	shalt  }
0x41: {  	_ =	shalt  }
0x42: {  	_ =	shalt  }
0x43: {  	_ =	shalt  }
0x44: {  	_ =	shalt  }
0x45: {  	_ =	shalt  }
0x46: {  	_ =	shalt  }
0x47: {  	_ =	shalt  }
0x48: {  	_ =	shalt  }
0x49: {  	_ =	shalt  }
0x4a: {  	_ =	shalt  }
0x4b: {  	_ =	shalt  }
0x4c: {  	_ =	shalt  }
0x4d: {  	_ =	shalt  }
0x4e: {  	_ =	shalt  }
0x4f: {  	_ =	shalt  }
0x50: {  	_ =	shalt  }
0x51: {  	_ =	shalt  }
0x52: {  	_ =	shalt  }
0x53: {  	_ =	shalt  }
0x54: {  	_ =	shalt  }
0x55: {  	_ =	shalt  }
0x56: {  	_ =	shalt  }
0x57: {  	_ =	shalt  }
0x58: {  	_ =	shalt  }
0x59: {  	_ =	shalt  }
0x5a: {  	_ =	shalt  }
0x5b: {  	_ =	shalt  }
0x5c: {  	_ =	shalt  }
0x5d: {  	_ =	shalt  }
0x5e: {  	_ =	shalt  }
0x5f: {  	_ =	shalt  }
0x60: {  	_ =	shalt  }
0x61: {  	_ =	shalt  }
0x62: {  	_ =	shalt  }
0x63: {  	_ =	shalt  }
0x64: {  	_ =	shalt  }
0x65: {  	_ =	shalt  }
0x66: {  	_ =	shalt  }
0x67: {  	_ =	shalt  }
0x68: {  	_ =	shalt  }
0x69: {  	_ =	shalt  }
0x6a: {  	_ =	shalt  }
0x6b: {  	_ =	shalt  }
0x6c: {  	_ =	shalt  }
0x6d: {  	_ =	shalt  }
0x6e: {  	_ =	shalt  }
0x6f: {  	_ =	shalt  }
0x70: {  	_ =	shalt  }
0x71: {  	_ =	shalt  }
0x72: {  	_ =	shalt  }
0x73: {  	_ =	shalt  }
0x74: {  	_ =	shalt  }
0x75: {  	_ =	shalt  }
0x76: {  	_ =	shalt  }
0x77: {  	_ =	shalt  }
0x78: {  	_ =	shalt  }
0x79: {  	_ =	shalt  }
0x7a: {  	_ =	shalt  }
0x7b: {  	_ =	shalt  }
0x7c: {  	_ =	shalt  }
0x7d: {  	_ =	shalt  }
0x7e: {  	_ =	shalt  }
0x7f: {  	_ =	shalt  }
0x80: {  	_ =	shalt  }
0x81: {  	_ =	shalt  }
0x82: {  	_ =	shalt  }
0x83: {  	_ =	shalt  }
0x84: {  	_ =	shalt  }
0x85: {  	_ =	shalt  }
0x86: {  	_ =	shalt  }
0x87: {  	_ =	shalt  }
.Lfunc_end0:
.L_simem_size_0:
called_computation.1_lowered:
.L_overlay_start_0:
0x88: {  	s2 =	sld [smem:$0x3FD9]  }
0x89: {  	s3 =	sld [smem:$0x3FFE];
	_ =	sdelay $0x1  }
0x8a: {  	s1 =	srdreg.scid  }
0x8b: {  	s0 =	sand.u32 $0x1, s1  }
0x8c: {  	s16 =	sshll.u32 s0, $0xA;
	s2 =	sadd.s32 s3, s2  }
0x8d: {  	s2 =	sadd.s32 s2, s16  }
0x8e: {  	[smem:$0x3FC0] =	sst s2  }
0x8f: {  	_ = 	snop  }
0x90: {  	(tm) =	ssettm $0x1  }
0x91: {  	s17 =	sld [smem:$0x3FFB];
	_ =	sdelay $0x3  }
0x92: {  	_ =	strace s17  }
0x93: {  	s2 =	sld [smem:$0x3FFC];
	_ =	sdelay $0x3  }
0x94: {  	_ =	strace s2  }
0x95: {  	s2 =	sld [smem:$0x3FFD];
	_ =	sdelay $0x3  }
0x96: {  	_ =	strace s2  }
0x97: {  	_ =	strace $0x8FFFFFFF  }
0x98: {  	s18 =	sld [smem:$0x3FDB];
	_ =	sdelay $0x1  }
0x99: {  	s19 =	simm.s32 $_scs_section_size  }
0x9a: {  	s4 =	simm.s32 $_size__tile_overlayer_lowered;
	s5 =	simm.s32 $_tile_overlayer_lowered  }
0x9b: {  	s22 =	simm.s32 $0x1BFF;
	s21 =	sshll.u32 s5, $0x1;
	s2 =	sadd.s32 s19, s18  }
0x9c: {  	s6 =	simm.s32 $0x0;
	s20 =	sshll.u32 s4, $0x1;
	s4 =	sadd.s32 s21, s2  }
0x9d: {  	[timem:s6], [sflag:s22] =	dma.local [hbm:s4], s20  }
0x9e: {  	_ =	swait.ge [sflag:s22], s20  }
0x9f: {  	s3 =	ssub.s32 $0x0, s20;
	[sflag:s22] =	ssyncset.done $0x0  }
0xa0: {  	[sflag:s22] =	ssyncadd.s32 s3;
	_ =	sdelay $0x1  }
0xa1: {  	s23 =	simm.s32 $0x1B8B  }
0xa2: {  	_ =	swait.ge [sflag:s23], $0x1  }
0xa3: {  	[sflag:s23] =	ssyncset.done $0x0  }
0xa4: {  	s25 =	simm.s32 $0x1B8E;
	s24 =	sld [smem:$0x3FFE];
	[sflag:s23] =	ssyncadd.s32 $0xFFFFFFFF  }
0xa5: {  	s26 =	simm.s32 $execute0_lowered;
	[smem:$0x3FD2] =	sst s25  }
0xa6: {  	s4 =	sshll.u32 s26, $0x1;
	_ =	strace $0x8000004C;
	[dreg:$0x1] =	wrdreg $0xFFFFFFFF  }
0xa7: {  	s28 =	simm.s32 $_size_execute0_lowered;
	s2 =	sadd.s32 s2, s4;
	[dreg:$0x0] =	wrdreg $0x0  }
0xa8: {  	s4 =	sshll.u32 s28, $0x1;
	[dreg:$0x2] =	wrdreg s2  }
0xa9: {  	[dreg:$0x3] =	wrdreg s4  }
0xaa: {  	[dreg:$0x4] =	wrdreg $0xC0  }
0xab: {  	_ =	task [dreg:s6], $0x5FFFF  }
0xac: {  	[dreg:$0x1] =	wrdreg $0xFFFFFFFF  }
0xad: {  	[dreg:$0x0] =	wrdreg $0x60  }
0xae: {  	[dreg:$0x2] =	wrdreg s24  }
0xaf: {  	[dreg:$0x3] =	wrdreg $0x9  }
0xb0: {  	_ =	task.clear_ibuf [dreg:s6], $0x4FFFF;
	_ =	strace $0x9000004C  }
0xb1: {  	s29 =	simm.s32 $0x9;
	_ =	strace $0x8000004E  }
0xb2: {  	_ =	swait.ge [sflag:s29], $0x1  }
0xb3: {  	[sflag:s29] =	ssyncadd.s32 $0xFFFFFFFF  }
0xb4: {  	_ =	strace $0x9000004E  }
0xb5: {  	_ =	sfence  }
0xb6: {  	s30 =	sld [smem:$0x0];
	_ =	sdelay $0x2  }
0xb7: {  	s31 =	sshll.u32 s1, $0xD;
	s1 =	sshrl.u32 s1, $0x2  }
0xb8: {  	s3 =	sand.u32 $0x4000, s31;
	s1 =	sadd.s32 s1, s30  }
0xb9: {  	s0 =	sor.u32 s3, s0;
	s1 =	sshll.u32 s1, $0x11  }
0xba: {  	s0 =	sor.u32 s1, s0  }
0xbb: {  	s0 =	sadd.s32 $0x8F2B, s0  }
0xbc: {  	[sflag:s0] =	ssyncadd.remote.s32 $0x1  }
0xbd: {  	_ =	sfence.sel $0xFFFF  }
0xbe: {  	[dreg:$0x0] =	wrdreg $0xFFFFFFFF;
	(pc) =	sbr.abs _section_cstart, $3  }
0xbf: {  	[dreg:$0x1] =	wrdreg $0xFFFFFFFF  }
0xc0: {  	_ =	task.clear_ibuf [dreg:s6], $0x2FFFF;
	_ =	strace $0x9FFFFFFF  }
0xc1: {  	(tm) =	ssettm $0x7FFFFFFF  }
tec
execute0_lowered:
.L_overlay_start_1:
0x0: {  	(tag) =	ssettag $0x1  }
0x1: {  	s0 =	srdreg.scid;
	s5 =	rddreg [dreg:$0x0]  }
0x2: {  	s1 =	stileid.u32;
	s6 =	simm.s32 $0x1;
	s9 =	simm.s32 $0x1  }
0x3: {  	s10 =	simm.s32 $0x3;
	s13 =	simm.s32 $0x0;
	s2 =	sshll.u32 s0, $0x7  }
0x4: {  	s12 =	simm.s32 $0x0;
	s3 =	sshll.u32 s1, $0x8;
	s2 =	sand.u32 $0x80, s2  }
0x5: {  	s0 =	rddreg [dreg:$0x1];
	_ =	strace $0x8000004D;
	s2 =	sor.u32 s3, s2  }
0x6: {  	s4 =	sadd.s32 $0x600, s5;
	[sflag:s6] =	ssyncpa.u1 $0x0;
	s8 =	ssub.s32 $0x2000, s2  }
.Ltmp0:
0x7: {  	s3 =	sadd.s32 $0x200, s5;
	s7 =	sand.u32 $0xF80, s8;
	(pc) =	sbr.rel .LBB2_1-.Ltmp0, $4  }
0x8: {  	s5 =	sadd.s32 $0xE00, s5;
	s11 =	smov.u32 s2;
	p0 =	sne.s32 s7, $0x0  }
0x9: {  	s8 =	sshrl.u32 s8, $0xC;
	s7 =	simm.s32 $0x2;
	s9 =	simm.s32 @!p0 $0x0  }
0xa: {  	[sflag:s7] =	ssyncpa.u1 $0x0;
	p0 =	por $0x0, $0x0;
	s8 =	sadd.s32 s9, s8  }
0xb: {  	vm0 =	vmmov $0xffff;
	[sflag:s10] =	ssyncpa.u1 $0x0;
	s10 =	simm.s32 $0x0;
	s9 =	sadd.s32 $0x1, s8  }
.LBB2_4:
0xc: {  	v2 =	vnsel vm1, $0x0, v2  }
0xd: {  	vm1 =	vgt.s32 v0, $0x0;
	v2 =	vmin.u32 v2, $0x1FFF  }
0xe: {  	v0 =	vnsel vm1, $0x0, v0  }
0xf: {  	v0 =	vmin.u32 v0, $0x1FFF  }
0x10: {  	[tilespmem:s15], [sflag:$0x1] =	stream.indirect_vreg.gather [hbm4b:s3+s10], $0x1, v1, vm0, $0x4038;
	[tilespmem:$0x200] =	vst v63  }
0x11: {  	(ifvalue) =	ssetifvalue $0x7FFFFFFF  }
0x12: {  	[tilespmem:s16], [sflag:$0x1] =	stream.indirect_vreg.gather [hbm4b:s3+s10], $0x1, v2, vm0, $0x4038;
	[tilespmem:$0x200] =	vst v63  }
0x13: {  	s29 =	sadd.s32 $0x10, s16;
	(ifvalue) =	ssetifvalue $0x7FFFFFFF  }
0x14: {  	[tilespmem:s29], [sflag:$0x1] =	stream.indirect_vreg.gather [hbm4b:s3+s10], $0x1, v0, vm0, $0x4038;
	[tilespmem:$0x200] =	vst v63  }
0x15: {  	_ =	swait.ge [sflag:s6], $0x80  }
0x16: {  	s30 =	sshrl.u32 s13, $0x3;
	[sflag:s6] =	ssyncset.done $0x0  }
0x17: {  	s31 =	sand.u32 $0x7, s13;
	s15 =	sadd.s32 s5, s30;
	[sflag:s6] =	ssyncadd.s32 $0xFFFFFF80  }
0x18: {  	[hbm4b:s15+s31] =	stream.linear.scatter [tilespmem:s14], [sflag:$0x3], $0x80, $0x38;
	[tilespmem:$0x200] =	vst v63  }
.LBB2_5:
0x19: {  	s15 =	sadd.s32 $0x1000, s11  }
0x1a: {  	p2 =	sgt.s32 s15, $0x1FFF  }
0x1b: {  	s15 =	smov.u32 @p2 s2;
	p2 =	sne.s32 s12, s9  }
.Ltmp1:
0x1c: {  	p1 =	slt.u32 s12, $0x2;
	(pc) =	sbr.rel @!p2 .LBB2_6-.Ltmp1, $4  }
0x1d: {  	s14 =	simm.s32 @!p1 $0x3  }
0x1e: {  	s16 =	sadd.s32 $0x1, s12;
	_ =	swait.ge @!p1 [sflag:s14], $0x80  }
0x1f: {  	s13 =	smov.u32 s11;
	p0 =	por !p0, !p0;
	[sflag:s14] =	ssyncset.done @!p1 $0x0  }
0x20: {  	s12 =	smov.u32 s16;
	s11 =	smov.u32 s15;
	[sflag:s14] =	ssyncadd.s32 @!p1 $0xFFFFFF80  }
.LBB2_1:
0x21: {  	p1 =	sge.u32 s12, s8  }
0x22: {  	s14 =	sxor.u32 @!p1 $0xFFFFFFFF, s12  }
0x23: {  	s31 =	sadd.s32 $0xFFFFFFFF, s12;
	s15 =	sshrl.u32 @!p1 s11, $0x3;
	s14 =	sshll.u32 @!p1 s14, $0x7  }
0x24: {  	s16 =	sand.u32 @!p1 $0x7, s11;
	s15 =	sadd.s32 @!p1 s4, s15;
	s14 =	sand.u32 @!p1 $0x80, s14  }
0x25: {  	[tilespmem:s14], [sflag:$0x2] =	stream.linear.gather @!p1 [hbm4b:s15+s16], $0x80, $0x38;
	[tilespmem:$0x200] =	vst v63  }
0x26: {  	p1 =	sge.u32 s31, s8  }
.Ltmp2:
0x27: {  	_ = 	snop;
	(pc) =	sbr.rel @p1 .LBB2_5-.Ltmp2, $1  }
0x28: {  	_ =	sdelay $0x3  }
0x29: {  	s14 =	simm.s32 $0x1  }
0x2a: {  	_ =	swait.ge [sflag:s7], $0x80;
	s14 =	simm.s32 @!p0 $0x0  }
0x2b: {  	[sflag:s7] =	ssyncset.done $0x0;
	s14 =	sshll.u32 s14, $0x7  }
0x2c: {  	[sflag:s7] =	ssyncadd.s32 $0xFFFFFF80;
	(ifvalue) =	ssetifvalue $0x7FFFFFFF;
	v0 =	vld.msk [tilespmem:s14+$0x0 ss:$0x1], $0xffff;
	_ =	sdelay $0x4  }
0x2d: {  	s15 =	sadd.s32 $0x10, s14;
	vm1 =	vgt.s32 v0, $0x0  }
0x2e: {  	v2 =	vld.msk [tilespmem:s15+$0x0 ss:$0x1], $0xffff;
	v1 =	vnsel vm1, $0x0, v0  }
0x2f: {  	v1 =	vmin.u32 v1, $0x1FFF;
	_ =	sdelay $0x1  }
0x30: {  	s16 =	sshll.u32 s12, $0x7;
	s18 =	simm.s32 $0x20  }
0x31: {  	s16 =	sand.u32 $0x80, s16;
	s17 =	sadd.s32 $0x10, s15;
	s15 =	sor.u32 $0x100, s14  }
0x32: {  	s14 =	sor.u32 $0x100, s16;
	s16 =	sadd.s32 $0x10, s15;
	v0 =	vld.msk [tilespmem:s17+$0x0 ss:$0x1], $0xffff;
	vm1 =	vgt.s32 v2, $0x0;
	(ifvalue) =	ssetifvalue $0x7FFFFFFF  }
.LBB2_3:
0x33: {  	[tilespmem:s15], [sflag:$0x1] =	stream.indirect_vreg.gather [hbm4b:s3+s10], $0x1, v1, vm0, $0x4038;
	[tilespmem:$0x200] =	vst v63  }
0x34: {  	s18 =	sadd.s32 $0x10, s18  }
0x35: {  	v2 =	vnsel vm1, $0x0, v2;
	p1 =	slt.u32 s18, $0x70  }
.Ltmp3:
0x36: {  	s15 =	smov.u32 s16;
	v1 =	vmin.u32 v2, $0x1FFF;
	(pc) =	sbr.rel @p1 .LBB2_3-.Ltmp3, $3  }
0x37: {  	_ =	sdelay $0x1  }
0x38: {  	s17 =	sadd.s32 $0x10, s17  }
0x39: {  	vm1 =	vgt.s32 v0, $0x0;
	s16 =	sadd.s32 $0x10, s16;
	v2 =	vmov v0;
	(ifvalue) =	ssetifvalue $0x7FFFFFFF;
	v0 =	vld.msk [tilespmem:s17+$0x0 ss:$0x1], $0xffff  }
.Ltmp4:
0x3a: {  	_ = 	snop;
	(pc) =	sbr.rel .LBB2_4-.Ltmp4, $1  }
0x3b: {  	_ =	sdelay $0x3  }
.LBB2_6:
0x3c: {  	_ =	sfence.sel $0x180000  }
0x3d: {  	s2 =	simm.s32 $0x2;
	[bflag:$0x0] =	sbarrier.arrive $0xFFFF  }
0x3e: {  	s30 =	simm.s32 $0x3;
	[sflag:s2] =	ssyncpa.u1 $0x1  }
0x3f: {  	s31 =	simm.s32 $0x1;
	[sflag:s30] =	ssyncpa.u1 $0x1  }
0x40: {  	[sflag:s31] =	ssyncpa.u1 $0x1  }
0x41: {  	p0 =	sne.s32 s1, $0x0;
	_ =	strace $0x9000004D  }
0x42: {  	s0 =	sadd.s32 @!p0 $0x100000, s0;
	[bflag:$0x2] =	sbarrier.arrive $0xFFFF  }
0x43: {  	[sflag:s0] =	ssyncadd.tile.s32 @!p0 $0x1;
	_ =	shalt  }
.Lfunc_end2:
_tile_overlayer_lowered:
.L_overlay_start_2:
0x44: {  	(tag) =	ssettag $0x2  }
0x45: {  	s0 =	rddreg [dreg:$0x0];
	s2 =	stileid.u32  }
0x46: {  	s1 =	rddreg [dreg:$0x1];
	p0 =	sne.s32 s2, $0x0  }
0x47: {  	s3 =	rddreg [dreg:$0x2];
	[bflag:$0x3] =	sbarrier.arrive $0xFFFF;
	s2 =	simm.s32 @!p0 $0x1C01  }
0x48: {  	[timem:s3], [sflag:s2] =	dma.local @!p0 [hbm:s0], s1  }
0x49: {  	s0 =	simm.s32 @!p0 $0x1  }
0x4a: {  	_ =	swait.ge @!p0 [sflag:s0], s1  }
0x4b: {  	s1 =	ssub.s32 @!p0 $0x0, s1;
	[sflag:s0] =	ssyncset.done @!p0 $0x0  }
0x4c: {  	[sflag:s0] =	ssyncadd.s32 @!p0 s1  }
0x4d: {  	[bflag:$0x3] =	sbarrier.arrive $0xFFFF  }
0x4e: {  	_ =	shalt  }

// kernel: kernel.6.cloned.1.call-start
scs
__scs_entry_jumppad:
0x0: {  	(pc) =	sbr.rel $0x88, $3  }
0x1: {  	(tag) =	ssettag $0x0;
	lr =	simm.s32 $0x1  }
0x2: {  	[smem:$0x3F99] =	sst lr;
	_ =	strace $0xD0000000  }
0x3: {  	_ = 	snop  }
0x4: {  	_ = 	snop  }
0x5: {  	_ = 	snop  }
0x6: {  	_ = 	snop  }
0x7: {  	_ = 	snop  }
__scs_overlays_trampoline_lowered:
0x8: {  	[smem:$0x3FA8] =	sst s0  }
0x9: {  	[smem:$0x3FA9] =	sst s1  }
0xa: {  	[smem:$0x3FAA] =	sst s2  }
0xb: {  	[smem:$0x3FAB] =	sst s3  }
0xc: {  	[smem:$0x3FAC] =	sst s4  }
0xd: {  	[smem:$0x3FAD] =	sst s5  }
0xe: {  	[smem:$0x3FAE] =	sst s6  }
0xf: {  	[smem:$0x3FAF] =	sst s7  }
0x10: {  	[smem:$0x3FB0] =	sst s8  }
0x11: {  	[smem:$0x3FB1] =	sst s9;
	s0 =	simm.s32 @!p0 $0x0  }
0x12: {  	s1 =	sld [smem:$0x3F97];
	s0 =	simm.s32 @p0 $0x1  }
0x13: {  	[smem:$0x3FB2] =	sst s0;
	s0 =	simm.s32 @!p1 $0x0  }
0x14: {  	s2 =	sld [smem:$0x3F96];
	s0 =	simm.s32 @p1 $0x1  }
0x15: {  	[smem:$0x3FB3] =	sst s0;
	s0 =	simm.s32 @!p2 $0x0  }
0x16: {  	s3 =	sld [smem:$0x3FDB];
	s0 =	simm.s32 @p2 $0x1  }
0x17: {  	s4 =	simm.s32 $0x1BF5;
	[smem:$0x3FB5] =	sst s0  }
0x18: {  	s0 =	sld [smem:$0x3F98];
	_ =	swait.ge [sflag:s4], $0x0  }
0x19: {  	s7 =	sld [smem:$0x3F99]  }
0x1a: {  	s8 =	sadd.s32 $0xFFFFE003, lr  }
0x1b: {  	s9 =	sadd.s32 $0xFFFFFEF7, lr;
	s5 =	simm.s32 $0xFFFFFFFF;
	p2 =	slt.u32 s8, $0xFFFFF086  }
0x1c: {  	p1 =	slt.u32 s9, $0xF7A;
	s5 =	simm.s32 @!p2 $0x0  }
0x1d: {  	s5 =	simm.s32 @p1 $0x1;
	p0 =	seq.s32 s7, s2  }
0x1e: {  	s7 =	smul.u32 @!p0 $0xF7A, s2;
	p2 =	seq.s32 @!p0 s5, $0x0  }
0x1f: {  	s9 =	smul.u32 $0xF7A, s1;
	s8 =	simm.s32 @!p0 $0x1BF5;
	p2 =	por !p2, p0  }
0x20: {  	[sflag:s8] =	ssyncset.s32 @!p0 $0xFFFFF086;
	s6 =	sadd.s32 @!p0 s3, s7;
	s7 =	simm.s32 @!p0 $0x108  }
0x21: {  	s3 =	sadd.s32 s3, s9;
	s6 =	sadd.s32 @!p0 $0x88, s6;
	s7 =	simm.s32 @p2 $0x1082  }
0x22: {  	[simem:s7], [sflag:s8] =	dma.local @!p0 [hbm:s6], $0xF7A  }
0x23: {  	s9 =	sor.u32 $0xD0000000, s2;
	s6 =	simm.s32 $0x108;
	_ =	swait.ge @!p0 [sflag:s8], $0x0  }
0x24: {  	s3 =	sadd.s32 $0x88, s3;
	s6 =	simm.s32 @!p1 $0x1082;
	[sflag:s4] =	ssyncset.s32 $0xFFFFF086  }
0x25: {  	[simem:s6], [sflag:s4] =	dma.local [hbm:s3], $0xF7A  }
0x26: {  	[smem:$0x3F99] =	sst s1;
	(tag) =	ssettag s2;
	_ =	strace s9  }
0x27: {  	s1 =	sld [smem:$0x3FA9]  }
0x28: {  	s2 =	sld [smem:$0x3FAA]  }
0x29: {  	s4 =	sld [smem:$0x3FAC]  }
0x2a: {  	p0 =	seq.s32 s5, $0x0;
	s5 =	sld [smem:$0x3FAD]  }
0x2b: {  	s6 =	sld [smem:$0x3FAE]  }
0x2c: {  	s7 =	sld [smem:$0x3FAF]  }
0x2d: {  	s3 =	simm.s32 $0x108;
	s8 =	sld [smem:$0x3FB0]  }
0x2e: {  	s3 =	simm.s32 @!p0 $0x1082;
	s9 =	sld [smem:$0x3FB1]  }
0x2f: {  	lr =	sadd.s32 s0, s3;
	s0 =	sld [smem:$0x3FA8]  }
0x30: {  	s3 =	sld [smem:$0x3FAB]  }
0x31: {  	[smem:$0x3FB4] =	sst s10  }
0x32: {  	s10 =	sld [smem:$0x3FB2];
	_ =	sdelay $0x3  }
0x33: {  	p0 =	seq.s32 s10, $0x1;
	s10 =	sld [smem:$0x3FB4];
	_ =	sdelay $0x3  }
0x34: {  	[smem:$0x3FB4] =	sst s10  }
0x35: {  	s10 =	sld [smem:$0x3FB3];
	_ =	sdelay $0x3  }
0x36: {  	p1 =	seq.s32 s10, $0x1;
	s10 =	sld [smem:$0x3FB4];
	_ =	sdelay $0x3  }
0x37: {  	[smem:$0x3FB4] =	sst s10  }
0x38: {  	s10 =	sld [smem:$0x3FB5]  }
0x39: {  	_ = 	snop;
	(pc) =	sbr.ind lr, $3  }
0x3a: {  	_ = 	snop  }
0x3b: {  	_ = 	snop  }
0x3c: {  	p2 =	seq.s32 s10, $0x1;
	s10 =	sld [smem:$0x3FB4]  }
0x3d: {  	_ =	shalt  }
0x3e: {  	_ =	shalt  }
0x3f: {  	_ =	shalt  }
0x40: {  	_ =	shalt  }
0x41: {  	_ =	shalt  }
0x42: {  	_ =	shalt  }
0x43: {  	_ =	shalt  }
0x44: {  	_ =	shalt  }
0x45: {  	_ =	shalt  }
0x46: {  	_ =	shalt  }
0x47: {  	_ =	shalt  }
0x48: {  	_ =	shalt  }
0x49: {  	_ =	shalt  }
0x4a: {  	_ =	shalt  }
0x4b: {  	_ =	shalt  }
0x4c: {  	_ =	shalt  }
0x4d: {  	_ =	shalt  }
0x4e: {  	_ =	shalt  }
0x4f: {  	_ =	shalt  }
0x50: {  	_ =	shalt  }
0x51: {  	_ =	shalt  }
0x52: {  	_ =	shalt  }
0x53: {  	_ =	shalt  }
0x54: {  	_ =	shalt  }
0x55: {  	_ =	shalt  }
0x56: {  	_ =	shalt  }
0x57: {  	_ =	shalt  }
0x58: {  	_ =	shalt  }
0x59: {  	_ =	shalt  }
0x5a: {  	_ =	shalt  }
0x5b: {  	_ =	shalt  }
0x5c: {  	_ =	shalt  }
0x5d: {  	_ =	shalt  }
0x5e: {  	_ =	shalt  }
0x5f: {  	_ =	shalt  }
0x60: {  	_ =	shalt  }
0x61: {  	_ =	shalt  }
0x62: {  	_ =	shalt  }
0x63: {  	_ =	shalt  }
0x64: {  	_ =	shalt  }
0x65: {  	_ =	shalt  }
0x66: {  	_ =	shalt  }
0x67: {  	_ =	shalt  }
0x68: {  	_ =	shalt  }
0x69: {  	_ =	shalt  }
0x6a: {  	_ =	shalt  }
0x6b: {  	_ =	shalt  }
0x6c: {  	_ =	shalt  }
0x6d: {  	_ =	shalt  }
0x6e: {  	_ =	shalt  }
0x6f: {  	_ =	shalt  }
0x70: {  	_ =	shalt  }
0x71: {  	_ =	shalt  }
0x72: {  	_ =	shalt  }
0x73: {  	_ =	shalt  }
0x74: {  	_ =	shalt  }
0x75: {  	_ =	shalt  }
0x76: {  	_ =	shalt  }
0x77: {  	_ =	shalt  }
0x78: {  	_ =	shalt  }
0x79: {  	_ =	shalt  }
0x7a: {  	_ =	shalt  }
0x7b: {  	_ =	shalt  }
0x7c: {  	_ =	shalt  }
0x7d: {  	_ =	shalt  }
0x7e: {  	_ =	shalt  }
0x7f: {  	_ =	shalt  }
0x80: {  	_ =	shalt  }
0x81: {  	_ =	shalt  }
0x82: {  	_ =	shalt  }
0x83: {  	_ =	shalt  }
0x84: {  	_ =	shalt  }
0x85: {  	_ =	shalt  }
0x86: {  	_ =	shalt  }
0x87: {  	_ =	shalt  }
.Lfunc_end0:
.L_simem_size_0:
called_computation.4_lowered:
.L_overlay_start_0:
0x88: {  	s2 =	sld [smem:$0x3FD9]  }
0x89: {  	s3 =	sld [smem:$0x3FFE];
	_ =	sdelay $0x1  }
0x8a: {  	s1 =	srdreg.scid  }
0x8b: {  	s0 =	sand.u32 $0x1, s1  }
0x8c: {  	s17 =	sshll.u32 s0, $0xA;
	s2 =	sadd.s32 s3, s2  }
0x8d: {  	s2 =	sadd.s32 s2, s17  }
0x8e: {  	[smem:$0x3FC0] =	sst s2  }
0x8f: {  	_ = 	snop  }
0x90: {  	s18 =	sld [smem:$0x3FC8];
	(tm) =	ssettm $0x1  }
0x91: {  	s19 =	sld [smem:$0x3FFB];
	_ =	sdelay $0x3  }
0x92: {  	_ =	strace s19  }
0x93: {  	s2 =	sld [smem:$0x3FFC];
	_ =	sdelay $0x3  }
0x94: {  	_ =	strace s2  }
0x95: {  	s2 =	sld [smem:$0x3FFD];
	_ =	sdelay $0x3  }
0x96: {  	_ =	strace s2  }
0x97: {  	_ =	strace $0x8FFFFFFF  }
0x98: {  	s20 =	sld [smem:$0x3FDB];
	_ =	sdelay $0x1  }
0x99: {  	s4 =	simm.s32 $_scs_section_size  }
0x9a: {  	s5 =	simm.s32 $_size__tile_overlayer_lowered;
	s6 =	simm.s32 $_tile_overlayer_lowered  }
0x9b: {  	s7 =	simm.s32 $0x1BFF;
	s21 =	sshll.u32 s6, $0x1;
	s4 =	sadd.s32 s4, s20  }
0x9c: {  	s22 =	simm.s32 $0x0;
	s5 =	sshll.u32 s5, $0x1;
	s6 =	sadd.s32 s21, s4  }
0x9d: {  	[timem:s22], [sflag:s7] =	dma.local [hbm:s6], s5  }
0x9e: {  	_ =	swait.ge [sflag:s7], s5  }
0x9f: {  	s5 =	ssub.s32 $0x0, s5;
	[sflag:s7] =	ssyncset.done $0x0  }
0xa0: {  	[sflag:s7] =	ssyncadd.s32 s5;
	_ =	sdelay $0x1  }
0xa1: {  	s23 =	simm.s32 $0x1B8B  }
0xa2: {  	_ =	swait.ge [sflag:s23], $0x1  }
0xa3: {  	[sflag:s23] =	ssyncset.done $0x0  }
0xa4: {  	[sflag:s23] =	ssyncadd.s32 $0xFFFFFFFF  }
0xa5: {  	s5 =	sld [smem:$0x0]  }
0xa6: {  	s6 =	sand.u32 $0xFFFFFFFE, s1  }
0xa7: {  	p0 =	sne.s32 s1, s6  }
0xa8: {  	s6 =	sshll.u32 @p0 s6, $0xE  }
0xa9: {  	s6 =	sadd.s32 @p0 $0x11B8D, s6;
	s7 =	sshll.u32 @p0 s5, $0x11  }
0xaa: {  	s6 =	sor.u32 @p0 s7, s6  }
0xab: {  	[sflag:s6] =	ssyncadd.remote.s32 @p0 $0x1;
	_ =	sdelay $0x1  }
0xac: {  	s6 =	simm.s32 @p0 $0x1B8D  }
0xad: {  	_ =	swait.eq @p0 [sflag:s6], $0x1  }
0xae: {  	[sflag:s6] =	ssyncadd.s32 @p0 $0xFFFFFFFF  }
0xaf: {  	s7 =	sshll.u32 @!p0 s1, $0xE  }
0xb0: {  	s7 =	sor.u32 @!p0 $0x4000, s7;
	s6 =	simm.s32 @!p0 $0x1B8D  }
0xb1: {  	s5 =	sshll.u32 @!p0 s5, $0x11;
	s7 =	sadd.s32 @!p0 $0x11B8D, s7;
	_ =	swait.eq @!p0 [sflag:s6], $0x1  }
0xb2: {  	s5 =	sor.u32 @!p0 s5, s7;
	[sflag:s6] =	ssyncadd.s32 @!p0 $0xFFFFFFFF  }
0xb3: {  	s25 =	simm.s32 $0x1B8E;
	s24 =	sld [smem:$0x3FFE];
	[sflag:s5] =	ssyncadd.remote.s32 @!p0 $0x1  }
0xb4: {  	s26 =	simm.s32 $execute0_lowered;
	[smem:$0x3FD2] =	sst s25  }
0xb5: {  	s6 =	sshll.u32 s26, $0x1;
	_ =	strace $0x80000052;
	[dreg:$0x1] =	wrdreg $0xFFFFFFFF  }
0xb6: {  	s28 =	simm.s32 $_size_execute0_lowered;
	s4 =	sadd.s32 s4, s6;
	[dreg:$0x0] =	wrdreg $0x0  }
0xb7: {  	s6 =	sshll.u32 s28, $0x1;
	[dreg:$0x2] =	wrdreg s4  }
0xb8: {  	[dreg:$0x3] =	wrdreg s6  }
0xb9: {  	[dreg:$0x4] =	wrdreg $0xC0  }
0xba: {  	_ =	task [dreg:s22], $0x5FFFF  }
0xbb: {  	[dreg:$0x1] =	wrdreg $0xFFFFFFFF  }
0xbc: {  	[dreg:$0x0] =	wrdreg $0x60  }
0xbd: {  	[dreg:$0x2] =	wrdreg s18  }
0xbe: {  	[dreg:$0x3] =	wrdreg s24  }
0xbf: {  	[dreg:$0x4] =	wrdreg $0xB  }
0xc0: {  	_ =	task.clear_ibuf [dreg:s22], $0x5FFFF;
	_ =	strace $0x90000052  }
0xc1: {  	s29 =	simm.s32 $0xB;
	_ =	strace $0x80000054  }
0xc2: {  	_ =	swait.ge [sflag:s29], $0x1  }
0xc3: {  	[sflag:s29] =	ssyncadd.s32 $0xFFFFFFFF  }
0xc4: {  	_ =	strace $0x90000054  }
0xc5: {  	_ =	sfence  }
0xc6: {  	s30 =	sld [smem:$0x0];
	_ =	sdelay $0x2  }
0xc7: {  	s31 =	sshll.u32 s1, $0xD;
	s1 =	sshrl.u32 s1, $0x2  }
0xc8: {  	s4 =	sand.u32 $0x4000, s31;
	s1 =	sadd.s32 s1, s30  }
0xc9: {  	s0 =	sor.u32 s4, s0;
	s1 =	sshll.u32 s1, $0x11  }
0xca: {  	s0 =	sor.u32 s1, s0  }
0xcb: {  	s0 =	sadd.s32 $0x8F2B, s0  }
0xcc: {  	[sflag:s0] =	ssyncadd.remote.s32 $0x1  }
0xcd: {  	_ =	sfence.sel $0xFFFF  }
0xce: {  	[dreg:$0x0] =	wrdreg $0xFFFFFFFF;
	(pc) =	sbr.abs _section_cstart, $3  }
0xcf: {  	[dreg:$0x1] =	wrdreg $0xFFFFFFFF  }
0xd0: {  	_ =	task.clear_ibuf [dreg:s22], $0x2FFFF;
	_ =	strace $0x9FFFFFFF  }
0xd1: {  	(tm) =	ssettm $0x7FFFFFFF  }
tec
execute0_lowered:
.L_overlay_start_1:
0x0: {  	(tag) =	ssettag $0x1  }
0x1: {  	s0 =	srdreg.scid;
	s2 =	rddreg [dreg:$0x0]  }
0x2: {  	s3 =	stileid.u32;
	s1 =	rddreg [dreg:$0x1]  }
0x3: {  	s8 =	simm.s32 $0x3;
	s16 =	simm.s32 $0x200;
	s0 =	sand.u32 $0x1, s0  }
0x4: {  	s10 =	simm.s32 $0x1;
	s4 =	sshll.u32 s3, $0x7;
	s5 =	sshll.u32 s0, $0x6  }
0x5: {  	s11 =	simm.s32 $0x2;
	s3 =	simm.s32 $0x0;
	s4 =	sor.u32 s5, s4  }
0x6: {  	[smem:$0x7FF] =	sst s3;
	s5 =	smul.u32 $0x300, s4;
	s6 =	sadd.s32 s4, s1  }
0x7: {  	s1 =	sadd.s32 $0x51200, s1;
	s4 =	smul.u32 $0x1800, s4;
	s6 =	sadd.s32 $0x9200, s6  }
0x8: {  	_ =	strace $0x80000053;
	s7 =	sadd.s32 s1, s5;
	[dreg:$0x3] =	wrdreg s6  }
0x9: {  	s4 =	sshrl.u32 s4, $0x3;
	s5 =	sadd.s32 $0x1800, s7;
	[dreg:$0xb] =	wrdreg s7  }
0xa: {  	s26 =	sadd.s32 $0x3000, s7;
	s1 =	sadd.s32 s1, s4;
	[dreg:$0x4] =	wrdreg s5  }
0xb: {  	s0 =	ssub.s32 $0x2, s0;
	[dreg:$0x5] =	wrdreg s26;
	s4 =	sadd.s32 $0x4800, s1  }
0xc: {  	s29 =	sshrl.u32 s0, $0x1;
	s28 =	sadd.s32 $0x6000, s1;
	[dreg:$0x6] =	wrdreg s4  }
0xd: {  	s0 =	ssub.s32 s0, s29;
	s30 =	sadd.s32 $0x7800, s1;
	[dreg:$0x7] =	wrdreg s28  }
0xe: {  	v2 =	vlaneseq.u32;
	s6 =	sadd.s32 $0x200, s2;
	s31 =	sadd.s32 $0x9000, s1;
	[dreg:$0x8] =	wrdreg s30  }
0xf: {  	vm0 =	vmmov $0xffff;
	v1 =	vshrl.u32 v2, $0x3;
	s7 =	smax.u32 s0, $0x1;
	s1 =	sadd.s32 $0xA800, s1;
	[dreg:$0x9] =	wrdreg s31  }
0x10: {  	v0 =	vand.u32 $0x7, v2;
	v2 =	vor.u32 $0x8, v2;
	v1 =	vmul.u32 $0x8, v1;
	s5 =	sadd.s32 $0x100, s2;
	[dreg:$0xa] =	wrdreg s1;
	s4 =	simm.s32 $0xC200  }
.LBB2_1:
0x11: {  	s12 =	rddreg [dreg:$0x3]  }
0x12: {  	[tilespmem:s3], [sflag:$0x3] =	stream.linear.gather [hbm4b:s12+s3], $0x200, $0x38;
	[tilespmem:$0x18200] =	vst v63  }
0x13: {  	_ =	swait.ge [sflag:s8], $0x200  }
0x14: {  	[sflag:s8] =	ssyncset.done $0x0  }
0x15: {  	[sflag:s8] =	ssyncadd.s32 $0xFFFFFE00  }
0x16: {  	v3 =	vld [tilespmem:$0x0];
	_ =	sdelay $0x4  }
0x17: {  	v4 =	vshrl.u32 v3, $0x3  }
0x18: {  	v4 =	vmul.u32 $0x30, v4  }
0x19: {  	v3 =	vand.u32 $0x7, v3  }
0x1a: {  	v3 =	vor.u32 v3, v4  }
0x1b: {  	v4 =	vperm.xlane v3, v0;
	_ =	sdelay $0x1  }
0x1c: {  	v4 =	vadd.s32 v1, v4;
	_ =	sdelay $0x3  }
0x1d: {  	v3 =	vperm.xlane v3, v2  }
0x1e: {  	[tilespmem:s16], [sflag:$0x1] =	stream.indirect_vreg.gather [hbm4b:s2+s3], $0x80, v4, vm0, $0xb8;
	[tilespmem:$0x18200] =	vst v63  }
0x1f: {  	s0 =	simm.s32 $0xA00;
	v3 =	vadd.s32 v1, v3  }
0x20: {  	[tilespmem:s0], [sflag:$0x1] =	stream.indirect_vreg.gather [hbm4b:s5+s3], $0x80, v4, vm0, $0xb8;
	[tilespmem:$0x18200] =	vst v63  }
0x21: {  	s28 =	simm.s32 $0x1200  }
0x22: {  	[tilespmem:s28], [sflag:$0x1] =	stream.indirect_vreg.gather [hbm4b:s6+s3], $0x80, v4, vm0, $0xb8;
	[tilespmem:$0x18200] =	vst v63  }
0x23: {  	s29 =	simm.s32 $0x1A00  }
0x24: {  	[tilespmem:s29], [sflag:$0x1] =	stream.indirect_vreg.gather [hbm4b:s2+s3], $0x80, v3, vm0, $0xb8;
	[tilespmem:$0x18200] =	vst v63  }
0x25: {  	s30 =	simm.s32 $0x2200  }
0x26: {  	[tilespmem:s30], [sflag:$0x1] =	stream.indirect_vreg.gather [hbm4b:s5+s3], $0x80, v3, vm0, $0xb8;
	[tilespmem:$0x18200] =	vst v63  }
0x27: {  	s31 =	simm.s32 $0x2A00  }
0x28: {  	[tilespmem:s31], [sflag:$0x1] =	stream.indirect_vreg.gather [hbm4b:s6+s3], $0x80, v3, vm0, $0xb8;
	[tilespmem:$0x18200] =	vst v63  }
0x29: {  	v3 =	vld [tilespmem:$0x10];
	_ =	sdelay $0x4  }
0x2a: {  	v33 =	vshrl.u32 v3, $0x3  }
0x2b: {  	v4 =	vmul.u32 $0x30, v33  }
0x2c: {  	v3 =	vand.u32 $0x7, v3  }
0x2d: {  	v3 =	vor.u32 v3, v4  }
0x2e: {  	v4 =	vperm.xlane v3, v0;
	_ =	sdelay $0x1  }
0x2f: {  	v4 =	vadd.s32 v1, v4;
	_ =	sdelay $0x3  }
0x30: {  	s1 =	simm.s32 $0x3200;
	v3 =	vperm.xlane v3, v2  }
0x31: {  	[tilespmem:s1], [sflag:$0x1] =	stream.indirect_vreg.gather [hbm4b:s2+s3], $0x80, v4, vm0, $0xb8;
	[tilespmem:$0x18200] =	vst v63  }
0x32: {  	s9 =	simm.s32 $0x3A00;
	v3 =	vadd.s32 v1, v3  }
0x33: {  	[tilespmem:s9], [sflag:$0x1] =	stream.indirect_vreg.gather [hbm4b:s5+s3], $0x80, v4, vm0, $0xb8;
	[tilespmem:$0x18200] =	vst v63  }
0x34: {  	s12 =	simm.s32 $0x4200  }
0x35: {  	[tilespmem:s12], [sflag:$0x1] =	stream.indirect_vreg.gather [hbm4b:s6+s3], $0x80, v4, vm0, $0xb8;
	[tilespmem:$0x18200] =	vst v63  }
0x36: {  	s15 =	simm.s32 $0x4A00  }
0x37: {  	[tilespmem:s15], [sflag:$0x1] =	stream.indirect_vreg.gather [hbm4b:s2+s3], $0x80, v3, vm0, $0xb8;
	[tilespmem:$0x18200] =	vst v63  }
0x38: {  	s17 =	simm.s32 $0x5200  }
0x39: {  	[tilespmem:s17], [sflag:$0x1] =	stream.indirect_vreg.gather [hbm4b:s5+s3], $0x80, v3, vm0, $0xb8;
	[tilespmem:$0x18200] =	vst v63  }
0x3a: {  	s18 =	simm.s32 $0x5A00  }
0x3b: {  	[tilespmem:s18], [sflag:$0x1] =	stream.indirect_vreg.gather [hbm4b:s6+s3], $0x80, v3, vm0, $0xb8;
	[tilespmem:$0x18200] =	vst v63  }
0x3c: {  	v3 =	vld [tilespmem:$0x20];
	_ =	sdelay $0x4  }
0x3d: {  	v34 =	vshrl.u32 v3, $0x3  }
0x3e: {  	v4 =	vmul.u32 $0x30, v34  }
0x3f: {  	v3 =	vand.u32 $0x7, v3  }
0x40: {  	v3 =	vor.u32 v3, v4  }
0x41: {  	v4 =	vperm.xlane v3, v0;
	_ =	sdelay $0x1  }
0x42: {  	v4 =	vadd.s32 v1, v4;
	_ =	sdelay $0x3  }
0x43: {  	s19 =	simm.s32 $0x6200;
	v3 =	vperm.xlane v3, v2  }
0x44: {  	[tilespmem:s19], [sflag:$0x1] =	stream.indirect_vreg.gather [hbm4b:s2+s3], $0x80, v4, vm0, $0xb8;
	[tilespmem:$0x18200] =	vst v63  }
0x45: {  	s20 =	simm.s32 $0x6A00;
	v3 =	vadd.s32 v1, v3  }
0x46: {  	[tilespmem:s20], [sflag:$0x1] =	stream.indirect_vreg.gather [hbm4b:s5+s3], $0x80, v4, vm0, $0xb8;
	[tilespmem:$0x18200] =	vst v63  }
0x47: {  	s21 =	simm.s32 $0x7200  }
0x48: {  	[tilespmem:s21], [sflag:$0x1] =	stream.indirect_vreg.gather [hbm4b:s6+s3], $0x80, v4, vm0, $0xb8;
	[tilespmem:$0x18200] =	vst v63  }
0x49: {  	s22 =	simm.s32 $0x7A00  }
0x4a: {  	[tilespmem:s22], [sflag:$0x1] =	stream.indirect_vreg.gather [hbm4b:s2+s3], $0x80, v3, vm0, $0xb8;
	[tilespmem:$0x18200] =	vst v63  }
0x4b: {  	s23 =	simm.s32 $0x8200  }
0x4c: {  	[tilespmem:s23], [sflag:$0x1] =	stream.indirect_vreg.gather [hbm4b:s5+s3], $0x80, v3, vm0, $0xb8;
	[tilespmem:$0x18200] =	vst v63  }
0x4d: {  	s24 =	simm.s32 $0x8A00  }
0x4e: {  	[tilespmem:s24], [sflag:$0x1] =	stream.indirect_vreg.gather [hbm4b:s6+s3], $0x80, v3, vm0, $0xb8;
	[tilespmem:$0x18200] =	vst v63  }
0x4f: {  	v3 =	vld [tilespmem:$0x30];
	_ =	sdelay $0x4  }
0x50: {  	v35 =	vshrl.u32 v3, $0x3  }
0x51: {  	v4 =	vmul.u32 $0x30, v35  }
0x52: {  	v3 =	vand.u32 $0x7, v3  }
0x53: {  	v3 =	vor.u32 v3, v4  }
0x54: {  	v4 =	vperm.xlane v3, v0;
	_ =	sdelay $0x1  }
0x55: {  	v4 =	vadd.s32 v1, v4;
	_ =	sdelay $0x3  }
0x56: {  	s28 =	simm.s32 $0x9200;
	v3 =	vperm.xlane v3, v2  }
0x57: {  	[tilespmem:s28], [sflag:$0x1] =	stream.indirect_vreg.gather [hbm4b:s2+s3], $0x80, v4, vm0, $0xb8;
	[tilespmem:$0x18200] =	vst v63  }
0x58: {  	s29 =	simm.s32 $0x9A00;
	v3 =	vadd.s32 v1, v3  }
0x59: {  	[tilespmem:s29], [sflag:$0x1] =	stream.indirect_vreg.gather [hbm4b:s5+s3], $0x80, v4, vm0, $0xb8;
	[tilespmem:$0x18200] =	vst v63  }
0x5a: {  	s1 =	simm.s32 $0xA200  }
0x5b: {  	[tilespmem:s1], [sflag:$0x1] =	stream.indirect_vreg.gather [hbm4b:s6+s3], $0x80, v4, vm0, $0xb8;
	[tilespmem:$0x18200] =	vst v63  }
0x5c: {  	s9 =	simm.s32 $0xAA00  }
0x5d: {  	[tilespmem:s9], [sflag:$0x1] =	stream.indirect_vreg.gather [hbm4b:s2+s3], $0x80, v3, vm0, $0xb8;
	[tilespmem:$0x18200] =	vst v63  }
0x5e: {  	s12 =	simm.s32 $0xB200  }
0x5f: {  	[tilespmem:s12], [sflag:$0x1] =	stream.indirect_vreg.gather [hbm4b:s5+s3], $0x80, v3, vm0, $0xb8;
	[tilespmem:$0x18200] =	vst v63  }
0x60: {  	s15 =	simm.s32 $0xBA00  }
0x61: {  	[tilespmem:s15], [sflag:$0x1] =	stream.indirect_vreg.gather [hbm4b:s6+s3], $0x80, v3, vm0, $0xb8;
	[tilespmem:$0x18200] =	vst v63  }
0x62: {  	v3 =	vld [tilespmem:$0x40];
	_ =	sdelay $0x4  }
0x63: {  	v36 =	vshrl.u32 v3, $0x3  }
0x64: {  	v4 =	vmul.u32 $0x30, v36  }
0x65: {  	v3 =	vand.u32 $0x7, v3  }
0x66: {  	v3 =	vor.u32 v3, v4  }
0x67: {  	v4 =	vperm.xlane v3, v0;
	_ =	sdelay $0x1  }
0x68: {  	v4 =	vadd.s32 v1, v4;
	_ =	sdelay $0x3  }
0x69: {  	v3 =	vperm.xlane v3, v2  }
0x6a: {  	[tilespmem:s4], [sflag:$0x2] =	stream.indirect_vreg.gather [hbm4b:s2+s3], $0x80, v4, vm0, $0xb8;
	[tilespmem:$0x18200] =	vst v63  }
0x6b: {  	s17 =	simm.s32 $0xCA00;
	v3 =	vadd.s32 v1, v3  }
0x6c: {  	[tilespmem:s17], [sflag:$0x2] =	stream.indirect_vreg.gather [hbm4b:s5+s3], $0x80, v4, vm0, $0xb8;
	[tilespmem:$0x18200] =	vst v63  }
0x6d: {  	s18 =	simm.s32 $0xD200  }
0x6e: {  	[tilespmem:s18], [sflag:$0x2] =	stream.indirect_vreg.gather [hbm4b:s6+s3], $0x80, v4, vm0, $0xb8;
	[tilespmem:$0x18200] =	vst v63  }
0x6f: {  	s19 =	simm.s32 $0xDA00  }
0x70: {  	[tilespmem:s19], [sflag:$0x2] =	stream.indirect_vreg.gather [hbm4b:s2+s3], $0x80, v3, vm0, $0xb8;
	[tilespmem:$0x18200] =	vst v63  }
0x71: {  	s20 =	simm.s32 $0xE200  }
0x72: {  	[tilespmem:s20], [sflag:$0x2] =	stream.indirect_vreg.gather [hbm4b:s5+s3], $0x80, v3, vm0, $0xb8;
	[tilespmem:$0x18200] =	vst v63  }
0x73: {  	s21 =	simm.s32 $0xEA00  }
0x74: {  	[tilespmem:s21], [sflag:$0x2] =	stream.indirect_vreg.gather [hbm4b:s6+s3], $0x80, v3, vm0, $0xb8;
	[tilespmem:$0x18200] =	vst v63  }
0x75: {  	v3 =	vld [tilespmem:$0x50];
	_ =	sdelay $0x4  }
0x76: {  	v37 =	vshrl.u32 v3, $0x3  }
0x77: {  	v4 =	vmul.u32 $0x30, v37  }
0x78: {  	v3 =	vand.u32 $0x7, v3  }
0x79: {  	v3 =	vor.u32 v3, v4  }
0x7a: {  	v4 =	vperm.xlane v3, v0;
	_ =	sdelay $0x1  }
0x7b: {  	v4 =	vadd.s32 v1, v4;
	_ =	sdelay $0x3  }
0x7c: {  	s22 =	simm.s32 $0xF200;
	v3 =	vperm.xlane v3, v2  }
0x7d: {  	[tilespmem:s22], [sflag:$0x2] =	stream.indirect_vreg.gather [hbm4b:s2+s3], $0x80, v4, vm0, $0xb8;
	[tilespmem:$0x18200] =	vst v63  }
0x7e: {  	s23 =	simm.s32 $0xFA00;
	v3 =	vadd.s32 v1, v3  }
0x7f: {  	[tilespmem:s23], [sflag:$0x2] =	stream.indirect_vreg.gather [hbm4b:s5+s3], $0x80, v4, vm0, $0xb8;
	[tilespmem:$0x18200] =	vst v63  }
0x80: {  	s24 =	simm.s32 $0x10200  }
0x81: {  	[tilespmem:s24], [sflag:$0x2] =	stream.indirect_vreg.gather [hbm4b:s6+s3], $0x80, v4, vm0, $0xb8;
	[tilespmem:$0x18200] =	vst v63  }
0x82: {  	s28 =	simm.s32 $0x10A00  }
0x83: {  	[tilespmem:s28], [sflag:$0x2] =	stream.indirect_vreg.gather [hbm4b:s2+s3], $0x80, v3, vm0, $0xb8;
	[tilespmem:$0x18200] =	vst v63  }
0x84: {  	s29 =	simm.s32 $0x11200  }
0x85: {  	[tilespmem:s29], [sflag:$0x2] =	stream.indirect_vreg.gather [hbm4b:s5+s3], $0x80, v3, vm0, $0xb8;
	[tilespmem:$0x18200] =	vst v63  }
0x86: {  	s0 =	simm.s32 $0x11A00  }
0x87: {  	[tilespmem:s0], [sflag:$0x2] =	stream.indirect_vreg.gather [hbm4b:s6+s3], $0x80, v3, vm0, $0xb8;
	[tilespmem:$0x18200] =	vst v63  }
0x88: {  	v3 =	vld [tilespmem:$0x60];
	_ =	sdelay $0x4  }
0x89: {  	v38 =	vshrl.u32 v3, $0x3  }
0x8a: {  	v4 =	vmul.u32 $0x30, v38  }
0x8b: {  	v3 =	vand.u32 $0x7, v3  }
0x8c: {  	v3 =	vor.u32 v3, v4  }
0x8d: {  	v4 =	vperm.xlane v3, v0;
	_ =	sdelay $0x1  }
0x8e: {  	v4 =	vadd.s32 v1, v4;
	_ =	sdelay $0x3  }
0x8f: {  	s1 =	simm.s32 $0x12200;
	v3 =	vperm.xlane v3, v2  }
0x90: {  	[tilespmem:s1], [sflag:$0x2] =	stream.indirect_vreg.gather [hbm4b:s2+s3], $0x80, v4, vm0, $0xb8;
	[tilespmem:$0x18200] =	vst v63  }
0x91: {  	s9 =	simm.s32 $0x12A00;
	v3 =	vadd.s32 v1, v3  }
0x92: {  	[tilespmem:s9], [sflag:$0x2] =	stream.indirect_vreg.gather [hbm4b:s5+s3], $0x80, v4, vm0, $0xb8;
	[tilespmem:$0x18200] =	vst v63  }
0x93: {  	s17 =	simm.s32 $0x13200  }
0x94: {  	[tilespmem:s17], [sflag:$0x2] =	stream.indirect_vreg.gather [hbm4b:s6+s3], $0x80, v4, vm0, $0xb8;
	[tilespmem:$0x18200] =	vst v63  }
0x95: {  	s20 =	simm.s32 $0x13A00  }
0x96: {  	[tilespmem:s20], [sflag:$0x2] =	stream.indirect_vreg.gather [hbm4b:s2+s3], $0x80, v3, vm0, $0xb8;
	[tilespmem:$0x18200] =	vst v63  }
0x97: {  	s21 =	simm.s32 $0x14200  }
0x98: {  	[tilespmem:s21], [sflag:$0x2] =	stream.indirect_vreg.gather [hbm4b:s5+s3], $0x80, v3, vm0, $0xb8;
	[tilespmem:$0x18200] =	vst v63  }
0x99: {  	s22 =	simm.s32 $0x14A00  }
0x9a: {  	[tilespmem:s22], [sflag:$0x2] =	stream.indirect_vreg.gather [hbm4b:s6+s3], $0x80, v3, vm0, $0xb8;
	[tilespmem:$0x18200] =	vst v63  }
0x9b: {  	v3 =	vld [tilespmem:$0x70];
	_ =	sdelay $0x4  }
0x9c: {  	v39 =	vshrl.u32 v3, $0x3  }
0x9d: {  	v4 =	vmul.u32 $0x30, v39  }
0x9e: {  	v3 =	vand.u32 $0x7, v3  }
0x9f: {  	v3 =	vor.u32 v3, v4  }
0xa0: {  	v4 =	vperm.xlane v3, v0;
	_ =	sdelay $0x1  }
0xa1: {  	v4 =	vadd.s32 v1, v4;
	_ =	sdelay $0x3  }
0xa2: {  	s23 =	simm.s32 $0x15200;
	v3 =	vperm.xlane v3, v2  }
0xa3: {  	[tilespmem:s23], [sflag:$0x2] =	stream.indirect_vreg.gather [hbm4b:s2+s3], $0x80, v4, vm0, $0xb8;
	[tilespmem:$0x18200] =	vst v63  }
0xa4: {  	s24 =	simm.s32 $0x15A00;
	v3 =	vadd.s32 v1, v3  }
0xa5: {  	[tilespmem:s24], [sflag:$0x2] =	stream.indirect_vreg.gather [hbm4b:s5+s3], $0x80, v4, vm0, $0xb8;
	[tilespmem:$0x18200] =	vst v63  }
0xa6: {  	s28 =	simm.s32 $0x16200  }
0xa7: {  	[tilespmem:s28], [sflag:$0x2] =	stream.indirect_vreg.gather [hbm4b:s6+s3], $0x80, v4, vm0, $0xb8;
	[tilespmem:$0x18200] =	vst v63  }
0xa8: {  	s29 =	simm.s32 $0x16A00  }
0xa9: {  	[tilespmem:s29], [sflag:$0x2] =	stream.indirect_vreg.gather [hbm4b:s2+s3], $0x80, v3, vm0, $0xb8;
	[tilespmem:$0x18200] =	vst v63  }
0xaa: {  	s0 =	simm.s32 $0x17200  }
0xab: {  	[tilespmem:s0], [sflag:$0x2] =	stream.indirect_vreg.gather [hbm4b:s5+s3], $0x80, v3, vm0, $0xb8;
	[tilespmem:$0x18200] =	vst v63  }
0xac: {  	s1 =	simm.s32 $0x17A00  }
0xad: {  	[tilespmem:s1], [sflag:$0x2] =	stream.indirect_vreg.gather [hbm4b:s6+s3], $0x80, v3, vm0, $0xb8;
	[tilespmem:$0x18200] =	vst v63  }
0xae: {  	_ =	swait.ge [sflag:s10], $0xC000  }
0xaf: {  	[sflag:s10] =	ssyncset.done $0x0  }
0xb0: {  	s9 =	rddreg [dreg:$0xb];
	[sflag:s10] =	ssyncadd.s32 $0xFFFF4000  }
0xb1: {  	[hbm4b:s9+s3] =	stream.linear.scatter [tilespmem:s16], [sflag:$0x3], $0xC000, $0x38;
	[tilespmem:$0x18200] =	vst v63  }
0xb2: {  	_ =	swait.ge [sflag:s8], $0xC000  }
0xb3: {  	[sflag:s8] =	ssyncset.done $0x0  }
0xb4: {  	[sflag:s8] =	ssyncadd.s32 $0xFFFF4000  }
0xb5: {  	v3 =	vld [tilespmem:$0x80];
	_ =	sdelay $0x4  }
0xb6: {  	v40 =	vshrl.u32 v3, $0x3  }
0xb7: {  	v4 =	vmul.u32 $0x30, v40  }
0xb8: {  	v3 =	vand.u32 $0x7, v3  }
0xb9: {  	v3 =	vor.u32 v3, v4  }
0xba: {  	v4 =	vperm.xlane v3, v0;
	_ =	sdelay $0x1  }
0xbb: {  	v4 =	vadd.s32 v1, v4;
	_ =	sdelay $0x3  }
0xbc: {  	v3 =	vperm.xlane v3, v2  }
0xbd: {  	[tilespmem:s16], [sflag:$0x1] =	stream.indirect_vreg.gather [hbm4b:s2+s3], $0x80, v4, vm0, $0xb8;
	[tilespmem:$0x18200] =	vst v63  }
0xbe: {  	s0 =	simm.s32 $0xA00;
	v3 =	vadd.s32 v1, v3  }
0xbf: {  	[tilespmem:s0], [sflag:$0x1] =	stream.indirect_vreg.gather [hbm4b:s5+s3], $0x80, v4, vm0, $0xb8;
	[tilespmem:$0x18200] =	vst v63  }
0xc0: {  	s1 =	simm.s32 $0x1200  }
0xc1: {  	[tilespmem:s1], [sflag:$0x1] =	stream.indirect_vreg.gather [hbm4b:s6+s3], $0x80, v4, vm0, $0xb8;
	[tilespmem:$0x18200] =	vst v63  }
0xc2: {  	s9 =	simm.s32 $0x1A00  }
0xc3: {  	[tilespmem:s9], [sflag:$0x1] =	stream.indirect_vreg.gather [hbm4b:s2+s3], $0x80, v3, vm0, $0xb8;
	[tilespmem:$0x18200] =	vst v63  }
0xc4: {  	s20 =	simm.s32 $0x2200  }
0xc5: {  	[tilespmem:s20], [sflag:$0x1] =	stream.indirect_vreg.gather [hbm4b:s5+s3], $0x80, v3, vm0, $0xb8;
	[tilespmem:$0x18200] =	vst v63  }
0xc6: {  	s13 =	simm.s32 $0x2A00  }
0xc7: {  	[tilespmem:s13], [sflag:$0x1] =	stream.indirect_vreg.gather [hbm4b:s6+s3], $0x80, v3, vm0, $0xb8;
	[tilespmem:$0x18200] =	vst v63  }
0xc8: {  	v3 =	vld [tilespmem:$0x90];
	_ =	sdelay $0x4  }
0xc9: {  	v41 =	vshrl.u32 v3, $0x3  }
0xca: {  	v4 =	vmul.u32 $0x30, v41  }
0xcb: {  	v3 =	vand.u32 $0x7, v3  }
0xcc: {  	v3 =	vor.u32 v3, v4  }
0xcd: {  	v4 =	vperm.xlane v3, v0;
	_ =	sdelay $0x1  }
0xce: {  	v4 =	vadd.s32 v1, v4;
	_ =	sdelay $0x3  }
0xcf: {  	s14 =	simm.s32 $0x3200;
	v3 =	vperm.xlane v3, v2  }
0xd0: {  	[tilespmem:s14], [sflag:$0x1] =	stream.indirect_vreg.gather [hbm4b:s2+s3], $0x80, v4, vm0, $0xb8;
	[tilespmem:$0x18200] =	vst v63  }
0xd1: {  	s21 =	simm.s32 $0x3A00;
	v3 =	vadd.s32 v1, v3  }
0xd2: {  	[tilespmem:s21], [sflag:$0x1] =	stream.indirect_vreg.gather [hbm4b:s5+s3], $0x80, v4, vm0, $0xb8;
	[tilespmem:$0x18200] =	vst v63  }
0xd3: {  	s22 =	simm.s32 $0x4200  }
0xd4: {  	[tilespmem:s22], [sflag:$0x1] =	stream.indirect_vreg.gather [hbm4b:s6+s3], $0x80, v4, vm0, $0xb8;
	[tilespmem:$0x18200] =	vst v63  }
0xd5: {  	s23 =	simm.s32 $0x4A00  }
0xd6: {  	[tilespmem:s23], [sflag:$0x1] =	stream.indirect_vreg.gather [hbm4b:s2+s3], $0x80, v3, vm0, $0xb8;
	[tilespmem:$0x18200] =	vst v63  }
0xd7: {  	s24 =	simm.s32 $0x5200  }
0xd8: {  	[tilespmem:s24], [sflag:$0x1] =	stream.indirect_vreg.gather [hbm4b:s5+s3], $0x80, v3, vm0, $0xb8;
	[tilespmem:$0x18200] =	vst v63  }
0xd9: {  	s25 =	simm.s32 $0x5A00  }
0xda: {  	[tilespmem:s25], [sflag:$0x1] =	stream.indirect_vreg.gather [hbm4b:s6+s3], $0x80, v3, vm0, $0xb8;
	[tilespmem:$0x18200] =	vst v63  }
0xdb: {  	v3 =	vld [tilespmem:$0xA0];
	_ =	sdelay $0x4  }
0xdc: {  	v42 =	vshrl.u32 v3, $0x3  }
0xdd: {  	v4 =	vmul.u32 $0x30, v42  }
0xde: {  	v3 =	vand.u32 $0x7, v3  }
0xdf: {  	v3 =	vor.u32 v3, v4  }
0xe0: {  	v4 =	vperm.xlane v3, v0;
	_ =	sdelay $0x1  }
0xe1: {  	v4 =	vadd.s32 v1, v4;
	_ =	sdelay $0x3  }
0xe2: {  	s26 =	simm.s32 $0x6200;
	v3 =	vperm.xlane v3, v2  }
0xe3: {  	[tilespmem:s26], [sflag:$0x1] =	stream.indirect_vreg.gather [hbm4b:s2+s3], $0x80, v4, vm0, $0xb8;
	[tilespmem:$0x18200] =	vst v63  }
0xe4: {  	s25 =	simm.s32 $0x6A00;
	v3 =	vadd.s32 v1, v3  }
0xe5: {  	[tilespmem:s25], [sflag:$0x1] =	stream.indirect_vreg.gather [hbm4b:s5+s3], $0x80, v4, vm0, $0xb8;
	[tilespmem:$0x18200] =	vst v63  }
0xe6: {  	s26 =	simm.s32 $0x7200  }
0xe7: {  	[tilespmem:s26], [sflag:$0x1] =	stream.indirect_vreg.gather [hbm4b:s6+s3], $0x80, v4, vm0, $0xb8;
	[tilespmem:$0x18200] =	vst v63  }
0xe8: {  	s28 =	simm.s32 $0x7A00  }
0xe9: {  	[tilespmem:s28], [sflag:$0x1] =	stream.indirect_vreg.gather [hbm4b:s2+s3], $0x80, v3, vm0, $0xb8;
	[tilespmem:$0x18200] =	vst v63  }
0xea: {  	s29 =	simm.s32 $0x8200  }
0xeb: {  	[tilespmem:s29], [sflag:$0x1] =	stream.indirect_vreg.gather [hbm4b:s5+s3], $0x80, v3, vm0, $0xb8;
	[tilespmem:$0x18200] =	vst v63  }
0xec: {  	s30 =	simm.s32 $0x8A00  }
0xed: {  	[tilespmem:s30], [sflag:$0x1] =	stream.indirect_vreg.gather [hbm4b:s6+s3], $0x80, v3, vm0, $0xb8;
	[tilespmem:$0x18200] =	vst v63  }
0xee: {  	v3 =	vld [tilespmem:$0xB0];
	_ =	sdelay $0x4  }
0xef: {  	v43 =	vshrl.u32 v3, $0x3  }
0xf0: {  	v4 =	vmul.u32 $0x30, v43  }
0xf1: {  	v3 =	vand.u32 $0x7, v3  }
0xf2: {  	v3 =	vor.u32 v3, v4  }
0xf3: {  	v4 =	vperm.xlane v3, v0;
	_ =	sdelay $0x1  }
0xf4: {  	v4 =	vadd.s32 v1, v4;
	_ =	sdelay $0x3  }
0xf5: {  	s31 =	simm.s32 $0x9200;
	v3 =	vperm.xlane v3, v2  }
0xf6: {  	[tilespmem:s31], [sflag:$0x1] =	stream.indirect_vreg.gather [hbm4b:s2+s3], $0x80, v4, vm0, $0xb8;
	[tilespmem:$0x18200] =	vst v63  }
0xf7: {  	s30 =	simm.s32 $0x9A00;
	v3 =	vadd.s32 v1, v3  }
0xf8: {  	[tilespmem:s30], [sflag:$0x1] =	stream.indirect_vreg.gather [hbm4b:s5+s3], $0x80, v4, vm0, $0xb8;
	[tilespmem:$0x18200] =	vst v63  }
0xf9: {  	s31 =	simm.s32 $0xA200  }
0xfa: {  	[tilespmem:s31], [sflag:$0x1] =	stream.indirect_vreg.gather [hbm4b:s6+s3], $0x80, v4, vm0, $0xb8;
	[tilespmem:$0x18200] =	vst v63  }
0xfb: {  	s13 =	simm.s32 $0xAA00  }
0xfc: {  	[tilespmem:s13], [sflag:$0x1] =	stream.indirect_vreg.gather [hbm4b:s2+s3], $0x80, v3, vm0, $0xb8;
	[tilespmem:$0x18200] =	vst v63  }
0xfd: {  	s14 =	simm.s32 $0xB200  }
0xfe: {  	[tilespmem:s14], [sflag:$0x1] =	stream.indirect_vreg.gather [hbm4b:s5+s3], $0x80, v3, vm0, $0xb8;
	[tilespmem:$0x18200] =	vst v63  }
0xff: {  	s15 =	simm.s32 $0xBA00  }
0x100: {  	[tilespmem:s15], [sflag:$0x1] =	stream.indirect_vreg.gather [hbm4b:s6+s3], $0x80, v3, vm0, $0xb8;
	[tilespmem:$0x18200] =	vst v63  }
0x101: {  	_ =	swait.ge [sflag:s11], $0xC000  }
0x102: {  	[sflag:s11] =	ssyncset.done $0x0  }
0x103: {  	s15 =	rddreg [dreg:$0x4];
	[sflag:s11] =	ssyncadd.s32 $0xFFFF4000  }
0x104: {  	[hbm4b:s15+s3] =	stream.linear.scatter [tilespmem:s4], [sflag:$0x3], $0xC000, $0x38;
	[tilespmem:$0x18200] =	vst v63  }
0x105: {  	_ =	swait.ge [sflag:s8], $0xC000  }
0x106: {  	[sflag:s8] =	ssyncset.done $0x0  }
0x107: {  	[sflag:s8] =	ssyncadd.s32 $0xFFFF4000  }
0x108: {  	v3 =	vld [tilespmem:$0xC0];
	_ =	sdelay $0x4  }
0x109: {  	v44 =	vshrl.u32 v3, $0x3  }
0x10a: {  	v4 =	vmul.u32 $0x30, v44  }
0x10b: {  	v3 =	vand.u32 $0x7, v3  }
0x10c: {  	v3 =	vor.u32 v3, v4  }
0x10d: {  	v4 =	vperm.xlane v3, v0;
	_ =	sdelay $0x1  }
0x10e: {  	v4 =	vadd.s32 v1, v4;
	_ =	sdelay $0x3  }
0x10f: {  	v3 =	vperm.xlane v3, v2  }
0x110: {  	[tilespmem:s4], [sflag:$0x2] =	stream.indirect_vreg.gather [hbm4b:s2+s3], $0x80, v4, vm0, $0xb8;
	[tilespmem:$0x18200] =	vst v63  }
0x111: {  	s15 =	simm.s32 $0xCA00;
	v3 =	vadd.s32 v1, v3  }
0x112: {  	[tilespmem:s15], [sflag:$0x2] =	stream.indirect_vreg.gather [hbm4b:s5+s3], $0x80, v4, vm0, $0xb8;
	[tilespmem:$0x18200] =	vst v63  }
0x113: {  	s12 =	simm.s32 $0xD200  }
0x114: {  	[tilespmem:s12], [sflag:$0x2] =	stream.indirect_vreg.gather [hbm4b:s6+s3], $0x80, v4, vm0, $0xb8;
	[tilespmem:$0x18200] =	vst v63  }
0x115: {  	s12 =	simm.s32 $0xDA00  }
0x116: {  	[tilespmem:s12], [sflag:$0x2] =	stream.indirect_vreg.gather [hbm4b:s2+s3], $0x80, v3, vm0, $0xb8;
	[tilespmem:$0x18200] =	vst v63  }
0x117: {  	s12 =	simm.s32 $0xE200  }
0x118: {  	[tilespmem:s12], [sflag:$0x2] =	stream.indirect_vreg.gather [hbm4b:s5+s3], $0x80, v3, vm0, $0xb8;
	[tilespmem:$0x18200] =	vst v63  }
0x119: {  	s18 =	simm.s32 $0xEA00  }
0x11a: {  	[tilespmem:s18], [sflag:$0x2] =	stream.indirect_vreg.gather [hbm4b:s6+s3], $0x80, v3, vm0, $0xb8;
	[tilespmem:$0x18200] =	vst v63  }
0x11b: {  	v3 =	vld [tilespmem:$0xD0];
	_ =	sdelay $0x4  }
0x11c: {  	v45 =	vshrl.u32 v3, $0x3  }
0x11d: {  	v4 =	vmul.u32 $0x30, v45  }
0x11e: {  	v3 =	vand.u32 $0x7, v3  }
0x11f: {  	v3 =	vor.u32 v3, v4  }
0x120: {  	v4 =	vperm.xlane v3, v0;
	_ =	sdelay $0x1  }
0x121: {  	v4 =	vadd.s32 v1, v4;
	_ =	sdelay $0x3  }
0x122: {  	s19 =	simm.s32 $0xF200;
	v3 =	vperm.xlane v3, v2  }
0x123: {  	[tilespmem:s19], [sflag:$0x2] =	stream.indirect_vreg.gather [hbm4b:s2+s3], $0x80, v4, vm0, $0xb8;
	[tilespmem:$0x18200] =	vst v63  }
0x124: {  	v3 =	vadd.s32 v1, v3;
	s19 =	simm.s32 $0xFA00  }
0x125: {  	[tilespmem:s19], [sflag:$0x2] =	stream.indirect_vreg.gather [hbm4b:s5+s3], $0x80, v4, vm0, $0xb8;
	[tilespmem:$0x18200] =	vst v63  }
0x126: {  	s18 =	simm.s32 $0x10200  }
0x127: {  	[tilespmem:s18], [sflag:$0x2] =	stream.indirect_vreg.gather [hbm4b:s6+s3], $0x80, v4, vm0, $0xb8;
	[tilespmem:$0x18200] =	vst v63  }
0x128: {  	s19 =	simm.s32 $0x10A00  }
0x129: {  	[tilespmem:s19], [sflag:$0x2] =	stream.indirect_vreg.gather [hbm4b:s2+s3], $0x80, v3, vm0, $0xb8;
	[tilespmem:$0x18200] =	vst v63  }
0x12a: {  	s18 =	simm.s32 $0x11200  }
0x12b: {  	[tilespmem:s18], [sflag:$0x2] =	stream.indirect_vreg.gather [hbm4b:s5+s3], $0x80, v3, vm0, $0xb8;
	[tilespmem:$0x18200] =	vst v63  }
0x12c: {  	s19 =	simm.s32 $0x11A00  }
0x12d: {  	[tilespmem:s19], [sflag:$0x2] =	stream.indirect_vreg.gather [hbm4b:s6+s3], $0x80, v3, vm0, $0xb8;
	[tilespmem:$0x18200] =	vst v63  }
0x12e: {  	v3 =	vld [tilespmem:$0xE0];
	_ =	sdelay $0x4  }
0x12f: {  	v46 =	vshrl.u32 v3, $0x3  }
0x130: {  	v4 =	vmul.u32 $0x30, v46  }
0x131: {  	v3 =	vand.u32 $0x7, v3  }
0x132: {  	v3 =	vor.u32 v3, v4  }
0x133: {  	v4 =	vperm.xlane v3, v0;
	_ =	sdelay $0x1  }
0x134: {  	v4 =	vadd.s32 v1, v4;
	_ =	sdelay $0x3  }
0x135: {  	s18 =	simm.s32 $0x12200;
	v3 =	vperm.xlane v3, v2  }
0x136: {  	[tilespmem:s18], [sflag:$0x2] =	stream.indirect_vreg.gather [hbm4b:s2+s3], $0x80, v4, vm0, $0xb8;
	[tilespmem:$0x18200] =	vst v63  }
0x137: {  	s19 =	simm.s32 $0x12A00;
	v3 =	vadd.s32 v1, v3  }
0x138: {  	[tilespmem:s19], [sflag:$0x2] =	stream.indirect_vreg.gather [hbm4b:s5+s3], $0x80, v4, vm0, $0xb8;
	[tilespmem:$0x18200] =	vst v63  }
0x139: {  	s18 =	simm.s32 $0x13200  }
0x13a: {  	[tilespmem:s18], [sflag:$0x2] =	stream.indirect_vreg.gather [hbm4b:s6+s3], $0x80, v4, vm0, $0xb8;
	[tilespmem:$0x18200] =	vst v63  }
0x13b: {  	s19 =	simm.s32 $0x13A00  }
0x13c: {  	[tilespmem:s19], [sflag:$0x2] =	stream.indirect_vreg.gather [hbm4b:s2+s3], $0x80, v3, vm0, $0xb8;
	[tilespmem:$0x18200] =	vst v63  }
0x13d: {  	s18 =	simm.s32 $0x14200  }
0x13e: {  	[tilespmem:s18], [sflag:$0x2] =	stream.indirect_vreg.gather [hbm4b:s5+s3], $0x80, v3, vm0, $0xb8;
	[tilespmem:$0x18200] =	vst v63  }
0x13f: {  	s19 =	simm.s32 $0x14A00  }
0x140: {  	[tilespmem:s19], [sflag:$0x2] =	stream.indirect_vreg.gather [hbm4b:s6+s3], $0x80, v3, vm0, $0xb8;
	[tilespmem:$0x18200] =	vst v63  }
0x141: {  	v3 =	vld [tilespmem:$0xF0];
	_ =	sdelay $0x4  }
0x142: {  	v47 =	vshrl.u32 v3, $0x3  }
0x143: {  	v4 =	vmul.u32 $0x30, v47  }
0x144: {  	v3 =	vand.u32 $0x7, v3  }
0x145: {  	v3 =	vor.u32 v3, v4  }
0x146: {  	v4 =	vperm.xlane v3, v0;
	_ =	sdelay $0x1  }
0x147: {  	v4 =	vadd.s32 v1, v4;
	_ =	sdelay $0x3  }
0x148: {  	s18 =	simm.s32 $0x15200;
	v3 =	vperm.xlane v3, v2  }
0x149: {  	[tilespmem:s18], [sflag:$0x2] =	stream.indirect_vreg.gather [hbm4b:s2+s3], $0x80, v4, vm0, $0xb8;
	[tilespmem:$0x18200] =	vst v63  }
0x14a: {  	s19 =	simm.s32 $0x15A00;
	v3 =	vadd.s32 v1, v3  }
0x14b: {  	[tilespmem:s19], [sflag:$0x2] =	stream.indirect_vreg.gather [hbm4b:s5+s3], $0x80, v4, vm0, $0xb8;
	[tilespmem:$0x18200] =	vst v63  }
0x14c: {  	s18 =	simm.s32 $0x16200  }
0x14d: {  	[tilespmem:s18], [sflag:$0x2] =	stream.indirect_vreg.gather [hbm4b:s6+s3], $0x80, v4, vm0, $0xb8;
	[tilespmem:$0x18200] =	vst v63  }
0x14e: {  	s19 =	simm.s32 $0x16A00  }
0x14f: {  	[tilespmem:s19], [sflag:$0x2] =	stream.indirect_vreg.gather [hbm4b:s2+s3], $0x80, v3, vm0, $0xb8;
	[tilespmem:$0x18200] =	vst v63  }
0x150: {  	s18 =	simm.s32 $0x17200  }
0x151: {  	[tilespmem:s18], [sflag:$0x2] =	stream.indirect_vreg.gather [hbm4b:s5+s3], $0x80, v3, vm0, $0xb8;
	[tilespmem:$0x18200] =	vst v63  }
0x152: {  	s17 =	simm.s32 $0x17A00  }
0x153: {  	[tilespmem:s17], [sflag:$0x2] =	stream.indirect_vreg.gather [hbm4b:s6+s3], $0x80, v3, vm0, $0xb8;
	[tilespmem:$0x18200] =	vst v63  }
0x154: {  	_ =	swait.ge [sflag:s10], $0xC000  }
0x155: {  	[sflag:s10] =	ssyncset.done $0x0  }
0x156: {  	s19 =	rddreg [dreg:$0x5];
	[sflag:s10] =	ssyncadd.s32 $0xFFFF4000  }
0x157: {  	[hbm4b:s19+s3] =	stream.linear.scatter [tilespmem:s16], [sflag:$0x3], $0xC000, $0x38;
	[tilespmem:$0x18200] =	vst v63  }
0x158: {  	_ =	swait.ge [sflag:s8], $0xC000  }
0x159: {  	[sflag:s8] =	ssyncset.done $0x0  }
0x15a: {  	[sflag:s8] =	ssyncadd.s32 $0xFFFF4000  }
0x15b: {  	v3 =	vld [tilespmem:$0x100];
	_ =	sdelay $0x4  }
0x15c: {  	v48 =	vshrl.u32 v3, $0x3  }
0x15d: {  	v4 =	vmul.u32 $0x30, v48  }
0x15e: {  	v3 =	vand.u32 $0x7, v3  }
0x15f: {  	v3 =	vor.u32 v3, v4  }
0x160: {  	v4 =	vperm.xlane v3, v0;
	_ =	sdelay $0x1  }
0x161: {  	v4 =	vadd.s32 v1, v4;
	_ =	sdelay $0x3  }
0x162: {  	v3 =	vperm.xlane v3, v2  }
0x163: {  	[tilespmem:s16], [sflag:$0x1] =	stream.indirect_vreg.gather [hbm4b:s2+s3], $0x80, v4, vm0, $0xb8;
	[tilespmem:$0x18200] =	vst v63  }
0x164: {  	v3 =	vadd.s32 v1, v3  }
0x165: {  	[tilespmem:s0], [sflag:$0x1] =	stream.indirect_vreg.gather [hbm4b:s5+s3], $0x80, v4, vm0, $0xb8;
	[tilespmem:$0x18200] =	vst v63  }
0x166: {  	_ = 	snop  }
0x167: {  	[tilespmem:s1], [sflag:$0x1] =	stream.indirect_vreg.gather [hbm4b:s6+s3], $0x80, v4, vm0, $0xb8;
	[tilespmem:$0x18200] =	vst v63  }
0x168: {  	_ = 	snop  }
0x169: {  	[tilespmem:s9], [sflag:$0x1] =	stream.indirect_vreg.gather [hbm4b:s2+s3], $0x80, v3, vm0, $0xb8;
	[tilespmem:$0x18200] =	vst v63  }
0x16a: {  	_ = 	snop  }
0x16b: {  	[tilespmem:s20], [sflag:$0x1] =	stream.indirect_vreg.gather [hbm4b:s5+s3], $0x80, v3, vm0, $0xb8;
	[tilespmem:$0x18200] =	vst v63  }
0x16c: {  	s20 =	simm.s32 $0x2A00  }
0x16d: {  	[tilespmem:s20], [sflag:$0x1] =	stream.indirect_vreg.gather [hbm4b:s6+s3], $0x80, v3, vm0, $0xb8;
	[tilespmem:$0x18200] =	vst v63  }
0x16e: {  	v3 =	vld [tilespmem:$0x110];
	_ =	sdelay $0x4  }
0x16f: {  	v49 =	vshrl.u32 v3, $0x3  }
0x170: {  	v4 =	vmul.u32 $0x30, v49  }
0x171: {  	v3 =	vand.u32 $0x7, v3  }
0x172: {  	v3 =	vor.u32 v3, v4  }
0x173: {  	v4 =	vperm.xlane v3, v0;
	_ =	sdelay $0x1  }
0x174: {  	v4 =	vadd.s32 v1, v4;
	_ =	sdelay $0x3  }
0x175: {  	s18 =	simm.s32 $0x3200;
	v3 =	vperm.xlane v3, v2  }
0x176: {  	[tilespmem:s18], [sflag:$0x1] =	stream.indirect_vreg.gather [hbm4b:s2+s3], $0x80, v4, vm0, $0xb8;
	[tilespmem:$0x18200] =	vst v63  }
0x177: {  	v3 =	vadd.s32 v1, v3  }
0x178: {  	[tilespmem:s21], [sflag:$0x1] =	stream.indirect_vreg.gather [hbm4b:s5+s3], $0x80, v4, vm0, $0xb8;
	[tilespmem:$0x18200] =	vst v63  }
0x179: {  	_ = 	snop  }
0x17a: {  	[tilespmem:s22], [sflag:$0x1] =	stream.indirect_vreg.gather [hbm4b:s6+s3], $0x80, v4, vm0, $0xb8;
	[tilespmem:$0x18200] =	vst v63  }
0x17b: {  	_ = 	snop  }
0x17c: {  	[tilespmem:s23], [sflag:$0x1] =	stream.indirect_vreg.gather [hbm4b:s2+s3], $0x80, v3, vm0, $0xb8;
	[tilespmem:$0x18200] =	vst v63  }
0x17d: {  	_ = 	snop  }
0x17e: {  	[tilespmem:s24], [sflag:$0x1] =	stream.indirect_vreg.gather [hbm4b:s5+s3], $0x80, v3, vm0, $0xb8;
	[tilespmem:$0x18200] =	vst v63  }
0x17f: {  	s19 =	simm.s32 $0x5A00  }
0x180: {  	[tilespmem:s19], [sflag:$0x1] =	stream.indirect_vreg.gather [hbm4b:s6+s3], $0x80, v3, vm0, $0xb8;
	[tilespmem:$0x18200] =	vst v63  }
0x181: {  	v3 =	vld [tilespmem:$0x120];
	_ =	sdelay $0x4  }
0x182: {  	v50 =	vshrl.u32 v3, $0x3  }
0x183: {  	v4 =	vmul.u32 $0x30, v50  }
0x184: {  	v3 =	vand.u32 $0x7, v3  }
0x185: {  	v3 =	vor.u32 v3, v4  }
0x186: {  	v4 =	vperm.xlane v3, v0;
	_ =	sdelay $0x1  }
0x187: {  	v4 =	vadd.s32 v1, v4;
	_ =	sdelay $0x3  }
0x188: {  	s24 =	simm.s32 $0x6200;
	v3 =	vperm.xlane v3, v2  }
0x189: {  	[tilespmem:s24], [sflag:$0x1] =	stream.indirect_vreg.gather [hbm4b:s2+s3], $0x80, v4, vm0, $0xb8;
	[tilespmem:$0x18200] =	vst v63  }
0x18a: {  	v3 =	vadd.s32 v1, v3  }
0x18b: {  	[tilespmem:s25], [sflag:$0x1] =	stream.indirect_vreg.gather [hbm4b:s5+s3], $0x80, v4, vm0, $0xb8;
	[tilespmem:$0x18200] =	vst v63  }
0x18c: {  	_ = 	snop  }
0x18d: {  	[tilespmem:s26], [sflag:$0x1] =	stream.indirect_vreg.gather [hbm4b:s6+s3], $0x80, v4, vm0, $0xb8;
	[tilespmem:$0x18200] =	vst v63  }
0x18e: {  	_ = 	snop  }
0x18f: {  	[tilespmem:s28], [sflag:$0x1] =	stream.indirect_vreg.gather [hbm4b:s2+s3], $0x80, v3, vm0, $0xb8;
	[tilespmem:$0x18200] =	vst v63  }
0x190: {  	_ = 	snop  }
0x191: {  	[tilespmem:s29], [sflag:$0x1] =	stream.indirect_vreg.gather [hbm4b:s5+s3], $0x80, v3, vm0, $0xb8;
	[tilespmem:$0x18200] =	vst v63  }
0x192: {  	s29 =	simm.s32 $0x8A00  }
0x193: {  	[tilespmem:s29], [sflag:$0x1] =	stream.indirect_vreg.gather [hbm4b:s6+s3], $0x80, v3, vm0, $0xb8;
	[tilespmem:$0x18200] =	vst v63  }
0x194: {  	v3 =	vld [tilespmem:$0x130];
	_ =	sdelay $0x4  }
0x195: {  	v51 =	vshrl.u32 v3, $0x3  }
0x196: {  	v4 =	vmul.u32 $0x30, v51  }
0x197: {  	v3 =	vand.u32 $0x7, v3  }
0x198: {  	v3 =	vor.u32 v3, v4  }
0x199: {  	v4 =	vperm.xlane v3, v0;
	_ =	sdelay $0x1  }
0x19a: {  	v4 =	vadd.s32 v1, v4;
	_ =	sdelay $0x3  }
0x19b: {  	s18 =	simm.s32 $0x9200;
	v3 =	vperm.xlane v3, v2  }
0x19c: {  	[tilespmem:s18], [sflag:$0x1] =	stream.indirect_vreg.gather [hbm4b:s2+s3], $0x80, v4, vm0, $0xb8;
	[tilespmem:$0x18200] =	vst v63  }
0x19d: {  	v3 =	vadd.s32 v1, v3  }
0x19e: {  	[tilespmem:s30], [sflag:$0x1] =	stream.indirect_vreg.gather [hbm4b:s5+s3], $0x80, v4, vm0, $0xb8;
	[tilespmem:$0x18200] =	vst v63  }
0x19f: {  	_ = 	snop  }
0x1a0: {  	[tilespmem:s31], [sflag:$0x1] =	stream.indirect_vreg.gather [hbm4b:s6+s3], $0x80, v4, vm0, $0xb8;
	[tilespmem:$0x18200] =	vst v63  }
0x1a1: {  	_ = 	snop  }
0x1a2: {  	[tilespmem:s13], [sflag:$0x1] =	stream.indirect_vreg.gather [hbm4b:s2+s3], $0x80, v3, vm0, $0xb8;
	[tilespmem:$0x18200] =	vst v63  }
0x1a3: {  	_ = 	snop  }
0x1a4: {  	[tilespmem:s14], [sflag:$0x1] =	stream.indirect_vreg.gather [hbm4b:s5+s3], $0x80, v3, vm0, $0xb8;
	[tilespmem:$0x18200] =	vst v63  }
0x1a5: {  	s19 =	simm.s32 $0xBA00  }
0x1a6: {  	[tilespmem:s19], [sflag:$0x1] =	stream.indirect_vreg.gather [hbm4b:s6+s3], $0x80, v3, vm0, $0xb8;
	[tilespmem:$0x18200] =	vst v63  }
0x1a7: {  	_ =	swait.ge [sflag:s11], $0xC000  }
0x1a8: {  	[sflag:s11] =	ssyncset.done $0x0  }
0x1a9: {  	s31 =	rddreg [dreg:$0x6];
	[sflag:s11] =	ssyncadd.s32 $0xFFFF4000  }
0x1aa: {  	[hbm4b:s31+s3] =	stream.linear.scatter [tilespmem:s4], [sflag:$0x3], $0xC000, $0x38;
	[tilespmem:$0x18200] =	vst v63  }
0x1ab: {  	_ =	swait.ge [sflag:s8], $0xC000  }
0x1ac: {  	[sflag:s8] =	ssyncset.done $0x0  }
0x1ad: {  	[sflag:s8] =	ssyncadd.s32 $0xFFFF4000  }
0x1ae: {  	v3 =	vld [tilespmem:$0x140];
	_ =	sdelay $0x4  }
0x1af: {  	v52 =	vshrl.u32 v3, $0x3  }
0x1b0: {  	v4 =	vmul.u32 $0x30, v52  }
0x1b1: {  	v3 =	vand.u32 $0x7, v3  }
0x1b2: {  	v3 =	vor.u32 v3, v4  }
0x1b3: {  	v4 =	vperm.xlane v3, v0;
	_ =	sdelay $0x1  }
0x1b4: {  	v4 =	vadd.s32 v1, v4;
	_ =	sdelay $0x3  }
0x1b5: {  	v3 =	vperm.xlane v3, v2  }
0x1b6: {  	[tilespmem:s4], [sflag:$0x2] =	stream.indirect_vreg.gather [hbm4b:s2+s3], $0x80, v4, vm0, $0xb8;
	[tilespmem:$0x18200] =	vst v63  }
0x1b7: {  	s15 =	simm.s32 $0xCA00;
	v3 =	vadd.s32 v1, v3  }
0x1b8: {  	[tilespmem:s15], [sflag:$0x2] =	stream.indirect_vreg.gather [hbm4b:s5+s3], $0x80, v4, vm0, $0xb8;
	[tilespmem:$0x18200] =	vst v63  }
0x1b9: {  	s15 =	simm.s32 $0xD200  }
0x1ba: {  	[tilespmem:s15], [sflag:$0x2] =	stream.indirect_vreg.gather [hbm4b:s6+s3], $0x80, v4, vm0, $0xb8;
	[tilespmem:$0x18200] =	vst v63  }
0x1bb: {  	s18 =	simm.s32 $0xDA00  }
0x1bc: {  	[tilespmem:s18], [sflag:$0x2] =	stream.indirect_vreg.gather [hbm4b:s2+s3], $0x80, v3, vm0, $0xb8;
	[tilespmem:$0x18200] =	vst v63  }
0x1bd: {  	s19 =	simm.s32 $0xE200  }
0x1be: {  	[tilespmem:s19], [sflag:$0x2] =	stream.indirect_vreg.gather [hbm4b:s5+s3], $0x80, v3, vm0, $0xb8;
	[tilespmem:$0x18200] =	vst v63  }
0x1bf: {  	s12 =	simm.s32 $0xEA00  }
0x1c0: {  	[tilespmem:s12], [sflag:$0x2] =	stream.indirect_vreg.gather [hbm4b:s6+s3], $0x80, v3, vm0, $0xb8;
	[tilespmem:$0x18200] =	vst v63  }
0x1c1: {  	v3 =	vld [tilespmem:$0x150];
	_ =	sdelay $0x4  }
0x1c2: {  	v53 =	vshrl.u32 v3, $0x3  }
0x1c3: {  	v4 =	vmul.u32 $0x30, v53  }
0x1c4: {  	v3 =	vand.u32 $0x7, v3  }
0x1c5: {  	v3 =	vor.u32 v3, v4  }
0x1c6: {  	v4 =	vperm.xlane v3, v0;
	_ =	sdelay $0x1  }
0x1c7: {  	v4 =	vadd.s32 v1, v4;
	_ =	sdelay $0x3  }
0x1c8: {  	s12 =	simm.s32 $0xF200;
	v3 =	vperm.xlane v3, v2  }
0x1c9: {  	[tilespmem:s12], [sflag:$0x2] =	stream.indirect_vreg.gather [hbm4b:s2+s3], $0x80, v4, vm0, $0xb8;
	[tilespmem:$0x18200] =	vst v63  }
0x1ca: {  	v3 =	vadd.s32 v1, v3;
	s12 =	simm.s32 $0xFA00  }
0x1cb: {  	[tilespmem:s12], [sflag:$0x2] =	stream.indirect_vreg.gather [hbm4b:s5+s3], $0x80, v4, vm0, $0xb8;
	[tilespmem:$0x18200] =	vst v63  }
0x1cc: {  	s12 =	simm.s32 $0x10200  }
0x1cd: {  	[tilespmem:s12], [sflag:$0x2] =	stream.indirect_vreg.gather [hbm4b:s6+s3], $0x80, v4, vm0, $0xb8;
	[tilespmem:$0x18200] =	vst v63  }
0x1ce: {  	s12 =	simm.s32 $0x10A00  }
0x1cf: {  	[tilespmem:s12], [sflag:$0x2] =	stream.indirect_vreg.gather [hbm4b:s2+s3], $0x80, v3, vm0, $0xb8;
	[tilespmem:$0x18200] =	vst v63  }
0x1d0: {  	s12 =	simm.s32 $0x11200  }
0x1d1: {  	[tilespmem:s12], [sflag:$0x2] =	stream.indirect_vreg.gather [hbm4b:s5+s3], $0x80, v3, vm0, $0xb8;
	[tilespmem:$0x18200] =	vst v63  }
0x1d2: {  	s12 =	simm.s32 $0x11A00  }
0x1d3: {  	[tilespmem:s12], [sflag:$0x2] =	stream.indirect_vreg.gather [hbm4b:s6+s3], $0x80, v3, vm0, $0xb8;
	[tilespmem:$0x18200] =	vst v63  }
0x1d4: {  	v3 =	vld [tilespmem:$0x160];
	_ =	sdelay $0x4  }
0x1d5: {  	v54 =	vshrl.u32 v3, $0x3  }
0x1d6: {  	v4 =	vmul.u32 $0x30, v54  }
0x1d7: {  	v3 =	vand.u32 $0x7, v3  }
0x1d8: {  	v3 =	vor.u32 v3, v4  }
0x1d9: {  	v4 =	vperm.xlane v3, v0;
	_ =	sdelay $0x1  }
0x1da: {  	v4 =	vadd.s32 v1, v4;
	_ =	sdelay $0x3  }
0x1db: {  	s12 =	simm.s32 $0x12200;
	v3 =	vperm.xlane v3, v2  }
0x1dc: {  	[tilespmem:s12], [sflag:$0x2] =	stream.indirect_vreg.gather [hbm4b:s2+s3], $0x80, v4, vm0, $0xb8;
	[tilespmem:$0x18200] =	vst v63  }
0x1dd: {  	v3 =	vadd.s32 v1, v3;
	s12 =	simm.s32 $0x12A00  }
0x1de: {  	[tilespmem:s12], [sflag:$0x2] =	stream.indirect_vreg.gather [hbm4b:s5+s3], $0x80, v4, vm0, $0xb8;
	[tilespmem:$0x18200] =	vst v63  }
0x1df: {  	s12 =	simm.s32 $0x13200  }
0x1e0: {  	[tilespmem:s12], [sflag:$0x2] =	stream.indirect_vreg.gather [hbm4b:s6+s3], $0x80, v4, vm0, $0xb8;
	[tilespmem:$0x18200] =	vst v63  }
0x1e1: {  	s12 =	simm.s32 $0x13A00  }
0x1e2: {  	[tilespmem:s12], [sflag:$0x2] =	stream.indirect_vreg.gather [hbm4b:s2+s3], $0x80, v3, vm0, $0xb8;
	[tilespmem:$0x18200] =	vst v63  }
0x1e3: {  	s12 =	simm.s32 $0x14200  }
0x1e4: {  	[tilespmem:s12], [sflag:$0x2] =	stream.indirect_vreg.gather [hbm4b:s5+s3], $0x80, v3, vm0, $0xb8;
	[tilespmem:$0x18200] =	vst v63  }
0x1e5: {  	s12 =	simm.s32 $0x14A00  }
0x1e6: {  	[tilespmem:s12], [sflag:$0x2] =	stream.indirect_vreg.gather [hbm4b:s6+s3], $0x80, v3, vm0, $0xb8;
	[tilespmem:$0x18200] =	vst v63  }
0x1e7: {  	v3 =	vld [tilespmem:$0x170];
	_ =	sdelay $0x4  }
0x1e8: {  	v55 =	vshrl.u32 v3, $0x3  }
0x1e9: {  	v4 =	vmul.u32 $0x30, v55  }
0x1ea: {  	v3 =	vand.u32 $0x7, v3  }
0x1eb: {  	v3 =	vor.u32 v3, v4  }
0x1ec: {  	v4 =	vperm.xlane v3, v0;
	_ =	sdelay $0x1  }
0x1ed: {  	v4 =	vadd.s32 v1, v4;
	_ =	sdelay $0x3  }
0x1ee: {  	s12 =	simm.s32 $0x15200;
	v3 =	vperm.xlane v3, v2  }
0x1ef: {  	[tilespmem:s12], [sflag:$0x2] =	stream.indirect_vreg.gather [hbm4b:s2+s3], $0x80, v4, vm0, $0xb8;
	[tilespmem:$0x18200] =	vst v63  }
0x1f0: {  	v3 =	vadd.s32 v1, v3;
	s12 =	simm.s32 $0x15A00  }
0x1f1: {  	[tilespmem:s12], [sflag:$0x2] =	stream.indirect_vreg.gather [hbm4b:s5+s3], $0x80, v4, vm0, $0xb8;
	[tilespmem:$0x18200] =	vst v63  }
0x1f2: {  	s12 =	simm.s32 $0x16200  }
0x1f3: {  	[tilespmem:s12], [sflag:$0x2] =	stream.indirect_vreg.gather [hbm4b:s6+s3], $0x80, v4, vm0, $0xb8;
	[tilespmem:$0x18200] =	vst v63  }
0x1f4: {  	s12 =	simm.s32 $0x16A00  }
0x1f5: {  	[tilespmem:s12], [sflag:$0x2] =	stream.indirect_vreg.gather [hbm4b:s2+s3], $0x80, v3, vm0, $0xb8;
	[tilespmem:$0x18200] =	vst v63  }
0x1f6: {  	s12 =	simm.s32 $0x17200  }
0x1f7: {  	[tilespmem:s12], [sflag:$0x2] =	stream.indirect_vreg.gather [hbm4b:s5+s3], $0x80, v3, vm0, $0xb8;
	[tilespmem:$0x18200] =	vst v63  }
0x1f8: {  	s12 =	simm.s32 $0x17A00  }
0x1f9: {  	[tilespmem:s12], [sflag:$0x2] =	stream.indirect_vreg.gather [hbm4b:s6+s3], $0x80, v3, vm0, $0xb8;
	[tilespmem:$0x18200] =	vst v63  }
0x1fa: {  	_ =	swait.ge [sflag:s10], $0xC000  }
0x1fb: {  	[sflag:s10] =	ssyncset.done $0x0  }
0x1fc: {  	s12 =	rddreg [dreg:$0x7];
	[sflag:s10] =	ssyncadd.s32 $0xFFFF4000  }
0x1fd: {  	[hbm4b:s12+s3] =	stream.linear.scatter [tilespmem:s16], [sflag:$0x3], $0xC000, $0x38;
	[tilespmem:$0x18200] =	vst v63  }
0x1fe: {  	_ =	swait.ge [sflag:s8], $0xC000  }
0x1ff: {  	[sflag:s8] =	ssyncset.done $0x0  }
0x200: {  	[sflag:s8] =	ssyncadd.s32 $0xFFFF4000  }
0x201: {  	v3 =	vld [tilespmem:$0x180];
	_ =	sdelay $0x4  }
0x202: {  	v56 =	vshrl.u32 v3, $0x3  }
0x203: {  	v4 =	vmul.u32 $0x30, v56  }
0x204: {  	v3 =	vand.u32 $0x7, v3  }
0x205: {  	v3 =	vor.u32 v3, v4  }
0x206: {  	v4 =	vperm.xlane v3, v0;
	_ =	sdelay $0x1  }
0x207: {  	v4 =	vadd.s32 v1, v4;
	_ =	sdelay $0x3  }
0x208: {  	v3 =	vperm.xlane v3, v2  }
0x209: {  	[tilespmem:s16], [sflag:$0x1] =	stream.indirect_vreg.gather [hbm4b:s2+s3], $0x80, v4, vm0, $0xb8;
	[tilespmem:$0x18200] =	vst v63  }
0x20a: {  	s0 =	simm.s32 $0xA00;
	v3 =	vadd.s32 v1, v3  }
0x20b: {  	[tilespmem:s0], [sflag:$0x1] =	stream.indirect_vreg.gather [hbm4b:s5+s3], $0x80, v4, vm0, $0xb8;
	[tilespmem:$0x18200] =	vst v63  }
0x20c: {  	s1 =	simm.s32 $0x1200  }
0x20d: {  	[tilespmem:s1], [sflag:$0x1] =	stream.indirect_vreg.gather [hbm4b:s6+s3], $0x80, v4, vm0, $0xb8;
	[tilespmem:$0x18200] =	vst v63  }
0x20e: {  	s9 =	simm.s32 $0x1A00  }
0x20f: {  	[tilespmem:s9], [sflag:$0x1] =	stream.indirect_vreg.gather [hbm4b:s2+s3], $0x80, v3, vm0, $0xb8;
	[tilespmem:$0x18200] =	vst v63  }
0x210: {  	s17 =	simm.s32 $0x2200  }
0x211: {  	[tilespmem:s17], [sflag:$0x1] =	stream.indirect_vreg.gather [hbm4b:s5+s3], $0x80, v3, vm0, $0xb8;
	[tilespmem:$0x18200] =	vst v63  }
0x212: {  	s12 =	simm.s32 $0x2A00  }
0x213: {  	[tilespmem:s12], [sflag:$0x1] =	stream.indirect_vreg.gather [hbm4b:s6+s3], $0x80, v3, vm0, $0xb8;
	[tilespmem:$0x18200] =	vst v63  }
0x214: {  	v3 =	vld [tilespmem:$0x190];
	_ =	sdelay $0x4  }
0x215: {  	v57 =	vshrl.u32 v3, $0x3  }
0x216: {  	v4 =	vmul.u32 $0x30, v57  }
0x217: {  	v3 =	vand.u32 $0x7, v3  }
0x218: {  	v3 =	vor.u32 v3, v4  }
0x219: {  	v4 =	vperm.xlane v3, v0;
	_ =	sdelay $0x1  }
0x21a: {  	v4 =	vadd.s32 v1, v4;
	_ =	sdelay $0x3  }
0x21b: {  	s17 =	simm.s32 $0x3200;
	v3 =	vperm.xlane v3, v2  }
0x21c: {  	[tilespmem:s17], [sflag:$0x1] =	stream.indirect_vreg.gather [hbm4b:s2+s3], $0x80, v4, vm0, $0xb8;
	[tilespmem:$0x18200] =	vst v63  }
0x21d: {  	s20 =	simm.s32 $0x3A00;
	v3 =	vadd.s32 v1, v3  }
0x21e: {  	[tilespmem:s20], [sflag:$0x1] =	stream.indirect_vreg.gather [hbm4b:s5+s3], $0x80, v4, vm0, $0xb8;
	[tilespmem:$0x18200] =	vst v63  }
0x21f: {  	s21 =	simm.s32 $0x4200  }
0x220: {  	[tilespmem:s21], [sflag:$0x1] =	stream.indirect_vreg.gather [hbm4b:s6+s3], $0x80, v4, vm0, $0xb8;
	[tilespmem:$0x18200] =	vst v63  }
0x221: {  	s22 =	simm.s32 $0x4A00  }
0x222: {  	[tilespmem:s22], [sflag:$0x1] =	stream.indirect_vreg.gather [hbm4b:s2+s3], $0x80, v3, vm0, $0xb8;
	[tilespmem:$0x18200] =	vst v63  }
0x223: {  	s23 =	simm.s32 $0x5200  }
0x224: {  	[tilespmem:s23], [sflag:$0x1] =	stream.indirect_vreg.gather [hbm4b:s5+s3], $0x80, v3, vm0, $0xb8;
	[tilespmem:$0x18200] =	vst v63  }
0x225: {  	s22 =	simm.s32 $0x5A00  }
0x226: {  	[tilespmem:s22], [sflag:$0x1] =	stream.indirect_vreg.gather [hbm4b:s6+s3], $0x80, v3, vm0, $0xb8;
	[tilespmem:$0x18200] =	vst v63  }
0x227: {  	v3 =	vld [tilespmem:$0x1A0];
	_ =	sdelay $0x4  }
0x228: {  	v58 =	vshrl.u32 v3, $0x3  }
0x229: {  	v4 =	vmul.u32 $0x30, v58  }
0x22a: {  	v3 =	vand.u32 $0x7, v3  }
0x22b: {  	v3 =	vor.u32 v3, v4  }
0x22c: {  	v4 =	vperm.xlane v3, v0;
	_ =	sdelay $0x1  }
0x22d: {  	v4 =	vadd.s32 v1, v4;
	_ =	sdelay $0x3  }
0x22e: {  	s23 =	simm.s32 $0x6200;
	v3 =	vperm.xlane v3, v2  }
0x22f: {  	[tilespmem:s23], [sflag:$0x1] =	stream.indirect_vreg.gather [hbm4b:s2+s3], $0x80, v4, vm0, $0xb8;
	[tilespmem:$0x18200] =	vst v63  }
0x230: {  	s24 =	simm.s32 $0x6A00;
	v3 =	vadd.s32 v1, v3  }
0x231: {  	[tilespmem:s24], [sflag:$0x1] =	stream.indirect_vreg.gather [hbm4b:s5+s3], $0x80, v4, vm0, $0xb8;
	[tilespmem:$0x18200] =	vst v63  }
0x232: {  	s25 =	simm.s32 $0x7200  }
0x233: {  	[tilespmem:s25], [sflag:$0x1] =	stream.indirect_vreg.gather [hbm4b:s6+s3], $0x80, v4, vm0, $0xb8;
	[tilespmem:$0x18200] =	vst v63  }
0x234: {  	s26 =	simm.s32 $0x7A00  }
0x235: {  	[tilespmem:s26], [sflag:$0x1] =	stream.indirect_vreg.gather [hbm4b:s2+s3], $0x80, v3, vm0, $0xb8;
	[tilespmem:$0x18200] =	vst v63  }
0x236: {  	s28 =	simm.s32 $0x8200  }
0x237: {  	[tilespmem:s28], [sflag:$0x1] =	stream.indirect_vreg.gather [hbm4b:s5+s3], $0x80, v3, vm0, $0xb8;
	[tilespmem:$0x18200] =	vst v63  }
0x238: {  	s26 =	simm.s32 $0x8A00  }
0x239: {  	[tilespmem:s26], [sflag:$0x1] =	stream.indirect_vreg.gather [hbm4b:s6+s3], $0x80, v3, vm0, $0xb8;
	[tilespmem:$0x18200] =	vst v63  }
0x23a: {  	v3 =	vld [tilespmem:$0x1B0];
	_ =	sdelay $0x4  }
0x23b: {  	v59 =	vshrl.u32 v3, $0x3  }
0x23c: {  	v4 =	vmul.u32 $0x30, v59  }
0x23d: {  	v3 =	vand.u32 $0x7, v3  }
0x23e: {  	v3 =	vor.u32 v3, v4  }
0x23f: {  	v4 =	vperm.xlane v3, v0;
	_ =	sdelay $0x1  }
0x240: {  	v4 =	vadd.s32 v1, v4;
	_ =	sdelay $0x3  }
0x241: {  	s28 =	simm.s32 $0x9200;
	v3 =	vperm.xlane v3, v2  }
0x242: {  	[tilespmem:s28], [sflag:$0x1] =	stream.indirect_vreg.gather [hbm4b:s2+s3], $0x80, v4, vm0, $0xb8;
	[tilespmem:$0x18200] =	vst v63  }
0x243: {  	s29 =	simm.s32 $0x9A00;
	v3 =	vadd.s32 v1, v3  }
0x244: {  	[tilespmem:s29], [sflag:$0x1] =	stream.indirect_vreg.gather [hbm4b:s5+s3], $0x80, v4, vm0, $0xb8;
	[tilespmem:$0x18200] =	vst v63  }
0x245: {  	s30 =	simm.s32 $0xA200  }
0x246: {  	[tilespmem:s30], [sflag:$0x1] =	stream.indirect_vreg.gather [hbm4b:s6+s3], $0x80, v4, vm0, $0xb8;
	[tilespmem:$0x18200] =	vst v63  }
0x247: {  	s13 =	simm.s32 $0xAA00  }
0x248: {  	[tilespmem:s13], [sflag:$0x1] =	stream.indirect_vreg.gather [hbm4b:s2+s3], $0x80, v3, vm0, $0xb8;
	[tilespmem:$0x18200] =	vst v63  }
0x249: {  	s14 =	simm.s32 $0xB200  }
0x24a: {  	[tilespmem:s14], [sflag:$0x1] =	stream.indirect_vreg.gather [hbm4b:s5+s3], $0x80, v3, vm0, $0xb8;
	[tilespmem:$0x18200] =	vst v63  }
0x24b: {  	s29 =	simm.s32 $0xBA00  }
0x24c: {  	[tilespmem:s29], [sflag:$0x1] =	stream.indirect_vreg.gather [hbm4b:s6+s3], $0x80, v3, vm0, $0xb8;
	[tilespmem:$0x18200] =	vst v63  }
0x24d: {  	_ =	swait.ge [sflag:s11], $0xC000  }
0x24e: {  	[sflag:s11] =	ssyncset.done $0x0  }
0x24f: {  	s30 =	rddreg [dreg:$0x8];
	[sflag:s11] =	ssyncadd.s32 $0xFFFF4000  }
0x250: {  	[hbm4b:s30+s3] =	stream.linear.scatter [tilespmem:s4], [sflag:$0x3], $0xC000, $0x38;
	[tilespmem:$0x18200] =	vst v63  }
0x251: {  	_ =	swait.ge [sflag:s8], $0xC000  }
0x252: {  	[sflag:s8] =	ssyncset.done $0x0  }
0x253: {  	[sflag:s8] =	ssyncadd.s32 $0xFFFF4000  }
0x254: {  	v3 =	vld [tilespmem:$0x1C0];
	_ =	sdelay $0x4  }
0x255: {  	v60 =	vshrl.u32 v3, $0x3  }
0x256: {  	v4 =	vmul.u32 $0x30, v60  }
0x257: {  	v3 =	vand.u32 $0x7, v3  }
0x258: {  	v3 =	vor.u32 v3, v4  }
0x259: {  	v4 =	vperm.xlane v3, v0;
	_ =	sdelay $0x1  }
0x25a: {  	v4 =	vadd.s32 v1, v4;
	_ =	sdelay $0x3  }
0x25b: {  	v3 =	vperm.xlane v3, v2  }
0x25c: {  	[tilespmem:s4], [sflag:$0x2] =	stream.indirect_vreg.gather [hbm4b:s2+s3], $0x80, v4, vm0, $0xb8;
	[tilespmem:$0x18200] =	vst v63  }
0x25d: {  	s31 =	simm.s32 $0xCA00;
	v3 =	vadd.s32 v1, v3  }
0x25e: {  	[tilespmem:s31], [sflag:$0x2] =	stream.indirect_vreg.gather [hbm4b:s5+s3], $0x80, v4, vm0, $0xb8;
	[tilespmem:$0x18200] =	vst v63  }
0x25f: {  	s15 =	simm.s32 $0xD200  }
0x260: {  	[tilespmem:s15], [sflag:$0x2] =	stream.indirect_vreg.gather [hbm4b:s6+s3], $0x80, v4, vm0, $0xb8;
	[tilespmem:$0x18200] =	vst v63  }
0x261: {  	s18 =	simm.s32 $0xDA00  }
0x262: {  	[tilespmem:s18], [sflag:$0x2] =	stream.indirect_vreg.gather [hbm4b:s2+s3], $0x80, v3, vm0, $0xb8;
	[tilespmem:$0x18200] =	vst v63  }
0x263: {  	s19 =	simm.s32 $0xE200  }
0x264: {  	[tilespmem:s19], [sflag:$0x2] =	stream.indirect_vreg.gather [hbm4b:s5+s3], $0x80, v3, vm0, $0xb8;
	[tilespmem:$0x18200] =	vst v63  }
0x265: {  	s31 =	simm.s32 $0xEA00  }
0x266: {  	[tilespmem:s31], [sflag:$0x2] =	stream.indirect_vreg.gather [hbm4b:s6+s3], $0x80, v3, vm0, $0xb8;
	[tilespmem:$0x18200] =	vst v63  }
0x267: {  	v3 =	vld [tilespmem:$0x1D0];
	_ =	sdelay $0x4  }
0x268: {  	v61 =	vshrl.u32 v3, $0x3  }
0x269: {  	v4 =	vmul.u32 $0x30, v61  }
0x26a: {  	v3 =	vand.u32 $0x7, v3  }
0x26b: {  	v3 =	vor.u32 v3, v4  }
0x26c: {  	v4 =	vperm.xlane v3, v0;
	_ =	sdelay $0x1  }
0x26d: {  	v4 =	vadd.s32 v1, v4;
	_ =	sdelay $0x3  }
0x26e: {  	s1 =	simm.s32 $0xF200;
	v3 =	vperm.xlane v3, v2  }
0x26f: {  	[tilespmem:s1], [sflag:$0x2] =	stream.indirect_vreg.gather [hbm4b:s2+s3], $0x80, v4, vm0, $0xb8;
	[tilespmem:$0x18200] =	vst v63  }
0x270: {  	s9 =	simm.s32 $0xFA00;
	v3 =	vadd.s32 v1, v3  }
0x271: {  	[tilespmem:s9], [sflag:$0x2] =	stream.indirect_vreg.gather [hbm4b:s5+s3], $0x80, v4, vm0, $0xb8;
	[tilespmem:$0x18200] =	vst v63  }
0x272: {  	s12 =	simm.s32 $0x10200  }
0x273: {  	[tilespmem:s12], [sflag:$0x2] =	stream.indirect_vreg.gather [hbm4b:s6+s3], $0x80, v4, vm0, $0xb8;
	[tilespmem:$0x18200] =	vst v63  }
0x274: {  	s13 =	simm.s32 $0x10A00  }
0x275: {  	[tilespmem:s13], [sflag:$0x2] =	stream.indirect_vreg.gather [hbm4b:s2+s3], $0x80, v3, vm0, $0xb8;
	[tilespmem:$0x18200] =	vst v63  }
0x276: {  	s14 =	simm.s32 $0x11200  }
0x277: {  	[tilespmem:s14], [sflag:$0x2] =	stream.indirect_vreg.gather [hbm4b:s5+s3], $0x80, v3, vm0, $0xb8;
	[tilespmem:$0x18200] =	vst v63  }
0x278: {  	s15 =	simm.s32 $0x11A00  }
0x279: {  	[tilespmem:s15], [sflag:$0x2] =	stream.indirect_vreg.gather [hbm4b:s6+s3], $0x80, v3, vm0, $0xb8;
	[tilespmem:$0x18200] =	vst v63  }
0x27a: {  	v3 =	vld [tilespmem:$0x1E0];
	_ =	sdelay $0x4  }
0x27b: {  	v62 =	vshrl.u32 v3, $0x3  }
0x27c: {  	v4 =	vmul.u32 $0x30, v62  }
0x27d: {  	v3 =	vand.u32 $0x7, v3  }
0x27e: {  	v3 =	vor.u32 v3, v4  }
0x27f: {  	v4 =	vperm.xlane v3, v0;
	_ =	sdelay $0x1  }
0x280: {  	v4 =	vadd.s32 v1, v4;
	_ =	sdelay $0x3  }
0x281: {  	s17 =	simm.s32 $0x12200;
	v3 =	vperm.xlane v3, v2  }
0x282: {  	[tilespmem:s17], [sflag:$0x2] =	stream.indirect_vreg.gather [hbm4b:s2+s3], $0x80, v4, vm0, $0xb8;
	[tilespmem:$0x18200] =	vst v63  }
0x283: {  	s18 =	simm.s32 $0x12A00;
	v3 =	vadd.s32 v1, v3  }
0x284: {  	[tilespmem:s18], [sflag:$0x2] =	stream.indirect_vreg.gather [hbm4b:s5+s3], $0x80, v4, vm0, $0xb8;
	[tilespmem:$0x18200] =	vst v63  }
0x285: {  	s19 =	simm.s32 $0x13200  }
0x286: {  	[tilespmem:s19], [sflag:$0x2] =	stream.indirect_vreg.gather [hbm4b:s6+s3], $0x80, v4, vm0, $0xb8;
	[tilespmem:$0x18200] =	vst v63  }
0x287: {  	s20 =	simm.s32 $0x13A00  }
0x288: {  	[tilespmem:s20], [sflag:$0x2] =	stream.indirect_vreg.gather [hbm4b:s2+s3], $0x80, v3, vm0, $0xb8;
	[tilespmem:$0x18200] =	vst v63  }
0x289: {  	s21 =	simm.s32 $0x14200  }
0x28a: {  	[tilespmem:s21], [sflag:$0x2] =	stream.indirect_vreg.gather [hbm4b:s5+s3], $0x80, v3, vm0, $0xb8;
	[tilespmem:$0x18200] =	vst v63  }
0x28b: {  	s22 =	simm.s32 $0x14A00  }
0x28c: {  	[tilespmem:s22], [sflag:$0x2] =	stream.indirect_vreg.gather [hbm4b:s6+s3], $0x80, v3, vm0, $0xb8;
	[tilespmem:$0x18200] =	vst v63  }
0x28d: {  	v3 =	vld [tilespmem:$0x1F0];
	_ =	sdelay $0x4  }
0x28e: {  	v63 =	vshrl.u32 v3, $0x3  }
0x28f: {  	v4 =	vmul.u32 $0x30, v63  }
0x290: {  	v3 =	vand.u32 $0x7, v3  }
0x291: {  	v3 =	vor.u32 v3, v4  }
0x292: {  	v4 =	vperm.xlane v3, v0;
	_ =	sdelay $0x1  }
0x293: {  	v4 =	vadd.s32 v1, v4;
	_ =	sdelay $0x3  }
0x294: {  	s23 =	simm.s32 $0x15200;
	v3 =	vperm.xlane v3, v2  }
0x295: {  	[tilespmem:s23], [sflag:$0x2] =	stream.indirect_vreg.gather [hbm4b:s2+s3], $0x80, v4, vm0, $0xb8;
	[tilespmem:$0x18200] =	vst v63  }
0x296: {  	s24 =	simm.s32 $0x15A00;
	v3 =	vadd.s32 v1, v3  }
0x297: {  	[tilespmem:s24], [sflag:$0x2] =	stream.indirect_vreg.gather [hbm4b:s5+s3], $0x80, v4, vm0, $0xb8;
	[tilespmem:$0x18200] =	vst v63  }
0x298: {  	s25 =	simm.s32 $0x16200  }
0x299: {  	[tilespmem:s25], [sflag:$0x2] =	stream.indirect_vreg.gather [hbm4b:s6+s3], $0x80, v4, vm0, $0xb8;
	[tilespmem:$0x18200] =	vst v63  }
0x29a: {  	s26 =	simm.s32 $0x16A00  }
0x29b: {  	[tilespmem:s26], [sflag:$0x2] =	stream.indirect_vreg.gather [hbm4b:s2+s3], $0x80, v3, vm0, $0xb8;
	[tilespmem:$0x18200] =	vst v63  }
0x29c: {  	s28 =	simm.s32 $0x17200  }
0x29d: {  	[tilespmem:s28], [sflag:$0x2] =	stream.indirect_vreg.gather [hbm4b:s5+s3], $0x80, v3, vm0, $0xb8;
	[tilespmem:$0x18200] =	vst v63  }
0x29e: {  	s29 =	simm.s32 $0x17A00  }
0x29f: {  	[tilespmem:s29], [sflag:$0x2] =	stream.indirect_vreg.gather [hbm4b:s6+s3], $0x80, v3, vm0, $0xb8;
	[tilespmem:$0x18200] =	vst v63  }
0x2a0: {  	_ =	swait.ge [sflag:s10], $0xC000  }
0x2a1: {  	[sflag:s10] =	ssyncset.done $0x0  }
0x2a2: {  	s30 =	rddreg [dreg:$0x9];
	[sflag:s10] =	ssyncadd.s32 $0xFFFF4000  }
0x2a3: {  	[hbm4b:s30+s3] =	stream.linear.scatter [tilespmem:s16], [sflag:$0x3], $0xC000, $0x38;
	[tilespmem:$0x18200] =	vst v63  }
0x2a4: {  	_ =	swait.ge [sflag:s8], $0xC000  }
0x2a5: {  	[sflag:s8] =	ssyncset.done $0x0  }
0x2a6: {  	[sflag:s8] =	ssyncadd.s32 $0xFFFF4000  }
0x2a7: {  	_ =	swait.ge [sflag:s11], $0xC000  }
0x2a8: {  	p0 =	sne.s32 s7, $0x1;
	[sflag:s11] =	ssyncset.done $0x0  }
.Ltmp0:
0x2a9: {  	s31 =	rddreg [dreg:$0xa];
	[sflag:s11] =	ssyncadd.s32 $0xFFFF4000;
	(pc) =	sbr.rel @p0 .LBB2_1-.Ltmp0, $4  }
0x2aa: {  	[hbm4b:s31+s3] =	stream.linear.scatter [tilespmem:s4], [sflag:$0x3], $0xC000, $0x38;
	[tilespmem:$0x18200] =	vst v63  }
0x2ab: {  	_ =	swait.ge [sflag:s8], $0xC000  }
0x2ac: {  	[sflag:s8] =	ssyncset.done $0x0  }
0x2ad: {  	s7 =	sadd.s32 $0xFFFFFFFF, s7;
	[sflag:s8] =	ssyncadd.s32 $0xFFFF4000  }
0x2ae: {  	_ =	sfence.sel $0x180000  }
0x2af: {  	[bflag:$0x0] =	sbarrier.arrive $0xFFFF  }
0x2b0: {  	_ =	strace $0x90000053  }
0x2b1: {  	s0 =	stileid.u32;
	[bflag:$0x2] =	sbarrier.arrive $0xFFFF  }
0x2b2: {  	p0 =	sne.s32 s0, $0x0;
	s0 =	rddreg [dreg:$0x2]  }
0x2b3: {  	s0 =	sadd.s32 @!p0 $0x100000, s0  }
0x2b4: {  	[sflag:s0] =	ssyncadd.tile.s32 @!p0 $0x1;
	_ =	shalt  }
.Lfunc_end2:
_tile_overlayer_lowered:
.L_overlay_start_2:
0x2b5: {  	(tag) =	ssettag $0x2  }
0x2b6: {  	s0 =	rddreg [dreg:$0x0];
	s2 =	stileid.u32  }
0x2b7: {  	s1 =	rddreg [dreg:$0x1];
	p0 =	sne.s32 s2, $0x0  }
0x2b8: {  	s3 =	rddreg [dreg:$0x2];
	[bflag:$0x3] =	sbarrier.arrive $0xFFFF;
	s2 =	simm.s32 @!p0 $0x1C03  }
0x2b9: {  	[timem:s3], [sflag:s2] =	dma.local @!p0 [hbm:s0], s1  }
0x2ba: {  	s0 =	simm.s32 @!p0 $0x3  }
0x2bb: {  	_ =	swait.ge @!p0 [sflag:s0], s1  }
0x2bc: {  	s1 =	ssub.s32 @!p0 $0x0, s1;
	[sflag:s0] =	ssyncset.done @!p0 $0x0  }
0x2bd: {  	[sflag:s0] =	ssyncadd.s32 @!p0 s1  }
0x2be: {  	[bflag:$0x3] =	sbarrier.arrive $0xFFFF  }
0x2bf: {  	_ =	shalt  }

// kernel: kernel.9.cloned.1.call-start
scs
__scs_entry_jumppad:
0x0: {  	(pc) =	sbr.rel $0x88, $3  }
0x1: {  	(tag) =	ssettag $0x0;
	lr =	simm.s32 $0x1  }
0x2: {  	[smem:$0x3F99] =	sst lr;
	_ =	strace $0xD0000000  }
0x3: {  	_ = 	snop  }
0x4: {  	_ = 	snop  }
0x5: {  	_ = 	snop  }
0x6: {  	_ = 	snop  }
0x7: {  	_ = 	snop  }
__scs_overlays_trampoline_lowered:
0x8: {  	[smem:$0x3FA8] =	sst s0  }
0x9: {  	[smem:$0x3FA9] =	sst s1  }
0xa: {  	[smem:$0x3FAA] =	sst s2  }
0xb: {  	[smem:$0x3FAB] =	sst s3  }
0xc: {  	[smem:$0x3FAC] =	sst s4  }
0xd: {  	[smem:$0x3FAD] =	sst s5  }
0xe: {  	[smem:$0x3FAE] =	sst s6  }
0xf: {  	[smem:$0x3FAF] =	sst s7  }
0x10: {  	[smem:$0x3FB0] =	sst s8  }
0x11: {  	[smem:$0x3FB1] =	sst s9;
	s0 =	simm.s32 @!p0 $0x0  }
0x12: {  	s1 =	sld [smem:$0x3F97];
	s0 =	simm.s32 @p0 $0x1  }
0x13: {  	[smem:$0x3FB2] =	sst s0;
	s0 =	simm.s32 @!p1 $0x0  }
0x14: {  	s2 =	sld [smem:$0x3F96];
	s0 =	simm.s32 @p1 $0x1  }
0x15: {  	[smem:$0x3FB3] =	sst s0;
	s0 =	simm.s32 @!p2 $0x0  }
0x16: {  	s3 =	sld [smem:$0x3FDB];
	s0 =	simm.s32 @p2 $0x1  }
0x17: {  	s4 =	simm.s32 $0x1BF5;
	[smem:$0x3FB5] =	sst s0  }
0x18: {  	s0 =	sld [smem:$0x3F98];
	_ =	swait.ge [sflag:s4], $0x0  }
0x19: {  	s7 =	sld [smem:$0x3F99]  }
0x1a: {  	s8 =	sadd.s32 $0xFFFFE003, lr  }
0x1b: {  	s9 =	sadd.s32 $0xFFFFFEF7, lr;
	s5 =	simm.s32 $0xFFFFFFFF;
	p2 =	slt.u32 s8, $0xFFFFF086  }
0x1c: {  	p1 =	slt.u32 s9, $0xF7A;
	s5 =	simm.s32 @!p2 $0x0  }
0x1d: {  	s5 =	simm.s32 @p1 $0x1;
	p0 =	seq.s32 s7, s2  }
0x1e: {  	s7 =	smul.u32 @!p0 $0xF7A, s2;
	p2 =	seq.s32 @!p0 s5, $0x0  }
0x1f: {  	s9 =	smul.u32 $0xF7A, s1;
	s8 =	simm.s32 @!p0 $0x1BF5;
	p2 =	por !p2, p0  }
0x20: {  	[sflag:s8] =	ssyncset.s32 @!p0 $0xFFFFF086;
	s6 =	sadd.s32 @!p0 s3, s7;
	s7 =	simm.s32 @!p0 $0x108  }
0x21: {  	s3 =	sadd.s32 s3, s9;
	s6 =	sadd.s32 @!p0 $0x88, s6;
	s7 =	simm.s32 @p2 $0x1082  }
0x22: {  	[simem:s7], [sflag:s8] =	dma.local @!p0 [hbm:s6], $0xF7A  }
0x23: {  	s9 =	sor.u32 $0xD0000000, s2;
	s6 =	simm.s32 $0x108;
	_ =	swait.ge @!p0 [sflag:s8], $0x0  }
0x24: {  	s3 =	sadd.s32 $0x88, s3;
	s6 =	simm.s32 @!p1 $0x1082;
	[sflag:s4] =	ssyncset.s32 $0xFFFFF086  }
0x25: {  	[simem:s6], [sflag:s4] =	dma.local [hbm:s3], $0xF7A  }
0x26: {  	[smem:$0x3F99] =	sst s1;
	(tag) =	ssettag s2;
	_ =	strace s9  }
0x27: {  	s1 =	sld [smem:$0x3FA9]  }
0x28: {  	s2 =	sld [smem:$0x3FAA]  }
0x29: {  	s4 =	sld [smem:$0x3FAC]  }
0x2a: {  	p0 =	seq.s32 s5, $0x0;
	s5 =	sld [smem:$0x3FAD]  }
0x2b: {  	s6 =	sld [smem:$0x3FAE]  }
0x2c: {  	s7 =	sld [smem:$0x3FAF]  }
0x2d: {  	s3 =	simm.s32 $0x108;
	s8 =	sld [smem:$0x3FB0]  }
0x2e: {  	s3 =	simm.s32 @!p0 $0x1082;
	s9 =	sld [smem:$0x3FB1]  }
0x2f: {  	lr =	sadd.s32 s0, s3;
	s0 =	sld [smem:$0x3FA8]  }
0x30: {  	s3 =	sld [smem:$0x3FAB]  }
0x31: {  	[smem:$0x3FB4] =	sst s10  }
0x32: {  	s10 =	sld [smem:$0x3FB2];
	_ =	sdelay $0x3  }
0x33: {  	p0 =	seq.s32 s10, $0x1;
	s10 =	sld [smem:$0x3FB4];
	_ =	sdelay $0x3  }
0x34: {  	[smem:$0x3FB4] =	sst s10  }
0x35: {  	s10 =	sld [smem:$0x3FB3];
	_ =	sdelay $0x3  }
0x36: {  	p1 =	seq.s32 s10, $0x1;
	s10 =	sld [smem:$0x3FB4];
	_ =	sdelay $0x3  }
0x37: {  	[smem:$0x3FB4] =	sst s10  }
0x38: {  	s10 =	sld [smem:$0x3FB5]  }
0x39: {  	_ = 	snop;
	(pc) =	sbr.ind lr, $3  }
0x3a: {  	_ = 	snop  }
0x3b: {  	_ = 	snop  }
0x3c: {  	p2 =	seq.s32 s10, $0x1;
	s10 =	sld [smem:$0x3FB4]  }
0x3d: {  	_ =	shalt  }
0x3e: {  	_ =	shalt  }
0x3f: {  	_ =	shalt  }
0x40: {  	_ =	shalt  }
0x41: {  	_ =	shalt  }
0x42: {  	_ =	shalt  }
0x43: {  	_ =	shalt  }
0x44: {  	_ =	shalt  }
0x45: {  	_ =	shalt  }
0x46: {  	_ =	shalt  }
0x47: {  	_ =	shalt  }
0x48: {  	_ =	shalt  }
0x49: {  	_ =	shalt  }
0x4a: {  	_ =	shalt  }
0x4b: {  	_ =	shalt  }
0x4c: {  	_ =	shalt  }
0x4d: {  	_ =	shalt  }
0x4e: {  	_ =	shalt  }
0x4f: {  	_ =	shalt  }
0x50: {  	_ =	shalt  }
0x51: {  	_ =	shalt  }
0x52: {  	_ =	shalt  }
0x53: {  	_ =	shalt  }
0x54: {  	_ =	shalt  }
0x55: {  	_ =	shalt  }
0x56: {  	_ =	shalt  }
0x57: {  	_ =	shalt  }
0x58: {  	_ =	shalt  }
0x59: {  	_ =	shalt  }
0x5a: {  	_ =	shalt  }
0x5b: {  	_ =	shalt  }
0x5c: {  	_ =	shalt  }
0x5d: {  	_ =	shalt  }
0x5e: {  	_ =	shalt  }
0x5f: {  	_ =	shalt  }
0x60: {  	_ =	shalt  }
0x61: {  	_ =	shalt  }
0x62: {  	_ =	shalt  }
0x63: {  	_ =	shalt  }
0x64: {  	_ =	shalt  }
0x65: {  	_ =	shalt  }
0x66: {  	_ =	shalt  }
0x67: {  	_ =	shalt  }
0x68: {  	_ =	shalt  }
0x69: {  	_ =	shalt  }
0x6a: {  	_ =	shalt  }
0x6b: {  	_ =	shalt  }
0x6c: {  	_ =	shalt  }
0x6d: {  	_ =	shalt  }
0x6e: {  	_ =	shalt  }
0x6f: {  	_ =	shalt  }
0x70: {  	_ =	shalt  }
0x71: {  	_ =	shalt  }
0x72: {  	_ =	shalt  }
0x73: {  	_ =	shalt  }
0x74: {  	_ =	shalt  }
0x75: {  	_ =	shalt  }
0x76: {  	_ =	shalt  }
0x77: {  	_ =	shalt  }
0x78: {  	_ =	shalt  }
0x79: {  	_ =	shalt  }
0x7a: {  	_ =	shalt  }
0x7b: {  	_ =	shalt  }
0x7c: {  	_ =	shalt  }
0x7d: {  	_ =	shalt  }
0x7e: {  	_ =	shalt  }
0x7f: {  	_ =	shalt  }
0x80: {  	_ =	shalt  }
0x81: {  	_ =	shalt  }
0x82: {  	_ =	shalt  }
0x83: {  	_ =	shalt  }
0x84: {  	_ =	shalt  }
0x85: {  	_ =	shalt  }
0x86: {  	_ =	shalt  }
0x87: {  	_ =	shalt  }
.Lfunc_end0:
.L_simem_size_0:
called_computation.5_lowered:
.L_overlay_start_0:
0x88: {  	s2 =	sld [smem:$0x3FD9]  }
0x89: {  	s3 =	sld [smem:$0x3FFE];
	_ =	sdelay $0x1  }
0x8a: {  	s1 =	srdreg.scid  }
0x8b: {  	s0 =	sand.u32 $0x1, s1  }
0x8c: {  	s16 =	sshll.u32 s0, $0xA;
	s2 =	sadd.s32 s3, s2  }
0x8d: {  	s2 =	sadd.s32 s2, s16  }
0x8e: {  	[smem:$0x3FC0] =	sst s2  }
0x8f: {  	_ = 	snop  }
0x90: {  	(tm) =	ssettm $0x1  }
0x91: {  	s17 =	sld [smem:$0x3FFB];
	_ =	sdelay $0x3  }
0x92: {  	_ =	strace s17  }
0x93: {  	s2 =	sld [smem:$0x3FFC];
	_ =	sdelay $0x3  }
0x94: {  	_ =	strace s2  }
0x95: {  	s2 =	sld [smem:$0x3FFD];
	_ =	sdelay $0x3  }
0x96: {  	_ =	strace s2  }
0x97: {  	_ =	strace $0x8FFFFFFF  }
0x98: {  	s18 =	sld [smem:$0x3FDB];
	_ =	sdelay $0x1  }
0x99: {  	s19 =	simm.s32 $_scs_section_size  }
0x9a: {  	s4 =	simm.s32 $_size__tile_overlayer_lowered;
	s5 =	simm.s32 $_tile_overlayer_lowered  }
0x9b: {  	s22 =	simm.s32 $0x1BFF;
	s21 =	sshll.u32 s5, $0x1;
	s2 =	sadd.s32 s19, s18  }
0x9c: {  	s6 =	simm.s32 $0x0;
	s20 =	sshll.u32 s4, $0x1;
	s4 =	sadd.s32 s21, s2  }
0x9d: {  	[timem:s6], [sflag:s22] =	dma.local [hbm:s4], s20  }
0x9e: {  	_ =	swait.ge [sflag:s22], s20  }
0x9f: {  	s3 =	ssub.s32 $0x0, s20;
	[sflag:s22] =	ssyncset.done $0x0  }
0xa0: {  	[sflag:s22] =	ssyncadd.s32 s3;
	_ =	sdelay $0x1  }
0xa1: {  	s23 =	simm.s32 $0x1B8B  }
0xa2: {  	_ =	swait.ge [sflag:s23], $0x1  }
0xa3: {  	[sflag:s23] =	ssyncset.done $0x0  }
0xa4: {  	s25 =	simm.s32 $0x1B8E;
	s24 =	sld [smem:$0x3FFE];
	[sflag:s23] =	ssyncadd.s32 $0xFFFFFFFF  }
0xa5: {  	s26 =	simm.s32 $execute0_lowered;
	[smem:$0x3FD2] =	sst s25  }
0xa6: {  	s4 =	sshll.u32 s26, $0x1;
	_ =	strace $0x80000055;
	[dreg:$0x1] =	wrdreg $0xFFFFFFFF  }
0xa7: {  	s28 =	simm.s32 $_size_execute0_lowered;
	s2 =	sadd.s32 s2, s4;
	[dreg:$0x0] =	wrdreg $0x0  }
0xa8: {  	s4 =	sshll.u32 s28, $0x1;
	[dreg:$0x2] =	wrdreg s2  }
0xa9: {  	[dreg:$0x3] =	wrdreg s4  }
0xaa: {  	[dreg:$0x4] =	wrdreg $0xC0  }
0xab: {  	_ =	task [dreg:s6], $0x5FFFF  }
0xac: {  	[dreg:$0x1] =	wrdreg $0xFFFFFFFF  }
0xad: {  	[dreg:$0x0] =	wrdreg $0x60  }
0xae: {  	[dreg:$0x2] =	wrdreg s24  }
0xaf: {  	[dreg:$0x3] =	wrdreg $0x9  }
0xb0: {  	_ =	task.clear_ibuf [dreg:s6], $0x4FFFF;
	_ =	strace $0x90000055  }
0xb1: {  	s29 =	simm.s32 $0x9;
	_ =	strace $0x80000057  }
0xb2: {  	_ =	swait.ge [sflag:s29], $0x1  }
0xb3: {  	[sflag:s29] =	ssyncadd.s32 $0xFFFFFFFF  }
0xb4: {  	_ =	strace $0x90000057  }
0xb5: {  	_ =	sfence  }
0xb6: {  	s30 =	sld [smem:$0x0];
	_ =	sdelay $0x2  }
0xb7: {  	s31 =	sshll.u32 s1, $0xD;
	s1 =	sshrl.u32 s1, $0x2  }
0xb8: {  	s3 =	sand.u32 $0x4000, s31;
	s1 =	sadd.s32 s1, s30  }
0xb9: {  	s0 =	sor.u32 s3, s0;
	s1 =	sshll.u32 s1, $0x11  }
0xba: {  	s0 =	sor.u32 s1, s0  }
0xbb: {  	s0 =	sadd.s32 $0x8F2B, s0  }
0xbc: {  	[sflag:s0] =	ssyncadd.remote.s32 $0x1  }
0xbd: {  	_ =	sfence.sel $0xFFFF  }
0xbe: {  	[dreg:$0x0] =	wrdreg $0xFFFFFFFF;
	(pc) =	sbr.abs _section_cstart, $3  }
0xbf: {  	[dreg:$0x1] =	wrdreg $0xFFFFFFFF  }
0xc0: {  	_ =	task.clear_ibuf [dreg:s6], $0x2FFFF;
	_ =	strace $0x9FFFFFFF  }
0xc1: {  	(tm) =	ssettm $0x7FFFFFFF  }
tec
execute0_lowered:
.L_overlay_start_1:
0x0: {  	(tag) =	ssettag $0x1  }
0x1: {  	s0 =	rddreg [dreg:$0x0]  }
0x2: {  	s1 =	srdreg.scid;
	s3 =	stileid.u32;
	s2 =	simm.s32 $0x0  }
0x3: {  	s13 =	simm.s32 $0x900;
	s14 =	simm.s32 $0x1100;
	s15 =	simm.s32 $0x1900  }
0x4: {  	s16 =	simm.s32 $0x2100;
	s17 =	simm.s32 $0x2900;
	s18 =	simm.s32 $0x3100  }
0x5: {  	s19 =	simm.s32 $0x3900;
	s20 =	simm.s32 $0x4100;
	s21 =	simm.s32 $0x4900  }
0x6: {  	s22 =	simm.s32 $0x5100;
	s28 =	simm.s32 $0x7900;
	s29 =	simm.s32 $0x8100  }
0x7: {  	s30 =	simm.s32 $0x8900;
	s31 =	simm.s32 $0x9100;
	s10 =	simm.s32 $0xB900  }
0x8: {  	s11 =	simm.s32 $0xC100;
	s1 =	sand.u32 $0x1, s1;
	s3 =	sshll.u32 s3, $0x6  }
0x9: {  	[smem:$0x7FF] =	sst s2;
	s7 =	sadd.s32 $0x9E00, s0;
	s4 =	sshll.u32 s1, $0x5  }
0xa: {  	_ =	strace $0x80000056;
	s1 =	ssub.s32 $0x2, s1;
	s4 =	sor.u32 s4, s3  }
0xb: {  	s3 =	sadd.s32 $0x1D1200, s0;
	s8 =	sshrl.u32 s1, $0x1;
	s5 =	smul.u32 $0x300, s4  }
0xc: {  	s6 =	smul.u32 $0x1800, s4;
	s4 =	sadd.s32 s4, s0;
	s1 =	ssub.s32 s1, s8  }
0xd: {  	s8 =	simm.s32 $0x3;
	s4 =	sadd.s32 $0x9A00, s4;
	s9 =	sadd.s32 s7, s5  }
0xe: {  	s23 =	sshrl.u32 s6, $0x3;
	[dreg:$0x2] =	wrdreg s4;
	s5 =	sadd.s32 $0x1D1300, s0  }
0xf: {  	s4 =	smax.u32 s1, $0x1;
	[dreg:$0x6] =	wrdreg s9;
	s24 =	sadd.s32 $0x1800, s9  }
0x10: {  	s6 =	sadd.s32 s7, s23;
	s23 =	simm.s32 $0x5900;
	s9 =	simm.s32 $0xA900  }
0x11: {  	v2 =	vlaneseq.u32;
	[dreg:$0x3] =	wrdreg s24;
	s25 =	sadd.s32 $0x3000, s6;
	s26 =	sadd.s32 $0x4800, s6  }
0x12: {  	vm0 =	vmmov $0xffff;
	v1 =	vshrl.u32 v2, $0x3;
	s6 =	sadd.s32 $0x1D1400, s0;
	s24 =	simm.s32 $0x6100;
	[dreg:$0x4] =	wrdreg s25  }
0x13: {  	v0 =	vand.u32 $0x7, v2;
	v2 =	vor.u32 $0x8, v2;
	v1 =	vmul.u32 $0x8, v1;
	[dreg:$0x5] =	wrdreg s26;
	s25 =	simm.s32 $0x6900;
	s26 =	simm.s32 $0x7100  }
.LBB2_1:
0x14: {  	s12 =	rddreg [dreg:$0x2]  }
0x15: {  	[tilespmem:s2], [sflag:$0x3] =	stream.linear.gather [hbm4b:s12+s2], $0x100, $0x38;
	[tilespmem:$0x18100] =	vst v63  }
0x16: {  	_ =	swait.ge [sflag:s8], $0x100  }
0x17: {  	[sflag:s8] =	ssyncset.done $0x0  }
0x18: {  	[sflag:s8] =	ssyncadd.s32 $0xFFFFFF00  }
0x19: {  	v3 =	vld [tilespmem:$0x0];
	_ =	sdelay $0x4  }
0x1a: {  	v4 =	vshrl.u32 v3, $0x3  }
0x1b: {  	v4 =	vmul.u32 $0x30, v4  }
0x1c: {  	v3 =	vand.u32 $0x7, v3  }
0x1d: {  	v3 =	vor.u32 v3, v4  }
0x1e: {  	v4 =	vperm.xlane v3, v0;
	_ =	sdelay $0x1  }
0x1f: {  	v4 =	vadd.s32 v1, v4;
	_ =	sdelay $0x3  }
0x20: {  	s0 =	simm.s32 $0x100;
	v3 =	vperm.xlane v3, v2  }
0x21: {  	[tilespmem:s0], [sflag:$0x1] =	stream.indirect_vreg.gather [hbm4b:s3+s2], $0x80, v4, vm0, $0xb8;
	[tilespmem:$0x18100] =	vst v63  }
0x22: {  	v3 =	vadd.s32 v1, v3  }
0x23: {  	[tilespmem:s13], [sflag:$0x1] =	stream.indirect_vreg.gather [hbm4b:s5+s2], $0x80, v4, vm0, $0xb8;
	[tilespmem:$0x18100] =	vst v63  }
0x24: {  	_ = 	snop  }
0x25: {  	[tilespmem:s14], [sflag:$0x1] =	stream.indirect_vreg.gather [hbm4b:s6+s2], $0x80, v4, vm0, $0xb8;
	[tilespmem:$0x18100] =	vst v63  }
0x26: {  	_ = 	snop  }
0x27: {  	[tilespmem:s15], [sflag:$0x1] =	stream.indirect_vreg.gather [hbm4b:s3+s2], $0x80, v3, vm0, $0xb8;
	[tilespmem:$0x18100] =	vst v63  }
0x28: {  	_ = 	snop  }
0x29: {  	[tilespmem:s16], [sflag:$0x1] =	stream.indirect_vreg.gather [hbm4b:s5+s2], $0x80, v3, vm0, $0xb8;
	[tilespmem:$0x18100] =	vst v63  }
0x2a: {  	_ = 	snop  }
0x2b: {  	[tilespmem:s17], [sflag:$0x1] =	stream.indirect_vreg.gather [hbm4b:s6+s2], $0x80, v3, vm0, $0xb8;
	[tilespmem:$0x18100] =	vst v63  }
0x2c: {  	v3 =	vld [tilespmem:$0x10];
	_ =	sdelay $0x4  }
0x2d: {  	v49 =	vshrl.u32 v3, $0x3  }
0x2e: {  	v4 =	vmul.u32 $0x30, v49  }
0x2f: {  	v3 =	vand.u32 $0x7, v3  }
0x30: {  	v3 =	vor.u32 v3, v4  }
0x31: {  	v4 =	vperm.xlane v3, v0;
	_ =	sdelay $0x1  }
0x32: {  	v4 =	vadd.s32 v1, v4;
	_ =	sdelay $0x3  }
0x33: {  	v3 =	vperm.xlane v3, v2  }
0x34: {  	[tilespmem:s18], [sflag:$0x1] =	stream.indirect_vreg.gather [hbm4b:s3+s2], $0x80, v4, vm0, $0xb8;
	[tilespmem:$0x18100] =	vst v63  }
0x35: {  	v3 =	vadd.s32 v1, v3  }
0x36: {  	[tilespmem:s19], [sflag:$0x1] =	stream.indirect_vreg.gather [hbm4b:s5+s2], $0x80, v4, vm0, $0xb8;
	[tilespmem:$0x18100] =	vst v63  }
0x37: {  	_ = 	snop  }
0x38: {  	[tilespmem:s20], [sflag:$0x1] =	stream.indirect_vreg.gather [hbm4b:s6+s2], $0x80, v4, vm0, $0xb8;
	[tilespmem:$0x18100] =	vst v63  }
0x39: {  	_ = 	snop  }
0x3a: {  	[tilespmem:s21], [sflag:$0x1] =	stream.indirect_vreg.gather [hbm4b:s3+s2], $0x80, v3, vm0, $0xb8;
	[tilespmem:$0x18100] =	vst v63  }
0x3b: {  	_ = 	snop  }
0x3c: {  	[tilespmem:s22], [sflag:$0x1] =	stream.indirect_vreg.gather [hbm4b:s5+s2], $0x80, v3, vm0, $0xb8;
	[tilespmem:$0x18100] =	vst v63  }
0x3d: {  	_ = 	snop  }
0x3e: {  	[tilespmem:s23], [sflag:$0x1] =	stream.indirect_vreg.gather [hbm4b:s6+s2], $0x80, v3, vm0, $0xb8;
	[tilespmem:$0x18100] =	vst v63  }
0x3f: {  	v3 =	vld [tilespmem:$0x20];
	_ =	sdelay $0x4  }
0x40: {  	v50 =	vshrl.u32 v3, $0x3  }
0x41: {  	v4 =	vmul.u32 $0x30, v50  }
0x42: {  	v3 =	vand.u32 $0x7, v3  }
0x43: {  	v3 =	vor.u32 v3, v4  }
0x44: {  	v4 =	vperm.xlane v3, v0;
	_ =	sdelay $0x1  }
0x45: {  	v4 =	vadd.s32 v1, v4;
	_ =	sdelay $0x3  }
0x46: {  	v3 =	vperm.xlane v3, v2  }
0x47: {  	[tilespmem:s24], [sflag:$0x1] =	stream.indirect_vreg.gather [hbm4b:s3+s2], $0x80, v4, vm0, $0xb8;
	[tilespmem:$0x18100] =	vst v63  }
0x48: {  	v3 =	vadd.s32 v1, v3  }
0x49: {  	[tilespmem:s25], [sflag:$0x1] =	stream.indirect_vreg.gather [hbm4b:s5+s2], $0x80, v4, vm0, $0xb8;
	[tilespmem:$0x18100] =	vst v63  }
0x4a: {  	_ = 	snop  }
0x4b: {  	[tilespmem:s26], [sflag:$0x1] =	stream.indirect_vreg.gather [hbm4b:s6+s2], $0x80, v4, vm0, $0xb8;
	[tilespmem:$0x18100] =	vst v63  }
0x4c: {  	_ = 	snop  }
0x4d: {  	[tilespmem:s28], [sflag:$0x1] =	stream.indirect_vreg.gather [hbm4b:s3+s2], $0x80, v3, vm0, $0xb8;
	[tilespmem:$0x18100] =	vst v63  }
0x4e: {  	_ = 	snop  }
0x4f: {  	[tilespmem:s29], [sflag:$0x1] =	stream.indirect_vreg.gather [hbm4b:s5+s2], $0x80, v3, vm0, $0xb8;
	[tilespmem:$0x18100] =	vst v63  }
0x50: {  	_ = 	snop  }
0x51: {  	[tilespmem:s30], [sflag:$0x1] =	stream.indirect_vreg.gather [hbm4b:s6+s2], $0x80, v3, vm0, $0xb8;
	[tilespmem:$0x18100] =	vst v63  }
0x52: {  	v3 =	vld [tilespmem:$0x30];
	_ =	sdelay $0x4  }
0x53: {  	v51 =	vshrl.u32 v3, $0x3  }
0x54: {  	v4 =	vmul.u32 $0x30, v51  }
0x55: {  	v3 =	vand.u32 $0x7, v3  }
0x56: {  	v3 =	vor.u32 v3, v4  }
0x57: {  	v4 =	vperm.xlane v3, v0;
	_ =	sdelay $0x1  }
0x58: {  	v4 =	vadd.s32 v1, v4;
	_ =	sdelay $0x3  }
0x59: {  	v3 =	vperm.xlane v3, v2  }
0x5a: {  	[tilespmem:s31], [sflag:$0x1] =	stream.indirect_vreg.gather [hbm4b:s3+s2], $0x80, v4, vm0, $0xb8;
	[tilespmem:$0x18100] =	vst v63  }
0x5b: {  	s7 =	simm.s32 $0x9900;
	v3 =	vadd.s32 v1, v3  }
0x5c: {  	[tilespmem:s7], [sflag:$0x1] =	stream.indirect_vreg.gather [hbm4b:s5+s2], $0x80, v4, vm0, $0xb8;
	[tilespmem:$0x18100] =	vst v63  }
0x5d: {  	s1 =	simm.s32 $0xA100  }
0x5e: {  	[tilespmem:s1], [sflag:$0x1] =	stream.indirect_vreg.gather [hbm4b:s6+s2], $0x80, v4, vm0, $0xb8;
	[tilespmem:$0x18100] =	vst v63  }
0x5f: {  	_ = 	snop  }
0x60: {  	[tilespmem:s9], [sflag:$0x1] =	stream.indirect_vreg.gather [hbm4b:s3+s2], $0x80, v3, vm0, $0xb8;
	[tilespmem:$0x18100] =	vst v63  }
0x61: {  	s12 =	simm.s32 $0xB100  }
0x62: {  	[tilespmem:s12], [sflag:$0x1] =	stream.indirect_vreg.gather [hbm4b:s5+s2], $0x80, v3, vm0, $0xb8;
	[tilespmem:$0x18100] =	vst v63  }
0x63: {  	_ = 	snop  }
0x64: {  	[tilespmem:s10], [sflag:$0x1] =	stream.indirect_vreg.gather [hbm4b:s6+s2], $0x80, v3, vm0, $0xb8;
	[tilespmem:$0x18100] =	vst v63  }
0x65: {  	v3 =	vld [tilespmem:$0x40];
	_ =	sdelay $0x4  }
0x66: {  	v52 =	vshrl.u32 v3, $0x3  }
0x67: {  	v4 =	vmul.u32 $0x30, v52  }
0x68: {  	v3 =	vand.u32 $0x7, v3  }
0x69: {  	v3 =	vor.u32 v3, v4  }
0x6a: {  	v4 =	vperm.xlane v3, v0;
	_ =	sdelay $0x1  }
0x6b: {  	v4 =	vadd.s32 v1, v4;
	_ =	sdelay $0x3  }
0x6c: {  	v3 =	vperm.xlane v3, v2  }
0x6d: {  	[tilespmem:s11], [sflag:$0x2] =	stream.indirect_vreg.gather [hbm4b:s3+s2], $0x80, v4, vm0, $0xb8;
	[tilespmem:$0x18100] =	vst v63  }
0x6e: {  	s7 =	simm.s32 $0xC900;
	v3 =	vadd.s32 v1, v3  }
0x6f: {  	[tilespmem:s7], [sflag:$0x2] =	stream.indirect_vreg.gather [hbm4b:s5+s2], $0x80, v4, vm0, $0xb8;
	[tilespmem:$0x18100] =	vst v63  }
0x70: {  	s12 =	simm.s32 $0xD100  }
0x71: {  	[tilespmem:s12], [sflag:$0x2] =	stream.indirect_vreg.gather [hbm4b:s6+s2], $0x80, v4, vm0, $0xb8;
	[tilespmem:$0x18100] =	vst v63  }
0x72: {  	s7 =	simm.s32 $0xD900  }
0x73: {  	[tilespmem:s7], [sflag:$0x2] =	stream.indirect_vreg.gather [hbm4b:s3+s2], $0x80, v3, vm0, $0xb8;
	[tilespmem:$0x18100] =	vst v63  }
0x74: {  	s12 =	simm.s32 $0xE100  }
0x75: {  	[tilespmem:s12], [sflag:$0x2] =	stream.indirect_vreg.gather [hbm4b:s5+s2], $0x80, v3, vm0, $0xb8;
	[tilespmem:$0x18100] =	vst v63  }
0x76: {  	s7 =	simm.s32 $0xE900  }
0x77: {  	[tilespmem:s7], [sflag:$0x2] =	stream.indirect_vreg.gather [hbm4b:s6+s2], $0x80, v3, vm0, $0xb8;
	[tilespmem:$0x18100] =	vst v63  }
0x78: {  	v3 =	vld [tilespmem:$0x50];
	_ =	sdelay $0x4  }
0x79: {  	v53 =	vshrl.u32 v3, $0x3  }
0x7a: {  	v4 =	vmul.u32 $0x30, v53  }
0x7b: {  	v3 =	vand.u32 $0x7, v3  }
0x7c: {  	v3 =	vor.u32 v3, v4  }
0x7d: {  	v4 =	vperm.xlane v3, v0;
	_ =	sdelay $0x1  }
0x7e: {  	v4 =	vadd.s32 v1, v4;
	_ =	sdelay $0x3  }
0x7f: {  	s12 =	simm.s32 $0xF100;
	v3 =	vperm.xlane v3, v2  }
0x80: {  	[tilespmem:s12], [sflag:$0x2] =	stream.indirect_vreg.gather [hbm4b:s3+s2], $0x80, v4, vm0, $0xb8;
	[tilespmem:$0x18100] =	vst v63  }
0x81: {  	s7 =	simm.s32 $0xF900;
	v3 =	vadd.s32 v1, v3  }
0x82: {  	[tilespmem:s7], [sflag:$0x2] =	stream.indirect_vreg.gather [hbm4b:s5+s2], $0x80, v4, vm0, $0xb8;
	[tilespmem:$0x18100] =	vst v63  }
0x83: {  	s12 =	simm.s32 $0x10100  }
0x84: {  	[tilespmem:s12], [sflag:$0x2] =	stream.indirect_vreg.gather [hbm4b:s6+s2], $0x80, v4, vm0, $0xb8;
	[tilespmem:$0x18100] =	vst v63  }
0x85: {  	s7 =	simm.s32 $0x10900  }
0x86: {  	[tilespmem:s7], [sflag:$0x2] =	stream.indirect_vreg.gather [hbm4b:s3+s2], $0x80, v3, vm0, $0xb8;
	[tilespmem:$0x18100] =	vst v63  }
0x87: {  	s12 =	simm.s32 $0x11100  }
0x88: {  	[tilespmem:s12], [sflag:$0x2] =	stream.indirect_vreg.gather [hbm4b:s5+s2], $0x80, v3, vm0, $0xb8;
	[tilespmem:$0x18100] =	vst v63  }
0x89: {  	s7 =	simm.s32 $0x11900  }
0x8a: {  	[tilespmem:s7], [sflag:$0x2] =	stream.indirect_vreg.gather [hbm4b:s6+s2], $0x80, v3, vm0, $0xb8;
	[tilespmem:$0x18100] =	vst v63  }
0x8b: {  	v3 =	vld [tilespmem:$0x60];
	_ =	sdelay $0x4  }
0x8c: {  	v54 =	vshrl.u32 v3, $0x3  }
0x8d: {  	v4 =	vmul.u32 $0x30, v54  }
0x8e: {  	v3 =	vand.u32 $0x7, v3  }
0x8f: {  	v3 =	vor.u32 v3, v4  }
0x90: {  	v4 =	vperm.xlane v3, v0;
	_ =	sdelay $0x1  }
0x91: {  	v4 =	vadd.s32 v1, v4;
	_ =	sdelay $0x3  }
0x92: {  	s12 =	simm.s32 $0x12100;
	v3 =	vperm.xlane v3, v2  }
0x93: {  	[tilespmem:s12], [sflag:$0x2] =	stream.indirect_vreg.gather [hbm4b:s3+s2], $0x80, v4, vm0, $0xb8;
	[tilespmem:$0x18100] =	vst v63  }
0x94: {  	s7 =	simm.s32 $0x12900;
	v3 =	vadd.s32 v1, v3  }
0x95: {  	[tilespmem:s7], [sflag:$0x2] =	stream.indirect_vreg.gather [hbm4b:s5+s2], $0x80, v4, vm0, $0xb8;
	[tilespmem:$0x18100] =	vst v63  }
0x96: {  	s12 =	simm.s32 $0x13100  }
0x97: {  	[tilespmem:s12], [sflag:$0x2] =	stream.indirect_vreg.gather [hbm4b:s6+s2], $0x80, v4, vm0, $0xb8;
	[tilespmem:$0x18100] =	vst v63  }
0x98: {  	s7 =	simm.s32 $0x13900  }
0x99: {  	[tilespmem:s7], [sflag:$0x2] =	stream.indirect_vreg.gather [hbm4b:s3+s2], $0x80, v3, vm0, $0xb8;
	[tilespmem:$0x18100] =	vst v63  }
0x9a: {  	s12 =	simm.s32 $0x14100  }
0x9b: {  	[tilespmem:s12], [sflag:$0x2] =	stream.indirect_vreg.gather [hbm4b:s5+s2], $0x80, v3, vm0, $0xb8;
	[tilespmem:$0x18100] =	vst v63  }
0x9c: {  	s7 =	simm.s32 $0x14900  }
0x9d: {  	[tilespmem:s7], [sflag:$0x2] =	stream.indirect_vreg.gather [hbm4b:s6+s2], $0x80, v3, vm0, $0xb8;
	[tilespmem:$0x18100] =	vst v63  }
0x9e: {  	v3 =	vld [tilespmem:$0x70];
	_ =	sdelay $0x4  }
0x9f: {  	v55 =	vshrl.u32 v3, $0x3  }
0xa0: {  	v4 =	vmul.u32 $0x30, v55  }
0xa1: {  	v3 =	vand.u32 $0x7, v3  }
0xa2: {  	v3 =	vor.u32 v3, v4  }
0xa3: {  	v4 =	vperm.xlane v3, v0;
	_ =	sdelay $0x1  }
0xa4: {  	v4 =	vadd.s32 v1, v4;
	_ =	sdelay $0x3  }
0xa5: {  	s12 =	simm.s32 $0x15100;
	v3 =	vperm.xlane v3, v2  }
0xa6: {  	[tilespmem:s12], [sflag:$0x2] =	stream.indirect_vreg.gather [hbm4b:s3+s2], $0x80, v4, vm0, $0xb8;
	[tilespmem:$0x18100] =	vst v63  }
0xa7: {  	s7 =	simm.s32 $0x15900;
	v3 =	vadd.s32 v1, v3  }
0xa8: {  	[tilespmem:s7], [sflag:$0x2] =	stream.indirect_vreg.gather [hbm4b:s5+s2], $0x80, v4, vm0, $0xb8;
	[tilespmem:$0x18100] =	vst v63  }
0xa9: {  	s12 =	simm.s32 $0x16100  }
0xaa: {  	[tilespmem:s12], [sflag:$0x2] =	stream.indirect_vreg.gather [hbm4b:s6+s2], $0x80, v4, vm0, $0xb8;
	[tilespmem:$0x18100] =	vst v63  }
0xab: {  	s7 =	simm.s32 $0x16900  }
0xac: {  	[tilespmem:s7], [sflag:$0x2] =	stream.indirect_vreg.gather [hbm4b:s3+s2], $0x80, v3, vm0, $0xb8;
	[tilespmem:$0x18100] =	vst v63  }
0xad: {  	s12 =	simm.s32 $0x17100  }
0xae: {  	[tilespmem:s12], [sflag:$0x2] =	stream.indirect_vreg.gather [hbm4b:s5+s2], $0x80, v3, vm0, $0xb8;
	[tilespmem:$0x18100] =	vst v63  }
0xaf: {  	s0 =	simm.s32 $0x1;
	s7 =	simm.s32 $0x17900  }
0xb0: {  	[tilespmem:s7], [sflag:$0x2] =	stream.indirect_vreg.gather [hbm4b:s6+s2], $0x80, v3, vm0, $0xb8;
	[tilespmem:$0x18100] =	vst v63  }
0xb1: {  	_ =	swait.ge [sflag:s0], $0xC000  }
0xb2: {  	[sflag:s0] =	ssyncset.done $0x0  }
0xb3: {  	s7 =	simm.s32 $0x100;
	s12 =	rddreg [dreg:$0x6];
	[sflag:s0] =	ssyncadd.s32 $0xFFFF4000  }
0xb4: {  	[hbm4b:s12+s2] =	stream.linear.scatter [tilespmem:s7], [sflag:$0x3], $0xC000, $0x38;
	[tilespmem:$0x18100] =	vst v63  }
0xb5: {  	_ =	swait.ge [sflag:s8], $0xC000  }
0xb6: {  	[sflag:s8] =	ssyncset.done $0x0  }
0xb7: {  	[sflag:s8] =	ssyncadd.s32 $0xFFFF4000  }
0xb8: {  	v3 =	vld [tilespmem:$0x80];
	_ =	sdelay $0x4  }
0xb9: {  	v56 =	vshrl.u32 v3, $0x3  }
0xba: {  	v4 =	vmul.u32 $0x30, v56  }
0xbb: {  	v3 =	vand.u32 $0x7, v3  }
0xbc: {  	v3 =	vor.u32 v3, v4  }
0xbd: {  	v4 =	vperm.xlane v3, v0;
	_ =	sdelay $0x1  }
0xbe: {  	v4 =	vadd.s32 v1, v4;
	_ =	sdelay $0x3  }
0xbf: {  	v3 =	vperm.xlane v3, v2  }
0xc0: {  	[tilespmem:s7], [sflag:$0x1] =	stream.indirect_vreg.gather [hbm4b:s3+s2], $0x80, v4, vm0, $0xb8;
	[tilespmem:$0x18100] =	vst v63  }
0xc1: {  	v3 =	vadd.s32 v1, v3  }
0xc2: {  	[tilespmem:s13], [sflag:$0x1] =	stream.indirect_vreg.gather [hbm4b:s5+s2], $0x80, v4, vm0, $0xb8;
	[tilespmem:$0x18100] =	vst v63  }
0xc3: {  	_ = 	snop  }
0xc4: {  	[tilespmem:s14], [sflag:$0x1] =	stream.indirect_vreg.gather [hbm4b:s6+s2], $0x80, v4, vm0, $0xb8;
	[tilespmem:$0x18100] =	vst v63  }
0xc5: {  	_ = 	snop  }
0xc6: {  	[tilespmem:s15], [sflag:$0x1] =	stream.indirect_vreg.gather [hbm4b:s3+s2], $0x80, v3, vm0, $0xb8;
	[tilespmem:$0x18100] =	vst v63  }
0xc7: {  	_ = 	snop  }
0xc8: {  	[tilespmem:s16], [sflag:$0x1] =	stream.indirect_vreg.gather [hbm4b:s5+s2], $0x80, v3, vm0, $0xb8;
	[tilespmem:$0x18100] =	vst v63  }
0xc9: {  	_ = 	snop  }
0xca: {  	[tilespmem:s17], [sflag:$0x1] =	stream.indirect_vreg.gather [hbm4b:s6+s2], $0x80, v3, vm0, $0xb8;
	[tilespmem:$0x18100] =	vst v63  }
0xcb: {  	v3 =	vld [tilespmem:$0x90];
	_ =	sdelay $0x4  }
0xcc: {  	v57 =	vshrl.u32 v3, $0x3  }
0xcd: {  	v4 =	vmul.u32 $0x30, v57  }
0xce: {  	v3 =	vand.u32 $0x7, v3  }
0xcf: {  	v3 =	vor.u32 v3, v4  }
0xd0: {  	v4 =	vperm.xlane v3, v0;
	_ =	sdelay $0x1  }
0xd1: {  	v4 =	vadd.s32 v1, v4;
	_ =	sdelay $0x3  }
0xd2: {  	v3 =	vperm.xlane v3, v2  }
0xd3: {  	[tilespmem:s18], [sflag:$0x1] =	stream.indirect_vreg.gather [hbm4b:s3+s2], $0x80, v4, vm0, $0xb8;
	[tilespmem:$0x18100] =	vst v63  }
0xd4: {  	v3 =	vadd.s32 v1, v3  }
0xd5: {  	[tilespmem:s19], [sflag:$0x1] =	stream.indirect_vreg.gather [hbm4b:s5+s2], $0x80, v4, vm0, $0xb8;
	[tilespmem:$0x18100] =	vst v63  }
0xd6: {  	_ = 	snop  }
0xd7: {  	[tilespmem:s20], [sflag:$0x1] =	stream.indirect_vreg.gather [hbm4b:s6+s2], $0x80, v4, vm0, $0xb8;
	[tilespmem:$0x18100] =	vst v63  }
0xd8: {  	_ = 	snop  }
0xd9: {  	[tilespmem:s21], [sflag:$0x1] =	stream.indirect_vreg.gather [hbm4b:s3+s2], $0x80, v3, vm0, $0xb8;
	[tilespmem:$0x18100] =	vst v63  }
0xda: {  	_ = 	snop  }
0xdb: {  	[tilespmem:s22], [sflag:$0x1] =	stream.indirect_vreg.gather [hbm4b:s5+s2], $0x80, v3, vm0, $0xb8;
	[tilespmem:$0x18100] =	vst v63  }
0xdc: {  	_ = 	snop  }
0xdd: {  	[tilespmem:s23], [sflag:$0x1] =	stream.indirect_vreg.gather [hbm4b:s6+s2], $0x80, v3, vm0, $0xb8;
	[tilespmem:$0x18100] =	vst v63  }
0xde: {  	v3 =	vld [tilespmem:$0xA0];
	_ =	sdelay $0x4  }
0xdf: {  	v58 =	vshrl.u32 v3, $0x3  }
0xe0: {  	v4 =	vmul.u32 $0x30, v58  }
0xe1: {  	v3 =	vand.u32 $0x7, v3  }
0xe2: {  	v3 =	vor.u32 v3, v4  }
0xe3: {  	v4 =	vperm.xlane v3, v0;
	_ =	sdelay $0x1  }
0xe4: {  	v4 =	vadd.s32 v1, v4;
	_ =	sdelay $0x3  }
0xe5: {  	v3 =	vperm.xlane v3, v2  }
0xe6: {  	[tilespmem:s24], [sflag:$0x1] =	stream.indirect_vreg.gather [hbm4b:s3+s2], $0x80, v4, vm0, $0xb8;
	[tilespmem:$0x18100] =	vst v63  }
0xe7: {  	v3 =	vadd.s32 v1, v3  }
0xe8: {  	[tilespmem:s25], [sflag:$0x1] =	stream.indirect_vreg.gather [hbm4b:s5+s2], $0x80, v4, vm0, $0xb8;
	[tilespmem:$0x18100] =	vst v63  }
0xe9: {  	_ = 	snop  }
0xea: {  	[tilespmem:s26], [sflag:$0x1] =	stream.indirect_vreg.gather [hbm4b:s6+s2], $0x80, v4, vm0, $0xb8;
	[tilespmem:$0x18100] =	vst v63  }
0xeb: {  	_ = 	snop  }
0xec: {  	[tilespmem:s28], [sflag:$0x1] =	stream.indirect_vreg.gather [hbm4b:s3+s2], $0x80, v3, vm0, $0xb8;
	[tilespmem:$0x18100] =	vst v63  }
0xed: {  	_ = 	snop  }
0xee: {  	[tilespmem:s29], [sflag:$0x1] =	stream.indirect_vreg.gather [hbm4b:s5+s2], $0x80, v3, vm0, $0xb8;
	[tilespmem:$0x18100] =	vst v63  }
0xef: {  	_ = 	snop  }
0xf0: {  	[tilespmem:s30], [sflag:$0x1] =	stream.indirect_vreg.gather [hbm4b:s6+s2], $0x80, v3, vm0, $0xb8;
	[tilespmem:$0x18100] =	vst v63  }
0xf1: {  	v3 =	vld [tilespmem:$0xB0];
	_ =	sdelay $0x4  }
0xf2: {  	v59 =	vshrl.u32 v3, $0x3  }
0xf3: {  	v4 =	vmul.u32 $0x30, v59  }
0xf4: {  	v3 =	vand.u32 $0x7, v3  }
0xf5: {  	v3 =	vor.u32 v3, v4  }
0xf6: {  	v4 =	vperm.xlane v3, v0;
	_ =	sdelay $0x1  }
0xf7: {  	v4 =	vadd.s32 v1, v4;
	_ =	sdelay $0x3  }
0xf8: {  	v3 =	vperm.xlane v3, v2  }
0xf9: {  	[tilespmem:s31], [sflag:$0x1] =	stream.indirect_vreg.gather [hbm4b:s3+s2], $0x80, v4, vm0, $0xb8;
	[tilespmem:$0x18100] =	vst v63  }
0xfa: {  	s12 =	simm.s32 $0x9900;
	v3 =	vadd.s32 v1, v3  }
0xfb: {  	[tilespmem:s12], [sflag:$0x1] =	stream.indirect_vreg.gather [hbm4b:s5+s2], $0x80, v4, vm0, $0xb8;
	[tilespmem:$0x18100] =	vst v63  }
0xfc: {  	_ = 	snop  }
0xfd: {  	[tilespmem:s1], [sflag:$0x1] =	stream.indirect_vreg.gather [hbm4b:s6+s2], $0x80, v4, vm0, $0xb8;
	[tilespmem:$0x18100] =	vst v63  }
0xfe: {  	_ = 	snop  }
0xff: {  	[tilespmem:s9], [sflag:$0x1] =	stream.indirect_vreg.gather [hbm4b:s3+s2], $0x80, v3, vm0, $0xb8;
	[tilespmem:$0x18100] =	vst v63  }
0x100: {  	s12 =	simm.s32 $0xB100  }
0x101: {  	[tilespmem:s12], [sflag:$0x1] =	stream.indirect_vreg.gather [hbm4b:s5+s2], $0x80, v3, vm0, $0xb8;
	[tilespmem:$0x18100] =	vst v63  }
0x102: {  	s1 =	simm.s32 $0x2  }
0x103: {  	[tilespmem:s10], [sflag:$0x1] =	stream.indirect_vreg.gather [hbm4b:s6+s2], $0x80, v3, vm0, $0xb8;
	[tilespmem:$0x18100] =	vst v63  }
0x104: {  	_ =	swait.ge [sflag:s1], $0xC000  }
0x105: {  	[sflag:s1] =	ssyncset.done $0x0  }
0x106: {  	s7 =	rddreg [dreg:$0x3];
	[sflag:s1] =	ssyncadd.s32 $0xFFFF4000  }
0x107: {  	[hbm4b:s7+s2] =	stream.linear.scatter [tilespmem:s11], [sflag:$0x3], $0xC000, $0x38;
	[tilespmem:$0x18100] =	vst v63  }
0x108: {  	_ =	swait.ge [sflag:s8], $0xC000  }
0x109: {  	[sflag:s8] =	ssyncset.done $0x0  }
0x10a: {  	[sflag:s8] =	ssyncadd.s32 $0xFFFF4000  }
0x10b: {  	v3 =	vld [tilespmem:$0xC0];
	_ =	sdelay $0x4  }
0x10c: {  	v60 =	vshrl.u32 v3, $0x3  }
0x10d: {  	v4 =	vmul.u32 $0x30, v60  }
0x10e: {  	v3 =	vand.u32 $0x7, v3  }
0x10f: {  	v3 =	vor.u32 v3, v4  }
0x110: {  	v4 =	vperm.xlane v3, v0;
	_ =	sdelay $0x1  }
0x111: {  	v4 =	vadd.s32 v1, v4;
	_ =	sdelay $0x3  }
0x112: {  	v3 =	vperm.xlane v3, v2  }
0x113: {  	[tilespmem:s11], [sflag:$0x2] =	stream.indirect_vreg.gather [hbm4b:s3+s2], $0x80, v4, vm0, $0xb8;
	[tilespmem:$0x18100] =	vst v63  }
0x114: {  	s12 =	simm.s32 $0xC900;
	v3 =	vadd.s32 v1, v3  }
0x115: {  	[tilespmem:s12], [sflag:$0x2] =	stream.indirect_vreg.gather [hbm4b:s5+s2], $0x80, v4, vm0, $0xb8;
	[tilespmem:$0x18100] =	vst v63  }
0x116: {  	s12 =	simm.s32 $0xD100  }
0x117: {  	[tilespmem:s12], [sflag:$0x2] =	stream.indirect_vreg.gather [hbm4b:s6+s2], $0x80, v4, vm0, $0xb8;
	[tilespmem:$0x18100] =	vst v63  }
0x118: {  	s12 =	simm.s32 $0xD900  }
0x119: {  	[tilespmem:s12], [sflag:$0x2] =	stream.indirect_vreg.gather [hbm4b:s3+s2], $0x80, v3, vm0, $0xb8;
	[tilespmem:$0x18100] =	vst v63  }
0x11a: {  	s12 =	simm.s32 $0xE100  }
0x11b: {  	[tilespmem:s12], [sflag:$0x2] =	stream.indirect_vreg.gather [hbm4b:s5+s2], $0x80, v3, vm0, $0xb8;
	[tilespmem:$0x18100] =	vst v63  }
0x11c: {  	s12 =	simm.s32 $0xE900  }
0x11d: {  	[tilespmem:s12], [sflag:$0x2] =	stream.indirect_vreg.gather [hbm4b:s6+s2], $0x80, v3, vm0, $0xb8;
	[tilespmem:$0x18100] =	vst v63  }
0x11e: {  	v3 =	vld [tilespmem:$0xD0];
	_ =	sdelay $0x4  }
0x11f: {  	v61 =	vshrl.u32 v3, $0x3  }
0x120: {  	v4 =	vmul.u32 $0x30, v61  }
0x121: {  	v3 =	vand.u32 $0x7, v3  }
0x122: {  	v3 =	vor.u32 v3, v4  }
0x123: {  	v4 =	vperm.xlane v3, v0;
	_ =	sdelay $0x1  }
0x124: {  	v4 =	vadd.s32 v1, v4;
	_ =	sdelay $0x3  }
0x125: {  	s12 =	simm.s32 $0xF100;
	v3 =	vperm.xlane v3, v2  }
0x126: {  	[tilespmem:s12], [sflag:$0x2] =	stream.indirect_vreg.gather [hbm4b:s3+s2], $0x80, v4, vm0, $0xb8;
	[tilespmem:$0x18100] =	vst v63  }
0x127: {  	v3 =	vadd.s32 v1, v3;
	s12 =	simm.s32 $0xF900  }
0x128: {  	[tilespmem:s12], [sflag:$0x2] =	stream.indirect_vreg.gather [hbm4b:s5+s2], $0x80, v4, vm0, $0xb8;
	[tilespmem:$0x18100] =	vst v63  }
0x129: {  	s12 =	simm.s32 $0x10100  }
0x12a: {  	[tilespmem:s12], [sflag:$0x2] =	stream.indirect_vreg.gather [hbm4b:s6+s2], $0x80, v4, vm0, $0xb8;
	[tilespmem:$0x18100] =	vst v63  }
0x12b: {  	s12 =	simm.s32 $0x10900  }
0x12c: {  	[tilespmem:s12], [sflag:$0x2] =	stream.indirect_vreg.gather [hbm4b:s3+s2], $0x80, v3, vm0, $0xb8;
	[tilespmem:$0x18100] =	vst v63  }
0x12d: {  	s12 =	simm.s32 $0x11100  }
0x12e: {  	[tilespmem:s12], [sflag:$0x2] =	stream.indirect_vreg.gather [hbm4b:s5+s2], $0x80, v3, vm0, $0xb8;
	[tilespmem:$0x18100] =	vst v63  }
0x12f: {  	s12 =	simm.s32 $0x11900  }
0x130: {  	[tilespmem:s12], [sflag:$0x2] =	stream.indirect_vreg.gather [hbm4b:s6+s2], $0x80, v3, vm0, $0xb8;
	[tilespmem:$0x18100] =	vst v63  }
0x131: {  	v3 =	vld [tilespmem:$0xE0];
	_ =	sdelay $0x4  }
0x132: {  	v62 =	vshrl.u32 v3, $0x3  }
0x133: {  	v4 =	vmul.u32 $0x30, v62  }
0x134: {  	v3 =	vand.u32 $0x7, v3  }
0x135: {  	v3 =	vor.u32 v3, v4  }
0x136: {  	v4 =	vperm.xlane v3, v0;
	_ =	sdelay $0x1  }
0x137: {  	v4 =	vadd.s32 v1, v4;
	_ =	sdelay $0x3  }
0x138: {  	s12 =	simm.s32 $0x12100;
	v3 =	vperm.xlane v3, v2  }
0x139: {  	[tilespmem:s12], [sflag:$0x2] =	stream.indirect_vreg.gather [hbm4b:s3+s2], $0x80, v4, vm0, $0xb8;
	[tilespmem:$0x18100] =	vst v63  }
0x13a: {  	v3 =	vadd.s32 v1, v3;
	s12 =	simm.s32 $0x12900  }
0x13b: {  	[tilespmem:s12], [sflag:$0x2] =	stream.indirect_vreg.gather [hbm4b:s5+s2], $0x80, v4, vm0, $0xb8;
	[tilespmem:$0x18100] =	vst v63  }
0x13c: {  	s12 =	simm.s32 $0x13100  }
0x13d: {  	[tilespmem:s12], [sflag:$0x2] =	stream.indirect_vreg.gather [hbm4b:s6+s2], $0x80, v4, vm0, $0xb8;
	[tilespmem:$0x18100] =	vst v63  }
0x13e: {  	s12 =	simm.s32 $0x13900  }
0x13f: {  	[tilespmem:s12], [sflag:$0x2] =	stream.indirect_vreg.gather [hbm4b:s3+s2], $0x80, v3, vm0, $0xb8;
	[tilespmem:$0x18100] =	vst v63  }
0x140: {  	s12 =	simm.s32 $0x14100  }
0x141: {  	[tilespmem:s12], [sflag:$0x2] =	stream.indirect_vreg.gather [hbm4b:s5+s2], $0x80, v3, vm0, $0xb8;
	[tilespmem:$0x18100] =	vst v63  }
0x142: {  	s12 =	simm.s32 $0x14900  }
0x143: {  	[tilespmem:s12], [sflag:$0x2] =	stream.indirect_vreg.gather [hbm4b:s6+s2], $0x80, v3, vm0, $0xb8;
	[tilespmem:$0x18100] =	vst v63  }
0x144: {  	v3 =	vld [tilespmem:$0xF0];
	_ =	sdelay $0x4  }
0x145: {  	v63 =	vshrl.u32 v3, $0x3  }
0x146: {  	v4 =	vmul.u32 $0x30, v63  }
0x147: {  	v3 =	vand.u32 $0x7, v3  }
0x148: {  	v3 =	vor.u32 v3, v4  }
0x149: {  	v4 =	vperm.xlane v3, v0;
	_ =	sdelay $0x1  }
0x14a: {  	v4 =	vadd.s32 v1, v4;
	_ =	sdelay $0x3  }
0x14b: {  	s12 =	simm.s32 $0x15100;
	v3 =	vperm.xlane v3, v2  }
0x14c: {  	[tilespmem:s12], [sflag:$0x2] =	stream.indirect_vreg.gather [hbm4b:s3+s2], $0x80, v4, vm0, $0xb8;
	[tilespmem:$0x18100] =	vst v63  }
0x14d: {  	v3 =	vadd.s32 v1, v3;
	s12 =	simm.s32 $0x15900  }
0x14e: {  	[tilespmem:s12], [sflag:$0x2] =	stream.indirect_vreg.gather [hbm4b:s5+s2], $0x80, v4, vm0, $0xb8;
	[tilespmem:$0x18100] =	vst v63  }
0x14f: {  	s12 =	simm.s32 $0x16100  }
0x150: {  	[tilespmem:s12], [sflag:$0x2] =	stream.indirect_vreg.gather [hbm4b:s6+s2], $0x80, v4, vm0, $0xb8;
	[tilespmem:$0x18100] =	vst v63  }
0x151: {  	s12 =	simm.s32 $0x16900  }
0x152: {  	[tilespmem:s12], [sflag:$0x2] =	stream.indirect_vreg.gather [hbm4b:s3+s2], $0x80, v3, vm0, $0xb8;
	[tilespmem:$0x18100] =	vst v63  }
0x153: {  	s12 =	simm.s32 $0x17100  }
0x154: {  	[tilespmem:s12], [sflag:$0x2] =	stream.indirect_vreg.gather [hbm4b:s5+s2], $0x80, v3, vm0, $0xb8;
	[tilespmem:$0x18100] =	vst v63  }
0x155: {  	s12 =	simm.s32 $0x17900  }
0x156: {  	[tilespmem:s12], [sflag:$0x2] =	stream.indirect_vreg.gather [hbm4b:s6+s2], $0x80, v3, vm0, $0xb8;
	[tilespmem:$0x18100] =	vst v63  }
0x157: {  	_ =	swait.ge [sflag:s0], $0xC000  }
0x158: {  	[sflag:s0] =	ssyncset.done $0x0  }
0x159: {  	s7 =	simm.s32 $0x100;
	s12 =	rddreg [dreg:$0x4];
	[sflag:s0] =	ssyncadd.s32 $0xFFFF4000  }
0x15a: {  	[hbm4b:s12+s2] =	stream.linear.scatter [tilespmem:s7], [sflag:$0x3], $0xC000, $0x38;
	[tilespmem:$0x18100] =	vst v63  }
0x15b: {  	_ =	swait.ge [sflag:s8], $0xC000  }
0x15c: {  	[sflag:s8] =	ssyncset.done $0x0  }
0x15d: {  	[sflag:s8] =	ssyncadd.s32 $0xFFFF4000  }
0x15e: {  	_ =	swait.ge [sflag:s1], $0xC000  }
0x15f: {  	p0 =	sne.s32 s4, $0x1;
	[sflag:s1] =	ssyncset.done $0x0  }
.Ltmp0:
0x160: {  	s7 =	rddreg [dreg:$0x5];
	[sflag:s1] =	ssyncadd.s32 $0xFFFF4000;
	(pc) =	sbr.rel @p0 .LBB2_1-.Ltmp0, $4  }
0x161: {  	[hbm4b:s7+s2] =	stream.linear.scatter [tilespmem:s11], [sflag:$0x3], $0xC000, $0x38;
	[tilespmem:$0x18100] =	vst v63  }
0x162: {  	_ =	swait.ge [sflag:s8], $0xC000  }
0x163: {  	[sflag:s8] =	ssyncset.done $0x0  }
0x164: {  	s4 =	sadd.s32 $0xFFFFFFFF, s4;
	[sflag:s8] =	ssyncadd.s32 $0xFFFF4000  }
0x165: {  	_ =	sfence.sel $0x180000  }
0x166: {  	[bflag:$0x0] =	sbarrier.arrive $0xFFFF  }
0x167: {  	_ =	strace $0x90000056  }
0x168: {  	s0 =	stileid.u32;
	[bflag:$0x2] =	sbarrier.arrive $0xFFFF  }
0x169: {  	p0 =	sne.s32 s0, $0x0;
	s0 =	rddreg [dreg:$0x1]  }
0x16a: {  	s0 =	sadd.s32 @!p0 $0x100000, s0  }
0x16b: {  	[sflag:s0] =	ssyncadd.tile.s32 @!p0 $0x1;
	_ =	shalt  }
.Lfunc_end2:
_tile_overlayer_lowered:
.L_overlay_start_2:
0x16c: {  	(tag) =	ssettag $0x2  }
0x16d: {  	s0 =	rddreg [dreg:$0x0];
	s2 =	stileid.u32  }
0x16e: {  	s1 =	rddreg [dreg:$0x1];
	p0 =	sne.s32 s2, $0x0  }
0x16f: {  	s3 =	rddreg [dreg:$0x2];
	[bflag:$0x3] =	sbarrier.arrive $0xFFFF;
	s2 =	simm.s32 @!p0 $0x1C03  }
0x170: {  	[timem:s3], [sflag:s2] =	dma.local @!p0 [hbm:s0], s1  }
0x171: {  	s0 =	simm.s32 @!p0 $0x3  }
0x172: {  	_ =	swait.ge @!p0 [sflag:s0], s1  }
0x173: {  	s1 =	ssub.s32 @!p0 $0x0, s1;
	[sflag:s0] =	ssyncset.done @!p0 $0x0  }
0x174: {  	[sflag:s0] =	ssyncadd.s32 @!p0 s1  }
0x175: {  	[bflag:$0x3] =	sbarrier.arrive $0xFFFF  }
0x176: {  	_ =	shalt  }

// kernel: scatter_offload_async_start
scs
__scs_entry_jumppad:
0x0: {  	(pc) =	sbr.rel $0x88, $3  }
0x1: {  	(tag) =	ssettag $0x0;
	lr =	simm.s32 $0x1  }
0x2: {  	[smem:$0x3F99] =	sst lr;
	_ =	strace $0xD0000000  }
0x3: {  	_ = 	snop  }
0x4: {  	_ = 	snop  }
0x5: {  	_ = 	snop  }
0x6: {  	_ = 	snop  }
0x7: {  	_ = 	snop  }
__scs_overlays_trampoline_lowered:
0x8: {  	[smem:$0x3FA8] =	sst s0  }
0x9: {  	[smem:$0x3FA9] =	sst s1  }
0xa: {  	[smem:$0x3FAA] =	sst s2  }
0xb: {  	[smem:$0x3FAB] =	sst s3  }
0xc: {  	[smem:$0x3FAC] =	sst s4  }
0xd: {  	[smem:$0x3FAD] =	sst s5  }
0xe: {  	[smem:$0x3FAE] =	sst s6  }
0xf: {  	[smem:$0x3FAF] =	sst s7  }
0x10: {  	[smem:$0x3FB0] =	sst s8  }
0x11: {  	[smem:$0x3FB1] =	sst s9;
	s0 =	simm.s32 @!p0 $0x0  }
0x12: {  	s1 =	sld [smem:$0x3F97];
	s0 =	simm.s32 @p0 $0x1  }
0x13: {  	[smem:$0x3FB2] =	sst s0;
	s0 =	simm.s32 @!p1 $0x0  }
0x14: {  	s2 =	sld [smem:$0x3F96];
	s0 =	simm.s32 @p1 $0x1  }
0x15: {  	[smem:$0x3FB3] =	sst s0;
	s0 =	simm.s32 @!p2 $0x0  }
0x16: {  	s3 =	sld [smem:$0x3FDB];
	s0 =	simm.s32 @p2 $0x1  }
0x17: {  	s4 =	simm.s32 $0x1BF5;
	[smem:$0x3FB5] =	sst s0  }
0x18: {  	s0 =	sld [smem:$0x3F98];
	_ =	swait.ge [sflag:s4], $0x0  }
0x19: {  	s7 =	sld [smem:$0x3F99]  }
0x1a: {  	s8 =	sadd.s32 $0xFFFFE003, lr  }
0x1b: {  	s9 =	sadd.s32 $0xFFFFFEF7, lr;
	s5 =	simm.s32 $0xFFFFFFFF;
	p2 =	slt.u32 s8, $0xFFFFF086  }
0x1c: {  	p1 =	slt.u32 s9, $0xF7A;
	s5 =	simm.s32 @!p2 $0x0  }
0x1d: {  	s5 =	simm.s32 @p1 $0x1;
	p0 =	seq.s32 s7, s2  }
0x1e: {  	s7 =	smul.u32 @!p0 $0xF7A, s2;
	p2 =	seq.s32 @!p0 s5, $0x0  }
0x1f: {  	s9 =	smul.u32 $0xF7A, s1;
	s8 =	simm.s32 @!p0 $0x1BF5;
	p2 =	por !p2, p0  }
0x20: {  	[sflag:s8] =	ssyncset.s32 @!p0 $0xFFFFF086;
	s6 =	sadd.s32 @!p0 s3, s7;
	s7 =	simm.s32 @!p0 $0x108  }
0x21: {  	s3 =	sadd.s32 s3, s9;
	s6 =	sadd.s32 @!p0 $0x88, s6;
	s7 =	simm.s32 @p2 $0x1082  }
0x22: {  	[simem:s7], [sflag:s8] =	dma.local @!p0 [hbm:s6], $0xF7A  }
0x23: {  	s9 =	sor.u32 $0xD0000000, s2;
	s6 =	simm.s32 $0x108;
	_ =	swait.ge @!p0 [sflag:s8], $0x0  }
0x24: {  	s3 =	sadd.s32 $0x88, s3;
	s6 =	simm.s32 @!p1 $0x1082;
	[sflag:s4] =	ssyncset.s32 $0xFFFFF086  }
0x25: {  	[simem:s6], [sflag:s4] =	dma.local [hbm:s3], $0xF7A  }
0x26: {  	[smem:$0x3F99] =	sst s1;
	(tag) =	ssettag s2;
	_ =	strace s9  }
0x27: {  	s1 =	sld [smem:$0x3FA9]  }
0x28: {  	s2 =	sld [smem:$0x3FAA]  }
0x29: {  	s4 =	sld [smem:$0x3FAC]  }
0x2a: {  	p0 =	seq.s32 s5, $0x0;
	s5 =	sld [smem:$0x3FAD]  }
0x2b: {  	s6 =	sld [smem:$0x3FAE]  }
0x2c: {  	s7 =	sld [smem:$0x3FAF]  }
0x2d: {  	s3 =	simm.s32 $0x108;
	s8 =	sld [smem:$0x3FB0]  }
0x2e: {  	s3 =	simm.s32 @!p0 $0x1082;
	s9 =	sld [smem:$0x3FB1]  }
0x2f: {  	lr =	sadd.s32 s0, s3;
	s0 =	sld [smem:$0x3FA8]  }
0x30: {  	s3 =	sld [smem:$0x3FAB]  }
0x31: {  	[smem:$0x3FB4] =	sst s10  }
0x32: {  	s10 =	sld [smem:$0x3FB2];
	_ =	sdelay $0x3  }
0x33: {  	p0 =	seq.s32 s10, $0x1;
	s10 =	sld [smem:$0x3FB4];
	_ =	sdelay $0x3  }
0x34: {  	[smem:$0x3FB4] =	sst s10  }
0x35: {  	s10 =	sld [smem:$0x3FB3];
	_ =	sdelay $0x3  }
0x36: {  	p1 =	seq.s32 s10, $0x1;
	s10 =	sld [smem:$0x3FB4];
	_ =	sdelay $0x3  }
0x37: {  	[smem:$0x3FB4] =	sst s10  }
0x38: {  	s10 =	sld [smem:$0x3FB5]  }
0x39: {  	_ = 	snop;
	(pc) =	sbr.ind lr, $3  }
0x3a: {  	_ = 	snop  }
0x3b: {  	_ = 	snop  }
0x3c: {  	p2 =	seq.s32 s10, $0x1;
	s10 =	sld [smem:$0x3FB4]  }
0x3d: {  	_ =	shalt  }
0x3e: {  	_ =	shalt  }
0x3f: {  	_ =	shalt  }
0x40: {  	_ =	shalt  }
0x41: {  	_ =	shalt  }
0x42: {  	_ =	shalt  }
0x43: {  	_ =	shalt  }
0x44: {  	_ =	shalt  }
0x45: {  	_ =	shalt  }
0x46: {  	_ =	shalt  }
0x47: {  	_ =	shalt  }
0x48: {  	_ =	shalt  }
0x49: {  	_ =	shalt  }
0x4a: {  	_ =	shalt  }
0x4b: {  	_ =	shalt  }
0x4c: {  	_ =	shalt  }
0x4d: {  	_ =	shalt  }
0x4e: {  	_ =	shalt  }
0x4f: {  	_ =	shalt  }
0x50: {  	_ =	shalt  }
0x51: {  	_ =	shalt  }
0x52: {  	_ =	shalt  }
0x53: {  	_ =	shalt  }
0x54: {  	_ =	shalt  }
0x55: {  	_ =	shalt  }
0x56: {  	_ =	shalt  }
0x57: {  	_ =	shalt  }
0x58: {  	_ =	shalt  }
0x59: {  	_ =	shalt  }
0x5a: {  	_ =	shalt  }
0x5b: {  	_ =	shalt  }
0x5c: {  	_ =	shalt  }
0x5d: {  	_ =	shalt  }
0x5e: {  	_ =	shalt  }
0x5f: {  	_ =	shalt  }
0x60: {  	_ =	shalt  }
0x61: {  	_ =	shalt  }
0x62: {  	_ =	shalt  }
0x63: {  	_ =	shalt  }
0x64: {  	_ =	shalt  }
0x65: {  	_ =	shalt  }
0x66: {  	_ =	shalt  }
0x67: {  	_ =	shalt  }
0x68: {  	_ =	shalt  }
0x69: {  	_ =	shalt  }
0x6a: {  	_ =	shalt  }
0x6b: {  	_ =	shalt  }
0x6c: {  	_ =	shalt  }
0x6d: {  	_ =	shalt  }
0x6e: {  	_ =	shalt  }
0x6f: {  	_ =	shalt  }
0x70: {  	_ =	shalt  }
0x71: {  	_ =	shalt  }
0x72: {  	_ =	shalt  }
0x73: {  	_ =	shalt  }
0x74: {  	_ =	shalt  }
0x75: {  	_ =	shalt  }
0x76: {  	_ =	shalt  }
0x77: {  	_ =	shalt  }
0x78: {  	_ =	shalt  }
0x79: {  	_ =	shalt  }
0x7a: {  	_ =	shalt  }
0x7b: {  	_ =	shalt  }
0x7c: {  	_ =	shalt  }
0x7d: {  	_ =	shalt  }
0x7e: {  	_ =	shalt  }
0x7f: {  	_ =	shalt  }
0x80: {  	_ =	shalt  }
0x81: {  	_ =	shalt  }
0x82: {  	_ =	shalt  }
0x83: {  	_ =	shalt  }
0x84: {  	_ =	shalt  }
0x85: {  	_ =	shalt  }
0x86: {  	_ =	shalt  }
0x87: {  	_ =	shalt  }
.Lfunc_end0:
.L_simem_size_0:
called_computation_lowered:
.L_overlay_start_0:
0x88: {  	s0 =	sld [smem:$0x3FD9]  }
0x89: {  	s1 =	sld [smem:$0x3FFE];
	_ =	sdelay $0x3  }
0x8a: {  	s0 =	sadd.s32 s1, s0  }
0x8b: {  	[smem:$0x3FC0] =	sst s0  }
0x8c: {  	_ = 	snop  }
0x8d: {  	(tm) =	ssettm $0x1  }
0x8e: {  	s15 =	sld [smem:$0x3FFB];
	_ =	sdelay $0x3  }
0x8f: {  	_ =	strace s15  }
0x90: {  	s0 =	sld [smem:$0x3FFC];
	_ =	sdelay $0x3  }
0x91: {  	_ =	strace s0  }
0x92: {  	s0 =	sld [smem:$0x3FFD];
	_ =	sdelay $0x3  }
0x93: {  	_ =	strace s0  }
0x94: {  	_ =	strace $0x8FFFFFFF  }
0x95: {  	s16 =	sld [smem:$0x3FDB];
	_ =	sdelay $0x1  }
0x96: {  	s17 =	simm.s32 $_scs_section_size  }
0x97: {  	s2 =	simm.s32 $_size__tile_overlayer_lowered;
	s3 =	simm.s32 $_tile_overlayer_lowered  }
0x98: {  	s20 =	simm.s32 $0x1BFF;
	s19 =	sshll.u32 s3, $0x1;
	s0 =	sadd.s32 s17, s16  }
0x99: {  	s4 =	simm.s32 $0x0;
	s18 =	sshll.u32 s2, $0x1;
	s2 =	sadd.s32 s19, s0  }
0x9a: {  	[timem:s4], [sflag:s20] =	dma.local [hbm:s2], s18  }
0x9b: {  	_ =	swait.ge [sflag:s20], s18  }
0x9c: {  	s1 =	ssub.s32 $0x0, s18;
	[sflag:s20] =	ssyncset.done $0x0  }
0x9d: {  	[sflag:s20] =	ssyncadd.s32 s1;
	_ =	sdelay $0x1  }
0x9e: {  	s21 =	simm.s32 $0x1B8B  }
0x9f: {  	_ =	swait.ge [sflag:s21], $0x1  }
0xa0: {  	[sflag:s21] =	ssyncset.done $0x0  }
0xa1: {  	s23 =	simm.s32 $0x1B8E;
	s22 =	sld [smem:$0x3FFE];
	[sflag:s21] =	ssyncadd.s32 $0xFFFFFFFF  }
0xa2: {  	s24 =	simm.s32 $execute0_lowered;
	[smem:$0x3FD2] =	sst s23  }
0xa3: {  	s2 =	sshll.u32 s24, $0x1;
	_ =	strace $0x80000049;
	[dreg:$0x1] =	wrdreg $0xFFFFFFFF  }
0xa4: {  	s25 =	simm.s32 $_size_execute0_lowered;
	s0 =	sadd.s32 s0, s2;
	[dreg:$0x0] =	wrdreg $0x0  }
0xa5: {  	s2 =	sshll.u32 s25, $0x1;
	[dreg:$0x2] =	wrdreg s0  }
0xa6: {  	[dreg:$0x3] =	wrdreg s2  }
0xa7: {  	[dreg:$0x4] =	wrdreg $0xC0  }
0xa8: {  	_ =	task [dreg:s4], $0x5FFFF  }
0xa9: {  	[dreg:$0x1] =	wrdreg $0xFFFFFFFF  }
0xaa: {  	[dreg:$0x0] =	wrdreg $0x60  }
0xab: {  	[dreg:$0x2] =	wrdreg s22  }
0xac: {  	[dreg:$0x3] =	wrdreg $0x9  }
0xad: {  	_ =	task.clear_ibuf [dreg:s4], $0x4FFFF;
	_ =	strace $0x90000049  }
0xae: {  	s26 =	simm.s32 $0x9;
	_ =	strace $0x8000004B  }
0xaf: {  	_ =	swait.ge [sflag:s26], $0x1  }
0xb0: {  	[sflag:s26] =	ssyncadd.s32 $0xFFFFFFFF  }
0xb1: {  	_ =	strace $0x9000004B  }
0xb2: {  	_ =	sfence  }
0xb3: {  	s28 =	sld [smem:$0x0];
	_ =	sdelay $0x1  }
0xb4: {  	s29 =	srdreg.scid  }
0xb5: {  	s30 =	sshll.u32 s29, $0xD;
	s31 =	sshrl.u32 s29, $0x2  }
0xb6: {  	s1 =	sand.u32 $0x1, s29;
	s2 =	sand.u32 $0x4000, s30;
	s0 =	sadd.s32 s31, s28  }
0xb7: {  	s1 =	sor.u32 s2, s1;
	s0 =	sshll.u32 s0, $0x11  }
0xb8: {  	s0 =	sor.u32 s0, s1  }
0xb9: {  	s0 =	sadd.s32 $0x8F2B, s0  }
0xba: {  	[sflag:s0] =	ssyncadd.remote.s32 $0x1  }
0xbb: {  	_ =	sfence.sel $0xFFFF  }
0xbc: {  	[dreg:$0x0] =	wrdreg $0xFFFFFFFF;
	(pc) =	sbr.abs _section_cstart, $3  }
0xbd: {  	[dreg:$0x1] =	wrdreg $0xFFFFFFFF  }
0xbe: {  	_ =	task.clear_ibuf [dreg:s4], $0x2FFFF;
	_ =	strace $0x9FFFFFFF  }
0xbf: {  	(tm) =	ssettm $0x7FFFFFFF  }
tec
execute0_lowered:
.L_overlay_start_1:
0x0: {  	(tag) =	ssettag $0x1  }
0x1: {  	s4 =	rddreg [dreg:$0x0]  }
0x2: {  	s0 =	rddreg [dreg:$0x1];
	_ =	strace $0x8000004A;
	s3 =	stileid.u32  }
0x3: {  	s6 =	simm.s32 $0x3E;
	s1 =	sadd.s32 $0x11200, s4;
	p0 =	sne.s32 s3, $0x0  }
0x4: {  	[sflag:s6] =	ssyncpa.u1 $0x0;
	s31 =	smin.u32 s3, $0x4;
	p1 =	slt.u32 s3, $0x4  }
0x5: {  	s3 =	simm.s32 $0x10;
	s5 =	simm.s32 @!p0 $0x1C3E;
	s2 =	simm.s32 @!p0 $0x0  }
0x6: {  	[spmem:s2], [sflag:s5] =	dma.local @!p0 [hbm:s1], $0x10  }
0x7: {  	s3 =	simm.s32 @!p1 $0x0;
	s5 =	sshll.u32 s31, $0x4  }
0x8: {  	s3 =	sadd.s32 s3, s5  }
0x9: {  	s9 =	smin.u32 s3, $0x40  }
0xa: {  	s8 =	ssub.s32 s9, s5  }
0xb: {  	p1 =	sgt.s32 s8, $0x0  }
0xc: {  	s7 =	simm.s32 @!p0 $0x3E;
	s8 =	simm.s32 @!p1 $0x0  }
0xd: {  	_ =	swait.ge @!p0 [sflag:s7], $0x10;
	s10 =	sshrl.u32 s8, $0x4  }
0xe: {  	[sflag:s7] =	ssyncset.done @!p0 $0x0;
	s11 =	sadd.s32 $0x1, s10  }
0xf: {  	p3 =	por $0x0, $0x0;
	[sflag:s7] =	ssyncadd.s32 @!p0 $0xFFFFFFF0;
	p1 =	sne.s32 s11, $0x1  }
.Ltmp0:
0x10: {  	s3 =	simm.s32 $0x1;
	[bflag:$0x0] =	sbarrier.arrive $0xFFFF;
	(pc) =	sbr.rel @!p1 .LBB2_1-.Ltmp0, $4  }
0x11: {  	s7 =	sadd.s32 $0x11000, s4;
	[sflag:s6] =	ssyncpa.u1 $0x1;
	s6 =	sadd.s32 $0x11400, s4  }
0x12: {  	s4 =	simm.s32 $0x2;
	s8 =	simm.s32 $0x0;
	p2 =	sle.u32 s10, $0x0  }
0x13: {  	[sflag:s3] =	ssyncpa.u1 $0x0;
	(ifvalue) =	ssetifvalue $0x80;
	s12 =	sxor.u32 @!p2 $0xFFFFFFFF, s8  }
0x14: {  	[sflag:s4] =	ssyncpa.u1 $0x0;
	s15 =	sshrl.u32 @!p2 s5, $0x3;
	s16 =	sand.u32 @!p2 $0x10, s12  }
0x15: {  	s12 =	sadd.s32 @!p2 s7, s15  }
0x16: {  	s13 =	sor.u32 @!p2 $0x8, s16;
	s14 =	sand.u32 @!p2 $0x7, s5;
	p1 =	por $0x1, $0x1  }
0x17: {  	[tilespmem:s13], [sflag:$0x2] =	stream.linear.gather @!p2 [hbm4b:s12+s14], $0x10, $0x38;
	[tilespmem:$0x48] =	vst v63  }
0x18: {  	s15 =	sadd.s32 @!p2 s6, s15;
	s12 =	sor.u32 @!p2 $0x28, s16;
	s13 =	simm.s32 @!p1 $0x2  }
0x19: {  	[tilespmem:s12], [sflag:$0x2] =	stream.linear.gather @!p2 [hbm4b:s15+s14], $0x10, $0x38;
	[tilespmem:$0x48] =	vst v63  }
0x1a: {  	_ =	swait.ge @!p1 [sflag:s13], $0x20  }
0x1b: {  	s8 =	sand.u32 @!p1 $0x10, s8;
	[sflag:s13] =	ssyncset.done @!p1 $0x0  }
0x1c: {  	s12 =	sor.u32 @!p1 $0x8, s8;
	[sflag:s13] =	ssyncadd.s32 @!p1 $0xFFFFFFE0  }
0x1d: {  	v0 =	vld.msk @!p1 [tilespmem:s12+$0x0 ss:$0x1], $0xffff;
	_ =	sdelay $0x3  }
0x1e: {  	p4 =	sne.s32 s11, $0x2  }
.Ltmp1:
0x1f: {  	s18 =	simm.s32 @!p1 $0x0;
	s17 =	simm.s32 @!p1 $0x1;
	v0 =	vmin.u32 @!p1 v0, $0x80;
	(pc) =	sbr.rel @!p4 .LBB2_3-.Ltmp1, $4  }
0x20: {  	s15 =	sadd.s32 $0x10, s5;
	p2 =	sle.u32 s10, $0x1;
	s14 =	smov.u32 s5  }
0x21: {  	p3 =	slt.s32 s15, s9;
	s13 =	sor.u32 @!p1 $0x28, s8;
	s8 =	simm.s32 $0x10  }
0x22: {  	s14 =	smov.u32 @p3 s15;
	p3 =	por $0x1, $0x1;
	s16 =	sxor.u32 @!p2 $0xFFFFFFFF, s8  }
0x23: {  	vm0 =	vmmov @!p1 $0xffff;
	s15 =	sshrl.u32 @!p2 s14, $0x3;
	s12 =	simm.s32 $0x2;
	s16 =	sand.u32 @!p2 $0x10, s16  }
.LBB2_4:
0x24: {  	[spmem:s18] =	stream.indirect_vreg.scatter.add.s32 @!p1 [tilespmem:s13], [sflag:$0x1], $0x1, v0, vm0, $0x4038;
	[tilespmem:$0x48] =	vst v63  }
0x25: {  	s13 =	sadd.s32 @!p2 s7, s15;
	s18 =	sor.u32 @!p2 $0x8, s16;
	_ =	swait.ge @!p1 [sflag:s17], $0x10  }
0x26: {  	s19 =	smov.u32 s12;
	s12 =	sadd.s32 $0x1, s12;
	[sflag:s17] =	ssyncset.done @!p1 $0x0  }
0x27: {  	s20 =	sand.u32 @!p2 $0x7, s14;
	[sflag:s17] =	ssyncadd.s32 @!p1 $0xFFFFFFF0;
	p1 =	seq.s32 s8, $0x0  }
0x28: {  	[tilespmem:s18], [sflag:$0x2] =	stream.linear.gather @!p2 [hbm4b:s13+s20], $0x10, $0x38;
	[tilespmem:$0x48] =	vst v63  }
0x29: {  	s16 =	sor.u32 @!p2 $0x28, s16;
	s17 =	simm.s32 @!p1 $0x2;
	s13 =	sand.u32 @!p1 $0x10, s8  }
0x2a: {  	s15 =	sadd.s32 @!p2 s6, s15;
	s18 =	sor.u32 @!p1 $0x8, s13;
	s13 =	sor.u32 @!p1 $0x28, s13  }
0x2b: {  	[tilespmem:s16], [sflag:$0x2] =	stream.linear.gather @!p2 [hbm4b:s15+s20], $0x10, $0x38;
	[tilespmem:$0x48] =	vst v63  }
0x2c: {  	p4 =	sne.s32 s11, s12;
	_ =	swait.ge @!p1 [sflag:s17], $0x20  }
0x2d: {  	[sflag:s17] =	ssyncset.done @!p1 $0x0  }
0x2e: {  	[sflag:s17] =	ssyncadd.s32 @!p1 $0xFFFFFFE0  }
0x2f: {  	v0 =	vld.msk @!p1 [tilespmem:s18+$0x0 ss:$0x1], $0xffff;
	_ =	sdelay $0x5  }
.Ltmp2:
0x30: {  	s8 =	sadd.s32 $0x10, s8;
	v0 =	vmin.u32 @!p1 v0, $0x80;
	(pc) =	sbr.rel @p4 .LBB2_4-.Ltmp2, $4  }
0x31: {  	vm0 =	vmmov @!p1 $0xffff;
	s15 =	sadd.s32 $0x10, s14;
	p2 =	sge.u32 s19, s10;
	s18 =	simm.s32 @!p1 $0x0  }
0x32: {  	s14 =	smov.u32 s5;
	p5 =	slt.s32 s15, s9;
	s17 =	simm.s32 @!p1 $0x1  }
0x33: {  	s16 =	sxor.u32 @!p2 $0xFFFFFFFF, s8;
	s14 =	smov.u32 @p5 s15  }
0x34: {  	s16 =	sand.u32 @!p2 $0x10, s16;
	s15 =	sshrl.u32 @!p2 s14, $0x3  }
0x35: {  	s5 =	smov.u32 s14  }
.LBB2_6:
0x36: {  	_ =	sdelay $0x2  }
0x37: {  	p3 =	por p1, !p3  }
0x38: {  	[spmem:s18] =	stream.indirect_vreg.scatter.add.s32 @!p3 [tilespmem:s13], [sflag:$0x1], $0x1, v0, vm0, $0x4038;
	[tilespmem:$0x48] =	vst v63  }
0x39: {  	_ =	swait.ge @!p3 [sflag:s17], $0x10  }
0x3a: {  	s7 =	sadd.s32 @!p2 s7, s15;
	s9 =	sor.u32 @!p2 $0x8, s16;
	[sflag:s17] =	ssyncset.done @!p3 $0x0  }
0x3b: {  	s5 =	sand.u32 @!p2 $0x7, s5;
	p1 =	seq.s32 s8, $0x0;
	[sflag:s17] =	ssyncadd.s32 @!p3 $0xFFFFFFF0  }
0x3c: {  	[tilespmem:s9], [sflag:$0x2] =	stream.linear.gather @!p2 [hbm4b:s7+s5], $0x10, $0x38;
	[tilespmem:$0x48] =	vst v63  }
0x3d: {  	s6 =	sadd.s32 @!p2 s6, s15;
	s7 =	sor.u32 @!p2 $0x28, s16;
	s9 =	simm.s32 @!p1 $0x2  }
0x3e: {  	[tilespmem:s7], [sflag:$0x2] =	stream.linear.gather @!p2 [hbm4b:s6+s5], $0x10, $0x38;
	[tilespmem:$0x48] =	vst v63  }
0x3f: {  	_ =	swait.ge @!p1 [sflag:s9], $0x20  }
0x40: {  	s5 =	sand.u32 @!p1 $0x10, s8;
	[sflag:s9] =	ssyncset.done @!p1 $0x0  }
0x41: {  	s6 =	sor.u32 @!p1 $0x8, s5;
	[sflag:s9] =	ssyncadd.s32 @!p1 $0xFFFFFFE0  }
0x42: {  	v0 =	vld.msk @!p1 [tilespmem:s6+$0x0 ss:$0x1], $0xffff;
	_ =	sdelay $0x4  }
0x43: {  	v0 =	vmin.u32 @!p1 v0, $0x80;
	_ =	sdelay $0x3  }
0x44: {  	vm0 =	vmmov @!p1 $0xffff;
	s7 =	simm.s32 @!p1 $0x1;
	s5 =	sor.u32 @!p1 $0x28, s5;
	s6 =	simm.s32 @!p1 $0x0  }
0x45: {  	[spmem:s6] =	stream.indirect_vreg.scatter.add.s32 @!p1 [tilespmem:s5], [sflag:$0x1], $0x1, v0, vm0, $0x4038;
	[tilespmem:$0x48] =	vst v63  }
0x46: {  	_ =	swait.ge @!p1 [sflag:s7], $0x10  }
0x47: {  	[sflag:s7] =	ssyncset.done @!p1 $0x0  }
0x48: {  	[sflag:s7] =	ssyncadd.s32 @!p1 $0xFFFFFFF0  }
0x49: {  	_ =	sfence.sel $0x180000  }
0x4a: {  	[bflag:$0x0] =	sbarrier.arrive $0xFFFF  }
0x4b: {  	[sflag:s4] =	ssyncpa.u1 $0x1  }
0x4c: {  	[sflag:s3] =	ssyncpa.u1 $0x1  }
0x4d: {  	_ =	sfence.stream.spmem  }
0x4e: {  	s31 =	simm.s32 $0x3D;
	[bflag:$0x0] =	sbarrier.arrive $0xFFFF  }
0x4f: {  	s3 =	simm.s32 @p0 $0x3D;
	[sflag:s31] =	ssyncpa.u1 $0x0  }
0x50: {  	[sflag:s3] =	ssyncpa.u1 @p0 $0x1  }
0x51: {  	[bflag:$0x0] =	sbarrier.arrive @p0 $0xFFFF  }
0x52: {  	_ =	strace @p0 $0x9000004A  }
0x53: {  	s3 =	simm.s32 @!p0 $0x1C3D;
	[bflag:$0x2] =	sbarrier.arrive @p0 $0xFFFF  }
0x54: {  	[hbm:s1], [sflag:s3] =	dma.local @!p0 [spmem:s2], $0x10  }
0x55: {  	s1 =	simm.s32 @!p0 $0x3D  }
0x56: {  	_ =	swait.ge @!p0 [sflag:s1], $0x10  }
0x57: {  	[sflag:s1] =	ssyncset.done @!p0 $0x0  }
0x58: {  	[sflag:s1] =	ssyncadd.s32 @!p0 $0xFFFFFFF0  }
0x59: {  	[sflag:s1] =	ssyncpa.u1 @!p0 $0x1  }
0x5a: {  	[bflag:$0x0] =	sbarrier.arrive @!p0 $0xFFFF  }
0x5b: {  	_ =	strace @!p0 $0x9000004A  }
0x5c: {  	s0 =	sadd.s32 @!p0 $0x100000, s0;
	[bflag:$0x2] =	sbarrier.arrive @!p0 $0xFFFF  }
0x5d: {  	[sflag:s0] =	ssyncadd.tile.s32 @!p0 $0x1;
	_ =	shalt  }
.LBB2_1:
.Ltmp3:
0x5e: {  	(pc) =	sbr.rel .LBB2_6-.Ltmp3, $2  }
0x5f: {  	_ =	sdelay $0x2  }
0x60: {  	_ = 	snop  }
.LBB2_3:
.Ltmp4:
0x61: {  	(pc) =	sbr.rel .LBB2_6-.Ltmp4, $2  }
0x62: {  	_ =	sdelay $0x2  }
0x63: {  	s5 =	smov.u32 s14  }
.Lfunc_end2:
_tile_overlayer_lowered:
.L_overlay_start_2:
0x64: {  	(tag) =	ssettag $0x2  }
0x65: {  	s0 =	rddreg [dreg:$0x0];
	s2 =	stileid.u32  }
0x66: {  	s1 =	rddreg [dreg:$0x1];
	p0 =	sne.s32 s2, $0x0  }
0x67: {  	s3 =	rddreg [dreg:$0x2];
	[bflag:$0x3] =	sbarrier.arrive $0xFFFF;
	s2 =	simm.s32 @!p0 $0x1C01  }
0x68: {  	[timem:s3], [sflag:s2] =	dma.local @!p0 [hbm:s0], s1  }
0x69: {  	s0 =	simm.s32 @!p0 $0x1  }
0x6a: {  	_ =	swait.ge @!p0 [sflag:s0], s1  }
0x6b: {  	s1 =	ssub.s32 @!p0 $0x0, s1;
	[sflag:s0] =	ssyncset.done @!p0 $0x0  }
0x6c: {  	[sflag:s0] =	ssyncadd.s32 @!p0 s1  }
0x6d: {  	[bflag:$0x3] =	sbarrier.arrive $0xFFFF  }
0x6e: {  	_ =	shalt  }

</sc_bundles>
